<compile_context>
chip_gen: v7x
topology: tpu7x:2x2x1
jax: 0.10.2.dev20260603
libtpu: 0.0.44.dev20260713+nightly
codegen_flags: <defaults>
</compile_context>

<pallas_src>
import jax
import jax.numpy as jnp
from jax import lax
from jax.experimental import pallas as pl
from jax.experimental.pallas import tpu as pltpu
from jax.experimental.pallas import tpu_sc as plsc

_B, _S, _D = 4, 8192, 1024
_NC, _NS = 2, 16
_K = 8
_NVEC = _K * _D // 16
_XROWS = _B * _S
_EROWS = _S
_SR0, _SR1 = 304, 208
_S0 = _NS * _SR0


def _sc_body(x_hbm, e_hbm, o_hbm,
             xb0, xb1, xb2, xb3, ob0, ob1, ob2, ob3, eb0, eb1,
             slx0, slx1, slx2, slx3, sst0, sst1, sst2, sst3, sle0, sle1):
    cid = lax.axis_index("c")
    sid = lax.axis_index("s")
    is0 = cid == 0
    sbase = jnp.where(is0, sid * _SR0, _S0 + sid * _SR1)
    nch = jnp.where(is0, _SR0 // _K, _SR1 // _K)

    xb = (xb0, xb1, xb2, xb3)
    ob = (ob0, ob1, ob2, ob3)
    eb = (eb0, eb1)
    slx = (slx0, slx1, slx2, slx3)
    sst = (sst0, sst1, sst2, sst3)
    sle = (sle0, sle1)

    def xrow(ci, b):
        return jnp.minimum(b * _S + sbase + ci * _K, _XROWS - _K)

    def erow(ci):
        return jnp.minimum(sbase + ci * _K, _EROWS - _K)

    def issue_xload(ci, b):
        pltpu.async_copy(x_hbm.at[pl.ds(xrow(ci, b), _K)], xb[b], slx[b])

    def wait_xload(ci, b):
        pltpu.make_async_copy(x_hbm.at[pl.ds(xrow(ci, b), _K)], xb[b], slx[b]).wait()

    def issue_eload(ci, pe):
        pltpu.async_copy(e_hbm.at[pl.ds(erow(ci), _K)], eb[pe], sle[pe])

    def wait_eload(ci, pe):
        pltpu.make_async_copy(e_hbm.at[pl.ds(erow(ci), _K)], eb[pe], sle[pe]).wait()

    def compute(b, pe):
        xr, er, orr = xb[b], eb[pe], ob[b]

        @plsc.parallel_loop(0, _NVEC, unroll=8)
        def _vec(j):
            i = j >> 6
            c = pl.multiple_of((j & 63) << 4, 16)
            orr[i, pl.ds(c, 16)] = xr[i, pl.ds(c, 16)] + er[i, pl.ds(c, 16)]

    def issue_store(ci, b):
        pltpu.async_copy(ob[b], o_hbm.at[pl.ds(xrow(ci, b), _K)], sst[b])

    def wait_store(ci, b):
        pltpu.make_async_copy(ob[b], o_hbm.at[pl.ds(xrow(ci, b), _K)], sst[b]).wait()

    def do_chunk(ci, pe, first):
        for b in range(_B):
            wait_xload(ci, b)
            if b == 0:
                wait_eload(ci, pe)
            if not first:
                wait_store(ci - 1, b)
            compute(b, pe)
            issue_store(ci, b)
            issue_xload(ci + 1, b)
        issue_eload(ci + 2, pe)

    issue_eload(0, 0)
    issue_eload(1, 1)
    for b in range(_B):
        issue_xload(0, b)
    do_chunk(0, 0, True)
    do_chunk(1, 1, False)

    @pl.loop(1, nch // 2)
    def _pipe(i0):
        do_chunk(i0 * 2, 0, False)
        do_chunk(i0 * 2 + 1, 1, False)

    for b in range(_B):
        wait_store(nch - 1, b)
        wait_xload(nch, b)
    wait_eload(nch, 0)
    wait_eload(nch + 1, 1)


def kernel(x, emb_weight):
    mesh = plsc.VectorSubcoreMesh(core_axis_name="c", subcore_axis_name="s")
    k = pl.kernel(
        _sc_body,
        out_type=jax.ShapeDtypeStruct((_XROWS, _D), jnp.float32),
        mesh=mesh,
        compiler_params=pltpu.CompilerParams(use_tc_tiling_on_sc=True),
        scratch_types=(
            [pltpu.VMEM((_K, _D), jnp.float32) for _ in range(10)]
            + [pltpu.SemaphoreType.DMA for _ in range(10)]
        ),
    )
    out = k(x.reshape(_XROWS, _D), emb_weight)
    return out.reshape(x.shape)

# --- scband reference (transcript-rebuilt; emitter-appended) ---
"""Pipeline reference for scband-additive-positional-embedding-71227737637559 (READ-ONLY COPY).

The authoritative reference and input builder live on the scoring server;
editing this copy changes nothing except your own understanding.
"""

import jax, jax.numpy as jnp
import numpy as np

CONTEXT_SIZE = 8192
EMBED_DIM = 1024

def setup_inputs(seed: int = 0) -> dict:
    key = jax.random.key(seed)
    k_x, k_w = jax.random.split(key)
    x = jax.random.normal(k_x, (4, 8192, 1024), dtype=jnp.float32)
    # nn.Embedding weight: N(0, 1) init, shape [num_embeddings, embedding_dim]
    emb_weight = jax.random.normal(k_w, (CONTEXT_SIZE, EMBED_DIM), dtype=jnp.float32)
    return {"x": x, "emb_weight": emb_weight}

def reference(x, emb_weight):
    # pos = arange(0, x.size(1)); out = embedding(pos) + x
    seq_len = x.shape[1]
    pos = jnp.arange(seq_len, dtype=jnp.int32)
    pos_emb = jnp.take(emb_weight, pos, axis=0)  # [S, D]
    return pos_emb + x  # broadcast over batch

if __name__ == "__main__":
    import jax
    _d = setup_inputs()
    print(jax.jit(kernel)(*tuple(_d.values())))

</pallas_src>

<mosaic_0001>
#map = affine_map<(d0, d1) -> (0, 0)>
module attributes {stable_mosaic.version = 14 : i64} {
  func.func @_sc_body(%arg0: i32, %arg1: i32, %arg2: memref<32768x1024xf32, #tpu.memory_space<hbm>>, %arg3: memref<8192x1024xf32, #tpu.memory_space<hbm>>, %arg4: memref<32768x1024xf32, #tpu.memory_space<hbm>>, %arg5: memref<8x1024xf32, #tpu.memory_space<vmem>>, %arg6: memref<8x1024xf32, #tpu.memory_space<vmem>>, %arg7: memref<8x1024xf32, #tpu.memory_space<vmem>>, %arg8: memref<8x1024xf32, #tpu.memory_space<vmem>>, %arg9: memref<8x1024xf32, #tpu.memory_space<vmem>>, %arg10: memref<8x1024xf32, #tpu.memory_space<vmem>>, %arg11: memref<8x1024xf32, #tpu.memory_space<vmem>>, %arg12: memref<8x1024xf32, #tpu.memory_space<vmem>>, %arg13: memref<8x1024xf32, #tpu.memory_space<vmem>>, %arg14: memref<8x1024xf32, #tpu.memory_space<vmem>>, %arg15: memref<!tpu.dma_semaphore, #tpu.memory_space<semaphore_mem>>, %arg16: memref<!tpu.dma_semaphore, #tpu.memory_space<semaphore_mem>>, %arg17: memref<!tpu.dma_semaphore, #tpu.memory_space<semaphore_mem>>, %arg18: memref<!tpu.dma_semaphore, #tpu.memory_space<semaphore_mem>>, %arg19: memref<!tpu.dma_semaphore, #tpu.memory_space<semaphore_mem>>, %arg20: memref<!tpu.dma_semaphore, #tpu.memory_space<semaphore_mem>>, %arg21: memref<!tpu.dma_semaphore, #tpu.memory_space<semaphore_mem>>, %arg22: memref<!tpu.dma_semaphore, #tpu.memory_space<semaphore_mem>>, %arg23: memref<!tpu.dma_semaphore, #tpu.memory_space<semaphore_mem>>, %arg24: memref<!tpu.dma_semaphore, #tpu.memory_space<semaphore_mem>>) attributes {dimension_semantics = [#tpu.dimension_semantics<core_parallel>, #tpu.dimension_semantics<subcore_parallel>], iteration_bounds = array<i64: 2, 16>, scalar_prefetch = 0 : i64, scratch_operands = 20 : i64, tpu.core_type = #tpu.core_type<sc_vector_subcore>, window_params = [{transform_indices = #map}, {transform_indices = #map}, {transform_indices = #map}]} {
    %eq3A = arith.constant 0 : i32
    %eq3A_0 = arith.cmpi eq, %arg0, %eq3A : i32
    %mul3A = arith.constant 304 : i32
    %mul3A_1 = arith.muli %arg1, %mul3A : i32
    %mul3A_2 = arith.constant 208 : i32
    %mul3A_3 = arith.muli %arg1, %mul3A_2 : i32
    %add3A = arith.constant 4864 : i32
    %add3A_4 = arith.addi %add3A, %mul3A_3 : i32
    %select_n3A = arith.select %eq3A_0, %mul3A_1, %add3A_4 : i32
    %jit3A = arith.constant 38 : i32
    %jit3A_5 = arith.constant 26 : i32
    %select_n3A_6 = arith.select %eq3A_0, %jit3A, %jit3A_5 : i32
    %add3A_7 = arith.constant 0 : i32
    %add3A_8 = arith.addi %select_n3A, %add3A_7 : i32
    %min3A = arith.constant 8184 : i32
    %min3A_9 = arith.minsi %add3A_8, %min3A : i32
    %dma_start3A = arith.constant 0 : i32
    %dma_start3A_10 = tpu.memref_slice %arg3[%min3A_9, %dma_start3A] : memref<8192x1024xf32, #tpu.memory_space<hbm>> -> memref<8x1024xf32, #tpu.memory_space<hbm>>
    %dma_start3A_11 = arith.constant 0 : i32
    %dma_start3A_12 = tpu.memref_slice %arg3[%min3A_9, %dma_start3A_11] : memref<8192x1024xf32, #tpu.memory_space<hbm>> -> memref<8x1024xf32, #tpu.memory_space<hbm>>
    tpu.enqueue_dma source(%dma_start3A_12 : memref<8x1024xf32, #tpu.memory_space<hbm>>) target(%arg13 : memref<8x1024xf32, #tpu.memory_space<vmem>>) target_semaphore(%arg23 : memref<!tpu.dma_semaphore, #tpu.memory_space<semaphore_mem>>)
    %add3A_13 = arith.constant 8 : i32
    %add3A_14 = arith.addi %select_n3A, %add3A_13 : i32
    %min3A_15 = arith.constant 8184 : i32
    %min3A_16 = arith.minsi %add3A_14, %min3A_15 : i32
    %dma_start3A_17 = arith.constant 0 : i32
    %dma_start3A_18 = tpu.memref_slice %arg3[%min3A_16, %dma_start3A_17] : memref<8192x1024xf32, #tpu.memory_space<hbm>> -> memref<8x1024xf32, #tpu.memory_space<hbm>>
    %dma_start3A_19 = arith.constant 0 : i32
    %dma_start3A_20 = tpu.memref_slice %arg3[%min3A_16, %dma_start3A_19] : memref<8192x1024xf32, #tpu.memory_space<hbm>> -> memref<8x1024xf32, #tpu.memory_space<hbm>>
    tpu.enqueue_dma source(%dma_start3A_20 : memref<8x1024xf32, #tpu.memory_space<hbm>>) target(%arg14 : memref<8x1024xf32, #tpu.memory_space<vmem>>) target_semaphore(%arg24 : memref<!tpu.dma_semaphore, #tpu.memory_space<semaphore_mem>>)
    %add3A_21 = arith.constant 0 : i32
    %add3A_22 = arith.addi %add3A_21, %select_n3A : i32
    %add3A_23 = arith.constant 0 : i32
    %add3A_24 = arith.addi %add3A_22, %add3A_23 : i32
    %min3A_25 = arith.constant 32760 : i32
    %min3A_26 = arith.minsi %add3A_24, %min3A_25 : i32
    %dma_start3A_27 = arith.constant 0 : i32
    %dma_start3A_28 = tpu.memref_slice %arg2[%min3A_26, %dma_start3A_27] : memref<32768x1024xf32, #tpu.memory_space<hbm>> -> memref<8x1024xf32, #tpu.memory_space<hbm>>
    %dma_start3A_29 = arith.constant 0 : i32
    %dma_start3A_30 = tpu.memref_slice %arg2[%min3A_26, %dma_start3A_29] : memref<32768x1024xf32, #tpu.memory_space<hbm>> -> memref<8x1024xf32, #tpu.memory_space<hbm>>
    tpu.enqueue_dma source(%dma_start3A_30 : memref<8x1024xf32, #tpu.memory_space<hbm>>) target(%arg5 : memref<8x1024xf32, #tpu.memory_space<vmem>>) target_semaphore(%arg15 : memref<!tpu.dma_semaphore, #tpu.memory_space<semaphore_mem>>)
    %add3A_31 = arith.constant 8192 : i32
    %add3A_32 = arith.addi %add3A_31, %select_n3A : i32
    %add3A_33 = arith.constant 0 : i32
    %add3A_34 = arith.addi %add3A_32, %add3A_33 : i32
    %min3A_35 = arith.constant 32760 : i32
    %min3A_36 = arith.minsi %add3A_34, %min3A_35 : i32
    %dma_start3A_37 = arith.constant 0 : i32
    %dma_start3A_38 = tpu.memref_slice %arg2[%min3A_36, %dma_start3A_37] : memref<32768x1024xf32, #tpu.memory_space<hbm>> -> memref<8x1024xf32, #tpu.memory_space<hbm>>
    %dma_start3A_39 = arith.constant 0 : i32
    %dma_start3A_40 = tpu.memref_slice %arg2[%min3A_36, %dma_start3A_39] : memref<32768x1024xf32, #tpu.memory_space<hbm>> -> memref<8x1024xf32, #tpu.memory_space<hbm>>
    tpu.enqueue_dma source(%dma_start3A_40 : memref<8x1024xf32, #tpu.memory_space<hbm>>) target(%arg6 : memref<8x1024xf32, #tpu.memory_space<vmem>>) target_semaphore(%arg16 : memref<!tpu.dma_semaphore, #tpu.memory_space<semaphore_mem>>)
    %add3A_41 = arith.constant 16384 : i32
    %add3A_42 = arith.addi %add3A_41, %select_n3A : i32
    %add3A_43 = arith.constant 0 : i32
    %add3A_44 = arith.addi %add3A_42, %add3A_43 : i32
    %min3A_45 = arith.constant 32760 : i32
    %min3A_46 = arith.minsi %add3A_44, %min3A_45 : i32
    %dma_start3A_47 = arith.constant 0 : i32
    %dma_start3A_48 = tpu.memref_slice %arg2[%min3A_46, %dma_start3A_47] : memref<32768x1024xf32, #tpu.memory_space<hbm>> -> memref<8x1024xf32, #tpu.memory_space<hbm>>
    %dma_start3A_49 = arith.constant 0 : i32
    %dma_start3A_50 = tpu.memref_slice %arg2[%min3A_46, %dma_start3A_49] : memref<32768x1024xf32, #tpu.memory_space<hbm>> -> memref<8x1024xf32, #tpu.memory_space<hbm>>
    tpu.enqueue_dma source(%dma_start3A_50 : memref<8x1024xf32, #tpu.memory_space<hbm>>) target(%arg7 : memref<8x1024xf32, #tpu.memory_space<vmem>>) target_semaphore(%arg17 : memref<!tpu.dma_semaphore, #tpu.memory_space<semaphore_mem>>)
    %add3A_51 = arith.constant 24576 : i32
    %add3A_52 = arith.addi %add3A_51, %select_n3A : i32
    %add3A_53 = arith.constant 0 : i32
    %add3A_54 = arith.addi %add3A_52, %add3A_53 : i32
    %min3A_55 = arith.constant 32760 : i32
    %min3A_56 = arith.minsi %add3A_54, %min3A_55 : i32
    %dma_start3A_57 = arith.constant 0 : i32
    %dma_start3A_58 = tpu.memref_slice %arg2[%min3A_56, %dma_start3A_57] : memref<32768x1024xf32, #tpu.memory_space<hbm>> -> memref<8x1024xf32, #tpu.memory_space<hbm>>
    %dma_start3A_59 = arith.constant 0 : i32
    %dma_start3A_60 = tpu.memref_slice %arg2[%min3A_56, %dma_start3A_59] : memref<32768x1024xf32, #tpu.memory_space<hbm>> -> memref<8x1024xf32, #tpu.memory_space<hbm>>
    tpu.enqueue_dma source(%dma_start3A_60 : memref<8x1024xf32, #tpu.memory_space<hbm>>) target(%arg8 : memref<8x1024xf32, #tpu.memory_space<vmem>>) target_semaphore(%arg18 : memref<!tpu.dma_semaphore, #tpu.memory_space<semaphore_mem>>)
    %add3A_61 = arith.constant 0 : i32
    %add3A_62 = arith.addi %add3A_61, %select_n3A : i32
    %add3A_63 = arith.constant 0 : i32
    %add3A_64 = arith.addi %add3A_62, %add3A_63 : i32
    %min3A_65 = arith.constant 32760 : i32
    %min3A_66 = arith.minsi %add3A_64, %min3A_65 : i32
    %dma_wait3A = arith.constant 0 : i32
    %dma_wait3A_67 = tpu.memref_slice %arg2[%min3A_66, %dma_wait3A] : memref<32768x1024xf32, #tpu.memory_space<hbm>> -> memref<8x1024xf32, #tpu.memory_space<hbm>>
    %dma_wait3A_68 = arith.constant 0 : i32
    %dma_wait3A_69 = tpu.memref_slice %arg2[%min3A_66, %dma_wait3A_68] : memref<32768x1024xf32, #tpu.memory_space<hbm>> -> memref<8x1024xf32, #tpu.memory_space<hbm>>
    tpu.wait_dma2 semaphore(%arg15 : memref<!tpu.dma_semaphore, #tpu.memory_space<semaphore_mem>>) src(%dma_wait3A_69 : memref<8x1024xf32, #tpu.memory_space<hbm>>) dst(%arg5 : memref<8x1024xf32, #tpu.memory_space<vmem>>)
    %add3A_70 = arith.constant 0 : i32
    %add3A_71 = arith.addi %select_n3A, %add3A_70 : i32
    %min3A_72 = arith.constant 8184 : i32
    %min3A_73 = arith.minsi %add3A_71, %min3A_72 : i32
    %dma_wait3A_74 = arith.constant 0 : i32
    %dma_wait3A_75 = tpu.memref_slice %arg3[%min3A_73, %dma_wait3A_74] : memref<8192x1024xf32, #tpu.memory_space<hbm>> -> memref<8x1024xf32, #tpu.memory_space<hbm>>
    %dma_wait3A_76 = arith.constant 0 : i32
    %dma_wait3A_77 = tpu.memref_slice %arg3[%min3A_73, %dma_wait3A_76] : memref<8192x1024xf32, #tpu.memory_space<hbm>> -> memref<8x1024xf32, #tpu.memory_space<hbm>>
    tpu.wait_dma2 semaphore(%arg23 : memref<!tpu.dma_semaphore, #tpu.memory_space<semaphore_mem>>) src(%dma_wait3A_77 : memref<8x1024xf32, #tpu.memory_space<hbm>>) dst(%arg13 : memref<8x1024xf32, #tpu.memory_space<vmem>>)
    %parallel_loop3A = arith.constant 0 : i32
    %parallel_loop3A_78 = arith.constant 512 : i32
    %parallel_loop3A_79 = arith.constant 1 : i32
    scf.for %parallel_loop3A_547 = %parallel_loop3A to %parallel_loop3A_78 step %parallel_loop3A_79  : i32 {
      %parallel_loop3A_548 = arith.constant 6 : i32
      %parallel_loop3A_549 = arith.shrsi %parallel_loop3A_547, %parallel_loop3A_548 : i32
      %parallel_loop3A_550 = arith.constant 63 : i32
      %parallel_loop3A_551 = arith.andi %parallel_loop3A_547, %parallel_loop3A_550 : i32
      %parallel_loop3A_552 = arith.constant 4 : i32
      %parallel_loop3A_553 = arith.shli %parallel_loop3A_551, %parallel_loop3A_552 : i32
      %parallel_loop3A_554 = tpu.assume_multiple %parallel_loop3A_553, 16 : i32
      %parallel_loop3A_555 = arith.index_cast %parallel_loop3A_549 : i32 to index
      %parallel_loop3A_556 = arith.index_cast %parallel_loop3A_554 : i32 to index
      %parallel_loop3A_557 = tpu.vector_load %arg5[%parallel_loop3A_555, %parallel_loop3A_556] {strides = array<i32>} : memref<8x1024xf32, #tpu.memory_space<vmem>>, vector<1x16xf32>,
      %parallel_loop3A_558 = vector.shape_cast %parallel_loop3A_557 : vector<1x16xf32> to vector<16xf32>
      %parallel_loop3A_559 = arith.index_cast %parallel_loop3A_549 : i32 to index
      %parallel_loop3A_560 = arith.index_cast %parallel_loop3A_554 : i32 to index
      %parallel_loop3A_561 = tpu.vector_load %arg13[%parallel_loop3A_559, %parallel_loop3A_560] {strides = array<i32>} : memref<8x1024xf32, #tpu.memory_space<vmem>>, vector<1x16xf32>,
      %parallel_loop3A_562 = vector.shape_cast %parallel_loop3A_561 : vector<1x16xf32> to vector<16xf32>
      %parallel_loop3A_563 = arith.addf %parallel_loop3A_558, %parallel_loop3A_562 : vector<16xf32>
      %parallel_loop3A_564 = arith.index_cast %parallel_loop3A_549 : i32 to index
      %parallel_loop3A_565 = arith.index_cast %parallel_loop3A_554 : i32 to index
      %parallel_loop3A_566 = tpu.vector_load %arg9[%parallel_loop3A_564, %parallel_loop3A_565] {strides = array<i32>} : memref<8x1024xf32, #tpu.memory_space<vmem>>, vector<1x16xf32>,
      %parallel_loop3A_567 = vector.shape_cast %parallel_loop3A_566 : vector<1x16xf32> to vector<16xf32>
      %parallel_loop3A_568 = vector.shape_cast %parallel_loop3A_563 : vector<16xf32> to vector<1x16xf32>
      tpu.vector_store %arg9[%parallel_loop3A_564, %parallel_loop3A_565], %parallel_loop3A_568 {strides = array<i32>} : memref<8x1024xf32, #tpu.memory_space<vmem>>, vector<1x16xf32>,
    } {sc.loop_unroll_factor = 8 : i64, sc.parallel_access}
    %add3A_80 = arith.constant 0 : i32
    %add3A_81 = arith.addi %add3A_80, %select_n3A : i32
    %add3A_82 = arith.constant 0 : i32
    %add3A_83 = arith.addi %add3A_81, %add3A_82 : i32
    %min3A_84 = arith.constant 32760 : i32
    %min3A_85 = arith.minsi %add3A_83, %min3A_84 : i32
    %dma_start3A_86 = arith.constant 0 : i32
    %dma_start3A_87 = tpu.memref_slice %arg4[%min3A_85, %dma_start3A_86] : memref<32768x1024xf32, #tpu.memory_space<hbm>> -> memref<8x1024xf32, #tpu.memory_space<hbm>>
    %dma_start3A_88 = arith.constant 0 : i32
    %dma_start3A_89 = tpu.memref_slice %arg4[%min3A_85, %dma_start3A_88] : memref<32768x1024xf32, #tpu.memory_space<hbm>> -> memref<8x1024xf32, #tpu.memory_space<hbm>>
    tpu.enqueue_dma source(%arg9 : memref<8x1024xf32, #tpu.memory_space<vmem>>) target(%dma_start3A_89 : memref<8x1024xf32, #tpu.memory_space<hbm>>) target_semaphore(%arg19 : memref<!tpu.dma_semaphore, #tpu.memory_space<semaphore_mem>>)
    %add3A_90 = arith.constant 0 : i32
    %add3A_91 = arith.addi %add3A_90, %select_n3A : i32
    %add3A_92 = arith.constant 8 : i32
    %add3A_93 = arith.addi %add3A_91, %add3A_92 : i32
    %min3A_94 = arith.constant 32760 : i32
    %min3A_95 = arith.minsi %add3A_93, %min3A_94 : i32
    %dma_start3A_96 = arith.constant 0 : i32
    %dma_start3A_97 = tpu.memref_slice %arg2[%min3A_95, %dma_start3A_96] : memref<32768x1024xf32, #tpu.memory_space<hbm>> -> memref<8x1024xf32, #tpu.memory_space<hbm>>
    %dma_start3A_98 = arith.constant 0 : i32
    %dma_start3A_99 = tpu.memref_slice %arg2[%min3A_95, %dma_start3A_98] : memref<32768x1024xf32, #tpu.memory_space<hbm>> -> memref<8x1024xf32, #tpu.memory_space<hbm>>
    tpu.enqueue_dma source(%dma_start3A_99 : memref<8x1024xf32, #tpu.memory_space<hbm>>) target(%arg5 : memref<8x1024xf32, #tpu.memory_space<vmem>>) target_semaphore(%arg15 : memref<!tpu.dma_semaphore, #tpu.memory_space<semaphore_mem>>)
    %add3A_100 = arith.constant 8192 : i32
    %add3A_101 = arith.addi %add3A_100, %select_n3A : i32
    %add3A_102 = arith.constant 0 : i32
    %add3A_103 = arith.addi %add3A_101, %add3A_102 : i32
    %min3A_104 = arith.constant 32760 : i32
    %min3A_105 = arith.minsi %add3A_103, %min3A_104 : i32
    %dma_wait3A_106 = arith.constant 0 : i32
    %dma_wait3A_107 = tpu.memref_slice %arg2[%min3A_105, %dma_wait3A_106] : memref<32768x1024xf32, #tpu.memory_space<hbm>> -> memref<8x1024xf32, #tpu.memory_space<hbm>>
    %dma_wait3A_108 = arith.constant 0 : i32
    %dma_wait3A_109 = tpu.memref_slice %arg2[%min3A_105, %dma_wait3A_108] : memref<32768x1024xf32, #tpu.memory_space<hbm>> -> memref<8x1024xf32, #tpu.memory_space<hbm>>
    tpu.wait_dma2 semaphore(%arg16 : memref<!tpu.dma_semaphore, #tpu.memory_space<semaphore_mem>>) src(%dma_wait3A_109 : memref<8x1024xf32, #tpu.memory_space<hbm>>) dst(%arg6 : memref<8x1024xf32, #tpu.memory_space<vmem>>)
    %parallel_loop3A_110 = arith.constant 0 : i32
    %parallel_loop3A_111 = arith.constant 512 : i32
    %parallel_loop3A_112 = arith.constant 1 : i32
    scf.for %parallel_loop3A_547 = %parallel_loop3A_110 to %parallel_loop3A_111 step %parallel_loop3A_112  : i32 {
      %parallel_loop3A_548 = arith.constant 6 : i32
      %parallel_loop3A_549 = arith.shrsi %parallel_loop3A_547, %parallel_loop3A_548 : i32
      %parallel_loop3A_550 = arith.constant 63 : i32
      %parallel_loop3A_551 = arith.andi %parallel_loop3A_547, %parallel_loop3A_550 : i32
      %parallel_loop3A_552 = arith.constant 4 : i32
      %parallel_loop3A_553 = arith.shli %parallel_loop3A_551, %parallel_loop3A_552 : i32
      %parallel_loop3A_554 = tpu.assume_multiple %parallel_loop3A_553, 16 : i32
      %parallel_loop3A_555 = arith.index_cast %parallel_loop3A_549 : i32 to index
      %parallel_loop3A_556 = arith.index_cast %parallel_loop3A_554 : i32 to index
      %parallel_loop3A_557 = tpu.vector_load %arg6[%parallel_loop3A_555, %parallel_loop3A_556] {strides = array<i32>} : memref<8x1024xf32, #tpu.memory_space<vmem>>, vector<1x16xf32>,
      %parallel_loop3A_558 = vector.shape_cast %parallel_loop3A_557 : vector<1x16xf32> to vector<16xf32>
      %parallel_loop3A_559 = arith.index_cast %parallel_loop3A_549 : i32 to index
      %parallel_loop3A_560 = arith.index_cast %parallel_loop3A_554 : i32 to index
      %parallel_loop3A_561 = tpu.vector_load %arg13[%parallel_loop3A_559, %parallel_loop3A_560] {strides = array<i32>} : memref<8x1024xf32, #tpu.memory_space<vmem>>, vector<1x16xf32>,
      %parallel_loop3A_562 = vector.shape_cast %parallel_loop3A_561 : vector<1x16xf32> to vector<16xf32>
      %parallel_loop3A_563 = arith.addf %parallel_loop3A_558, %parallel_loop3A_562 : vector<16xf32>
      %parallel_loop3A_564 = arith.index_cast %parallel_loop3A_549 : i32 to index
      %parallel_loop3A_565 = arith.index_cast %parallel_loop3A_554 : i32 to index
      %parallel_loop3A_566 = tpu.vector_load %arg10[%parallel_loop3A_564, %parallel_loop3A_565] {strides = array<i32>} : memref<8x1024xf32, #tpu.memory_space<vmem>>, vector<1x16xf32>,
      %parallel_loop3A_567 = vector.shape_cast %parallel_loop3A_566 : vector<1x16xf32> to vector<16xf32>
      %parallel_loop3A_568 = vector.shape_cast %parallel_loop3A_563 : vector<16xf32> to vector<1x16xf32>
      tpu.vector_store %arg10[%parallel_loop3A_564, %parallel_loop3A_565], %parallel_loop3A_568 {strides = array<i32>} : memref<8x1024xf32, #tpu.memory_space<vmem>>, vector<1x16xf32>,
    } {sc.loop_unroll_factor = 8 : i64, sc.parallel_access}
    %add3A_113 = arith.constant 8192 : i32
    %add3A_114 = arith.addi %add3A_113, %select_n3A : i32
    %add3A_115 = arith.constant 0 : i32
    %add3A_116 = arith.addi %add3A_114, %add3A_115 : i32
    %min3A_117 = arith.constant 32760 : i32
    %min3A_118 = arith.minsi %add3A_116, %min3A_117 : i32
    %dma_start3A_119 = arith.constant 0 : i32
    %dma_start3A_120 = tpu.memref_slice %arg4[%min3A_118, %dma_start3A_119] : memref<32768x1024xf32, #tpu.memory_space<hbm>> -> memref<8x1024xf32, #tpu.memory_space<hbm>>
    %dma_start3A_121 = arith.constant 0 : i32
    %dma_start3A_122 = tpu.memref_slice %arg4[%min3A_118, %dma_start3A_121] : memref<32768x1024xf32, #tpu.memory_space<hbm>> -> memref<8x1024xf32, #tpu.memory_space<hbm>>
    tpu.enqueue_dma source(%arg10 : memref<8x1024xf32, #tpu.memory_space<vmem>>) target(%dma_start3A_122 : memref<8x1024xf32, #tpu.memory_space<hbm>>) target_semaphore(%arg20 : memref<!tpu.dma_semaphore, #tpu.memory_space<semaphore_mem>>)
    %add3A_123 = arith.constant 8192 : i32
    %add3A_124 = arith.addi %add3A_123, %select_n3A : i32
    %add3A_125 = arith.constant 8 : i32
    %add3A_126 = arith.addi %add3A_124, %add3A_125 : i32
    %min3A_127 = arith.constant 32760 : i32
    %min3A_128 = arith.minsi %add3A_126, %min3A_127 : i32
    %dma_start3A_129 = arith.constant 0 : i32
    %dma_start3A_130 = tpu.memref_slice %arg2[%min3A_128, %dma_start3A_129] : memref<32768x1024xf32, #tpu.memory_space<hbm>> -> memref<8x1024xf32, #tpu.memory_space<hbm>>
    %dma_start3A_131 = arith.constant 0 : i32
    %dma_start3A_132 = tpu.memref_slice %arg2[%min3A_128, %dma_start3A_131] : memref<32768x1024xf32, #tpu.memory_space<hbm>> -> memref<8x1024xf32, #tpu.memory_space<hbm>>
    tpu.enqueue_dma source(%dma_start3A_132 : memref<8x1024xf32, #tpu.memory_space<hbm>>) target(%arg6 : memref<8x1024xf32, #tpu.memory_space<vmem>>) target_semaphore(%arg16 : memref<!tpu.dma_semaphore, #tpu.memory_space<semaphore_mem>>)
    %add3A_133 = arith.constant 16384 : i32
    %add3A_134 = arith.addi %add3A_133, %select_n3A : i32
    %add3A_135 = arith.constant 0 : i32
    %add3A_136 = arith.addi %add3A_134, %add3A_135 : i32
    %min3A_137 = arith.constant 32760 : i32
    %min3A_138 = arith.minsi %add3A_136, %min3A_137 : i32
    %dma_wait3A_139 = arith.constant 0 : i32
    %dma_wait3A_140 = tpu.memref_slice %arg2[%min3A_138, %dma_wait3A_139] : memref<32768x1024xf32, #tpu.memory_space<hbm>> -> memref<8x1024xf32, #tpu.memory_space<hbm>>
    %dma_wait3A_141 = arith.constant 0 : i32
    %dma_wait3A_142 = tpu.memref_slice %arg2[%min3A_138, %dma_wait3A_141] : memref<32768x1024xf32, #tpu.memory_space<hbm>> -> memref<8x1024xf32, #tpu.memory_space<hbm>>
    tpu.wait_dma2 semaphore(%arg17 : memref<!tpu.dma_semaphore, #tpu.memory_space<semaphore_mem>>) src(%dma_wait3A_142 : memref<8x1024xf32, #tpu.memory_space<hbm>>) dst(%arg7 : memref<8x1024xf32, #tpu.memory_space<vmem>>)
    %parallel_loop3A_143 = arith.constant 0 : i32
    %parallel_loop3A_144 = arith.constant 512 : i32
    %parallel_loop3A_145 = arith.constant 1 : i32
    scf.for %parallel_loop3A_547 = %parallel_loop3A_143 to %parallel_loop3A_144 step %parallel_loop3A_145  : i32 {
      %parallel_loop3A_548 = arith.constant 6 : i32
      %parallel_loop3A_549 = arith.shrsi %parallel_loop3A_547, %parallel_loop3A_548 : i32
      %parallel_loop3A_550 = arith.constant 63 : i32
      %parallel_loop3A_551 = arith.andi %parallel_loop3A_547, %parallel_loop3A_550 : i32
      %parallel_loop3A_552 = arith.constant 4 : i32
      %parallel_loop3A_553 = arith.shli %parallel_loop3A_551, %parallel_loop3A_552 : i32
      %parallel_loop3A_554 = tpu.assume_multiple %parallel_loop3A_553, 16 : i32
      %parallel_loop3A_555 = arith.index_cast %parallel_loop3A_549 : i32 to index
      %parallel_loop3A_556 = arith.index_cast %parallel_loop3A_554 : i32 to index
      %parallel_loop3A_557 = tpu.vector_load %arg7[%parallel_loop3A_555, %parallel_loop3A_556] {strides = array<i32>} : memref<8x1024xf32, #tpu.memory_space<vmem>>, vector<1x16xf32>,
      %parallel_loop3A_558 = vector.shape_cast %parallel_loop3A_557 : vector<1x16xf32> to vector<16xf32>
      %parallel_loop3A_559 = arith.index_cast %parallel_loop3A_549 : i32 to index
      %parallel_loop3A_560 = arith.index_cast %parallel_loop3A_554 : i32 to index
      %parallel_loop3A_561 = tpu.vector_load %arg13[%parallel_loop3A_559, %parallel_loop3A_560] {strides = array<i32>} : memref<8x1024xf32, #tpu.memory_space<vmem>>, vector<1x16xf32>,
      %parallel_loop3A_562 = vector.shape_cast %parallel_loop3A_561 : vector<1x16xf32> to vector<16xf32>
      %parallel_loop3A_563 = arith.addf %parallel_loop3A_558, %parallel_loop3A_562 : vector<16xf32>
      %parallel_loop3A_564 = arith.index_cast %parallel_loop3A_549 : i32 to index
      %parallel_loop3A_565 = arith.index_cast %parallel_loop3A_554 : i32 to index
      %parallel_loop3A_566 = tpu.vector_load %arg11[%parallel_loop3A_564, %parallel_loop3A_565] {strides = array<i32>} : memref<8x1024xf32, #tpu.memory_space<vmem>>, vector<1x16xf32>,
      %parallel_loop3A_567 = vector.shape_cast %parallel_loop3A_566 : vector<1x16xf32> to vector<16xf32>
      %parallel_loop3A_568 = vector.shape_cast %parallel_loop3A_563 : vector<16xf32> to vector<1x16xf32>
      tpu.vector_store %arg11[%parallel_loop3A_564, %parallel_loop3A_565], %parallel_loop3A_568 {strides = array<i32>} : memref<8x1024xf32, #tpu.memory_space<vmem>>, vector<1x16xf32>,
    } {sc.loop_unroll_factor = 8 : i64, sc.parallel_access}
    %add3A_146 = arith.constant 16384 : i32
    %add3A_147 = arith.addi %add3A_146, %select_n3A : i32
    %add3A_148 = arith.constant 0 : i32
    %add3A_149 = arith.addi %add3A_147, %add3A_148 : i32
    %min3A_150 = arith.constant 32760 : i32
    %min3A_151 = arith.minsi %add3A_149, %min3A_150 : i32
    %dma_start3A_152 = arith.constant 0 : i32
    %dma_start3A_153 = tpu.memref_slice %arg4[%min3A_151, %dma_start3A_152] : memref<32768x1024xf32, #tpu.memory_space<hbm>> -> memref<8x1024xf32, #tpu.memory_space<hbm>>
    %dma_start3A_154 = arith.constant 0 : i32
    %dma_start3A_155 = tpu.memref_slice %arg4[%min3A_151, %dma_start3A_154] : memref<32768x1024xf32, #tpu.memory_space<hbm>> -> memref<8x1024xf32, #tpu.memory_space<hbm>>
    tpu.enqueue_dma source(%arg11 : memref<8x1024xf32, #tpu.memory_space<vmem>>) target(%dma_start3A_155 : memref<8x1024xf32, #tpu.memory_space<hbm>>) target_semaphore(%arg21 : memref<!tpu.dma_semaphore, #tpu.memory_space<semaphore_mem>>)
    %add3A_156 = arith.constant 16384 : i32
    %add3A_157 = arith.addi %add3A_156, %select_n3A : i32
    %add3A_158 = arith.constant 8 : i32
    %add3A_159 = arith.addi %add3A_157, %add3A_158 : i32
    %min3A_160 = arith.constant 32760 : i32
    %min3A_161 = arith.minsi %add3A_159, %min3A_160 : i32
    %dma_start3A_162 = arith.constant 0 : i32
    %dma_start3A_163 = tpu.memref_slice %arg2[%min3A_161, %dma_start3A_162] : memref<32768x1024xf32, #tpu.memory_space<hbm>> -> memref<8x1024xf32, #tpu.memory_space<hbm>>
    %dma_start3A_164 = arith.constant 0 : i32
    %dma_start3A_165 = tpu.memref_slice %arg2[%min3A_161, %dma_start3A_164] : memref<32768x1024xf32, #tpu.memory_space<hbm>> -> memref<8x1024xf32, #tpu.memory_space<hbm>>
    tpu.enqueue_dma source(%dma_start3A_165 : memref<8x1024xf32, #tpu.memory_space<hbm>>) target(%arg7 : memref<8x1024xf32, #tpu.memory_space<vmem>>) target_semaphore(%arg17 : memref<!tpu.dma_semaphore, #tpu.memory_space<semaphore_mem>>)
    %add3A_166 = arith.constant 24576 : i32
    %add3A_167 = arith.addi %add3A_166, %select_n3A : i32
    %add3A_168 = arith.constant 0 : i32
    %add3A_169 = arith.addi %add3A_167, %add3A_168 : i32
    %min3A_170 = arith.constant 32760 : i32
    %min3A_171 = arith.minsi %add3A_169, %min3A_170 : i32
    %dma_wait3A_172 = arith.constant 0 : i32
    %dma_wait3A_173 = tpu.memref_slice %arg2[%min3A_171, %dma_wait3A_172] : memref<32768x1024xf32, #tpu.memory_space<hbm>> -> memref<8x1024xf32, #tpu.memory_space<hbm>>
    %dma_wait3A_174 = arith.constant 0 : i32
    %dma_wait3A_175 = tpu.memref_slice %arg2[%min3A_171, %dma_wait3A_174] : memref<32768x1024xf32, #tpu.memory_space<hbm>> -> memref<8x1024xf32, #tpu.memory_space<hbm>>
    tpu.wait_dma2 semaphore(%arg18 : memref<!tpu.dma_semaphore, #tpu.memory_space<semaphore_mem>>) src(%dma_wait3A_175 : memref<8x1024xf32, #tpu.memory_space<hbm>>) dst(%arg8 : memref<8x1024xf32, #tpu.memory_space<vmem>>)
    %parallel_loop3A_176 = arith.constant 0 : i32
    %parallel_loop3A_177 = arith.constant 512 : i32
    %parallel_loop3A_178 = arith.constant 1 : i32
    scf.for %parallel_loop3A_547 = %parallel_loop3A_176 to %parallel_loop3A_177 step %parallel_loop3A_178  : i32 {
      %parallel_loop3A_548 = arith.constant 6 : i32
      %parallel_loop3A_549 = arith.shrsi %parallel_loop3A_547, %parallel_loop3A_548 : i32
      %parallel_loop3A_550 = arith.constant 63 : i32
      %parallel_loop3A_551 = arith.andi %parallel_loop3A_547, %parallel_loop3A_550 : i32
      %parallel_loop3A_552 = arith.constant 4 : i32
      %parallel_loop3A_553 = arith.shli %parallel_loop3A_551, %parallel_loop3A_552 : i32
      %parallel_loop3A_554 = tpu.assume_multiple %parallel_loop3A_553, 16 : i32
      %parallel_loop3A_555 = arith.index_cast %parallel_loop3A_549 : i32 to index
      %parallel_loop3A_556 = arith.index_cast %parallel_loop3A_554 : i32 to index
      %parallel_loop3A_557 = tpu.vector_load %arg8[%parallel_loop3A_555, %parallel_loop3A_556] {strides = array<i32>} : memref<8x1024xf32, #tpu.memory_space<vmem>>, vector<1x16xf32>,
      %parallel_loop3A_558 = vector.shape_cast %parallel_loop3A_557 : vector<1x16xf32> to vector<16xf32>
      %parallel_loop3A_559 = arith.index_cast %parallel_loop3A_549 : i32 to index
      %parallel_loop3A_560 = arith.index_cast %parallel_loop3A_554 : i32 to index
      %parallel_loop3A_561 = tpu.vector_load %arg13[%parallel_loop3A_559, %parallel_loop3A_560] {strides = array<i32>} : memref<8x1024xf32, #tpu.memory_space<vmem>>, vector<1x16xf32>,
      %parallel_loop3A_562 = vector.shape_cast %parallel_loop3A_561 : vector<1x16xf32> to vector<16xf32>
      %parallel_loop3A_563 = arith.addf %parallel_loop3A_558, %parallel_loop3A_562 : vector<16xf32>
      %parallel_loop3A_564 = arith.index_cast %parallel_loop3A_549 : i32 to index
      %parallel_loop3A_565 = arith.index_cast %parallel_loop3A_554 : i32 to index
      %parallel_loop3A_566 = tpu.vector_load %arg12[%parallel_loop3A_564, %parallel_loop3A_565] {strides = array<i32>} : memref<8x1024xf32, #tpu.memory_space<vmem>>, vector<1x16xf32>,
      %parallel_loop3A_567 = vector.shape_cast %parallel_loop3A_566 : vector<1x16xf32> to vector<16xf32>
      %parallel_loop3A_568 = vector.shape_cast %parallel_loop3A_563 : vector<16xf32> to vector<1x16xf32>
      tpu.vector_store %arg12[%parallel_loop3A_564, %parallel_loop3A_565], %parallel_loop3A_568 {strides = array<i32>} : memref<8x1024xf32, #tpu.memory_space<vmem>>, vector<1x16xf32>,
    } {sc.loop_unroll_factor = 8 : i64, sc.parallel_access}
    %add3A_179 = arith.constant 24576 : i32
    %add3A_180 = arith.addi %add3A_179, %select_n3A : i32
    %add3A_181 = arith.constant 0 : i32
    %add3A_182 = arith.addi %add3A_180, %add3A_181 : i32
    %min3A_183 = arith.constant 32760 : i32
    %min3A_184 = arith.minsi %add3A_182, %min3A_183 : i32
    %dma_start3A_185 = arith.constant 0 : i32
    %dma_start3A_186 = tpu.memref_slice %arg4[%min3A_184, %dma_start3A_185] : memref<32768x1024xf32, #tpu.memory_space<hbm>> -> memref<8x1024xf32, #tpu.memory_space<hbm>>
    %dma_start3A_187 = arith.constant 0 : i32
    %dma_start3A_188 = tpu.memref_slice %arg4[%min3A_184, %dma_start3A_187] : memref<32768x1024xf32, #tpu.memory_space<hbm>> -> memref<8x1024xf32, #tpu.memory_space<hbm>>
    tpu.enqueue_dma source(%arg12 : memref<8x1024xf32, #tpu.memory_space<vmem>>) target(%dma_start3A_188 : memref<8x1024xf32, #tpu.memory_space<hbm>>) target_semaphore(%arg22 : memref<!tpu.dma_semaphore, #tpu.memory_space<semaphore_mem>>)
    %add3A_189 = arith.constant 24576 : i32
    %add3A_190 = arith.addi %add3A_189, %select_n3A : i32
    %add3A_191 = arith.constant 8 : i32
    %add3A_192 = arith.addi %add3A_190, %add3A_191 : i32
    %min3A_193 = arith.constant 32760 : i32
    %min3A_194 = arith.minsi %add3A_192, %min3A_193 : i32
    %dma_start3A_195 = arith.constant 0 : i32
    %dma_start3A_196 = tpu.memref_slice %arg2[%min3A_194, %dma_start3A_195] : memref<32768x1024xf32, #tpu.memory_space<hbm>> -> memref<8x1024xf32, #tpu.memory_space<hbm>>
    %dma_start3A_197 = arith.constant 0 : i32
    %dma_start3A_198 = tpu.memref_slice %arg2[%min3A_194, %dma_start3A_197] : memref<32768x1024xf32, #tpu.memory_space<hbm>> -> memref<8x1024xf32, #tpu.memory_space<hbm>>
    tpu.enqueue_dma source(%dma_start3A_198 : memref<8x1024xf32, #tpu.memory_space<hbm>>) target(%arg8 : memref<8x1024xf32, #tpu.memory_space<vmem>>) target_semaphore(%arg18 : memref<!tpu.dma_semaphore, #tpu.memory_space<semaphore_mem>>)
    %add3A_199 = arith.constant 16 : i32
    %add3A_200 = arith.addi %select_n3A, %add3A_199 : i32
    %min3A_201 = arith.constant 8184 : i32
    %min3A_202 = arith.minsi %add3A_200, %min3A_201 : i32
    %dma_start3A_203 = arith.constant 0 : i32
    %dma_start3A_204 = tpu.memref_slice %arg3[%min3A_202, %dma_start3A_203] : memref<8192x1024xf32, #tpu.memory_space<hbm>> -> memref<8x1024xf32, #tpu.memory_space<hbm>>
    %dma_start3A_205 = arith.constant 0 : i32
    %dma_start3A_206 = tpu.memref_slice %arg3[%min3A_202, %dma_start3A_205] : memref<8192x1024xf32, #tpu.memory_space<hbm>> -> memref<8x1024xf32, #tpu.memory_space<hbm>>
    tpu.enqueue_dma source(%dma_start3A_206 : memref<8x1024xf32, #tpu.memory_space<hbm>>) target(%arg13 : memref<8x1024xf32, #tpu.memory_space<vmem>>) target_semaphore(%arg23 : memref<!tpu.dma_semaphore, #tpu.memory_space<semaphore_mem>>)
    %add3A_207 = arith.constant 0 : i32
    %add3A_208 = arith.addi %add3A_207, %select_n3A : i32
    %add3A_209 = arith.constant 8 : i32
    %add3A_210 = arith.addi %add3A_208, %add3A_209 : i32
    %min3A_211 = arith.constant 32760 : i32
    %min3A_212 = arith.minsi %add3A_210, %min3A_211 : i32
    %dma_wait3A_213 = arith.constant 0 : i32
    %dma_wait3A_214 = tpu.memref_slice %arg2[%min3A_212, %dma_wait3A_213] : memref<32768x1024xf32, #tpu.memory_space<hbm>> -> memref<8x1024xf32, #tpu.memory_space<hbm>>
    %dma_wait3A_215 = arith.constant 0 : i32
    %dma_wait3A_216 = tpu.memref_slice %arg2[%min3A_212, %dma_wait3A_215] : memref<32768x1024xf32, #tpu.memory_space<hbm>> -> memref<8x1024xf32, #tpu.memory_space<hbm>>
    tpu.wait_dma2 semaphore(%arg15 : memref<!tpu.dma_semaphore, #tpu.memory_space<semaphore_mem>>) src(%dma_wait3A_216 : memref<8x1024xf32, #tpu.memory_space<hbm>>) dst(%arg5 : memref<8x1024xf32, #tpu.memory_space<vmem>>)
    %add3A_217 = arith.constant 8 : i32
    %add3A_218 = arith.addi %select_n3A, %add3A_217 : i32
    %min3A_219 = arith.constant 8184 : i32
    %min3A_220 = arith.minsi %add3A_218, %min3A_219 : i32
    %dma_wait3A_221 = arith.constant 0 : i32
    %dma_wait3A_222 = tpu.memref_slice %arg3[%min3A_220, %dma_wait3A_221] : memref<8192x1024xf32, #tpu.memory_space<hbm>> -> memref<8x1024xf32, #tpu.memory_space<hbm>>
    %dma_wait3A_223 = arith.constant 0 : i32
    %dma_wait3A_224 = tpu.memref_slice %arg3[%min3A_220, %dma_wait3A_223] : memref<8192x1024xf32, #tpu.memory_space<hbm>> -> memref<8x1024xf32, #tpu.memory_space<hbm>>
    tpu.wait_dma2 semaphore(%arg24 : memref<!tpu.dma_semaphore, #tpu.memory_space<semaphore_mem>>) src(%dma_wait3A_224 : memref<8x1024xf32, #tpu.memory_space<hbm>>) dst(%arg14 : memref<8x1024xf32, #tpu.memory_space<vmem>>)
    %add3A_225 = arith.constant 0 : i32
    %add3A_226 = arith.addi %add3A_225, %select_n3A : i32
    %add3A_227 = arith.constant 0 : i32
    %add3A_228 = arith.addi %add3A_226, %add3A_227 : i32
    %min3A_229 = arith.constant 32760 : i32
    %min3A_230 = arith.minsi %add3A_228, %min3A_229 : i32
    %dma_wait3A_231 = arith.constant 0 : i32
    %dma_wait3A_232 = tpu.memref_slice %arg4[%min3A_230, %dma_wait3A_231] : memref<32768x1024xf32, #tpu.memory_space<hbm>> -> memref<8x1024xf32, #tpu.memory_space<hbm>>
    %dma_wait3A_233 = arith.constant 0 : i32
    %dma_wait3A_234 = tpu.memref_slice %arg4[%min3A_230, %dma_wait3A_233] : memref<32768x1024xf32, #tpu.memory_space<hbm>> -> memref<8x1024xf32, #tpu.memory_space<hbm>>
    tpu.wait_dma2 semaphore(%arg19 : memref<!tpu.dma_semaphore, #tpu.memory_space<semaphore_mem>>) src(%arg9 : memref<8x1024xf32, #tpu.memory_space<vmem>>) dst(%dma_wait3A_234 : memref<8x1024xf32, #tpu.memory_space<hbm>>)
    %parallel_loop3A_235 = arith.constant 0 : i32
    %parallel_loop3A_236 = arith.constant 512 : i32
    %parallel_loop3A_237 = arith.constant 1 : i32
    scf.for %parallel_loop3A_547 = %parallel_loop3A_235 to %parallel_loop3A_236 step %parallel_loop3A_237  : i32 {
      %parallel_loop3A_548 = arith.constant 6 : i32
      %parallel_loop3A_549 = arith.shrsi %parallel_loop3A_547, %parallel_loop3A_548 : i32
      %parallel_loop3A_550 = arith.constant 63 : i32
      %parallel_loop3A_551 = arith.andi %parallel_loop3A_547, %parallel_loop3A_550 : i32
      %parallel_loop3A_552 = arith.constant 4 : i32
      %parallel_loop3A_553 = arith.shli %parallel_loop3A_551, %parallel_loop3A_552 : i32
      %parallel_loop3A_554 = tpu.assume_multiple %parallel_loop3A_553, 16 : i32
      %parallel_loop3A_555 = arith.index_cast %parallel_loop3A_549 : i32 to index
      %parallel_loop3A_556 = arith.index_cast %parallel_loop3A_554 : i32 to index
      %parallel_loop3A_557 = tpu.vector_load %arg5[%parallel_loop3A_555, %parallel_loop3A_556] {strides = array<i32>} : memref<8x1024xf32, #tpu.memory_space<vmem>>, vector<1x16xf32>,
      %parallel_loop3A_558 = vector.shape_cast %parallel_loop3A_557 : vector<1x16xf32> to vector<16xf32>
      %parallel_loop3A_559 = arith.index_cast %parallel_loop3A_549 : i32 to index
      %parallel_loop3A_560 = arith.index_cast %parallel_loop3A_554 : i32 to index
      %parallel_loop3A_561 = tpu.vector_load %arg14[%parallel_loop3A_559, %parallel_loop3A_560] {strides = array<i32>} : memref<8x1024xf32, #tpu.memory_space<vmem>>, vector<1x16xf32>,
      %parallel_loop3A_562 = vector.shape_cast %parallel_loop3A_561 : vector<1x16xf32> to vector<16xf32>
      %parallel_loop3A_563 = arith.addf %parallel_loop3A_558, %parallel_loop3A_562 : vector<16xf32>
      %parallel_loop3A_564 = arith.index_cast %parallel_loop3A_549 : i32 to index
      %parallel_loop3A_565 = arith.index_cast %parallel_loop3A_554 : i32 to index
      %parallel_loop3A_566 = tpu.vector_load %arg9[%parallel_loop3A_564, %parallel_loop3A_565] {strides = array<i32>} : memref<8x1024xf32, #tpu.memory_space<vmem>>, vector<1x16xf32>,
      %parallel_loop3A_567 = vector.shape_cast %parallel_loop3A_566 : vector<1x16xf32> to vector<16xf32>
      %parallel_loop3A_568 = vector.shape_cast %parallel_loop3A_563 : vector<16xf32> to vector<1x16xf32>
      tpu.vector_store %arg9[%parallel_loop3A_564, %parallel_loop3A_565], %parallel_loop3A_568 {strides = array<i32>} : memref<8x1024xf32, #tpu.memory_space<vmem>>, vector<1x16xf32>,
    } {sc.loop_unroll_factor = 8 : i64, sc.parallel_access}
    %add3A_238 = arith.constant 0 : i32
    %add3A_239 = arith.addi %add3A_238, %select_n3A : i32
    %add3A_240 = arith.constant 8 : i32
    %add3A_241 = arith.addi %add3A_239, %add3A_240 : i32
    %min3A_242 = arith.constant 32760 : i32
    %min3A_243 = arith.minsi %add3A_241, %min3A_242 : i32
    %dma_start3A_244 = arith.constant 0 : i32
    %dma_start3A_245 = tpu.memref_slice %arg4[%min3A_243, %dma_start3A_244] : memref<32768x1024xf32, #tpu.memory_space<hbm>> -> memref<8x1024xf32, #tpu.memory_space<hbm>>
    %dma_start3A_246 = arith.constant 0 : i32
    %dma_start3A_247 = tpu.memref_slice %arg4[%min3A_243, %dma_start3A_246] : memref<32768x1024xf32, #tpu.memory_space<hbm>> -> memref<8x1024xf32, #tpu.memory_space<hbm>>
    tpu.enqueue_dma source(%arg9 : memref<8x1024xf32, #tpu.memory_space<vmem>>) target(%dma_start3A_247 : memref<8x1024xf32, #tpu.memory_space<hbm>>) target_semaphore(%arg19 : memref<!tpu.dma_semaphore, #tpu.memory_space<semaphore_mem>>)
    %add3A_248 = arith.constant 0 : i32
    %add3A_249 = arith.addi %add3A_248, %select_n3A : i32
    %add3A_250 = arith.constant 16 : i32
    %add3A_251 = arith.addi %add3A_249, %add3A_250 : i32
    %min3A_252 = arith.constant 32760 : i32
    %min3A_253 = arith.minsi %add3A_251, %min3A_252 : i32
    %dma_start3A_254 = arith.constant 0 : i32
    %dma_start3A_255 = tpu.memref_slice %arg2[%min3A_253, %dma_start3A_254] : memref<32768x1024xf32, #tpu.memory_space<hbm>> -> memref<8x1024xf32, #tpu.memory_space<hbm>>
    %dma_start3A_256 = arith.constant 0 : i32
    %dma_start3A_257 = tpu.memref_slice %arg2[%min3A_253, %dma_start3A_256] : memref<32768x1024xf32, #tpu.memory_space<hbm>> -> memref<8x1024xf32, #tpu.memory_space<hbm>>
    tpu.enqueue_dma source(%dma_start3A_257 : memref<8x1024xf32, #tpu.memory_space<hbm>>) target(%arg5 : memref<8x1024xf32, #tpu.memory_space<vmem>>) target_semaphore(%arg15 : memref<!tpu.dma_semaphore, #tpu.memory_space<semaphore_mem>>)
    %add3A_258 = arith.constant 8192 : i32
    %add3A_259 = arith.addi %add3A_258, %select_n3A : i32
    %add3A_260 = arith.constant 8 : i32
    %add3A_261 = arith.addi %add3A_259, %add3A_260 : i32
    %min3A_262 = arith.constant 32760 : i32
    %min3A_263 = arith.minsi %add3A_261, %min3A_262 : i32
    %dma_wait3A_264 = arith.constant 0 : i32
    %dma_wait3A_265 = tpu.memref_slice %arg2[%min3A_263, %dma_wait3A_264] : memref<32768x1024xf32, #tpu.memory_space<hbm>> -> memref<8x1024xf32, #tpu.memory_space<hbm>>
    %dma_wait3A_266 = arith.constant 0 : i32
    %dma_wait3A_267 = tpu.memref_slice %arg2[%min3A_263, %dma_wait3A_266] : memref<32768x1024xf32, #tpu.memory_space<hbm>> -> memref<8x1024xf32, #tpu.memory_space<hbm>>
    tpu.wait_dma2 semaphore(%arg16 : memref<!tpu.dma_semaphore, #tpu.memory_space<semaphore_mem>>) src(%dma_wait3A_267 : memref<8x1024xf32, #tpu.memory_space<hbm>>) dst(%arg6 : memref<8x1024xf32, #tpu.memory_space<vmem>>)
    %add3A_268 = arith.constant 8192 : i32
    %add3A_269 = arith.addi %add3A_268, %select_n3A : i32
    %add3A_270 = arith.constant 0 : i32
    %add3A_271 = arith.addi %add3A_269, %add3A_270 : i32
    %min3A_272 = arith.constant 32760 : i32
    %min3A_273 = arith.minsi %add3A_271, %min3A_272 : i32
    %dma_wait3A_274 = arith.constant 0 : i32
    %dma_wait3A_275 = tpu.memref_slice %arg4[%min3A_273, %dma_wait3A_274] : memref<32768x1024xf32, #tpu.memory_space<hbm>> -> memref<8x1024xf32, #tpu.memory_space<hbm>>
    %dma_wait3A_276 = arith.constant 0 : i32
    %dma_wait3A_277 = tpu.memref_slice %arg4[%min3A_273, %dma_wait3A_276] : memref<32768x1024xf32, #tpu.memory_space<hbm>> -> memref<8x1024xf32, #tpu.memory_space<hbm>>
    tpu.wait_dma2 semaphore(%arg20 : memref<!tpu.dma_semaphore, #tpu.memory_space<semaphore_mem>>) src(%arg10 : memref<8x1024xf32, #tpu.memory_space<vmem>>) dst(%dma_wait3A_277 : memref<8x1024xf32, #tpu.memory_space<hbm>>)
    %parallel_loop3A_278 = arith.constant 0 : i32
    %parallel_loop3A_279 = arith.constant 512 : i32
    %parallel_loop3A_280 = arith.constant 1 : i32
    scf.for %parallel_loop3A_547 = %parallel_loop3A_278 to %parallel_loop3A_279 step %parallel_loop3A_280  : i32 {
      %parallel_loop3A_548 = arith.constant 6 : i32
      %parallel_loop3A_549 = arith.shrsi %parallel_loop3A_547, %parallel_loop3A_548 : i32
      %parallel_loop3A_550 = arith.constant 63 : i32
      %parallel_loop3A_551 = arith.andi %parallel_loop3A_547, %parallel_loop3A_550 : i32
      %parallel_loop3A_552 = arith.constant 4 : i32
      %parallel_loop3A_553 = arith.shli %parallel_loop3A_551, %parallel_loop3A_552 : i32
      %parallel_loop3A_554 = tpu.assume_multiple %parallel_loop3A_553, 16 : i32
      %parallel_loop3A_555 = arith.index_cast %parallel_loop3A_549 : i32 to index
      %parallel_loop3A_556 = arith.index_cast %parallel_loop3A_554 : i32 to index
      %parallel_loop3A_557 = tpu.vector_load %arg6[%parallel_loop3A_555, %parallel_loop3A_556] {strides = array<i32>} : memref<8x1024xf32, #tpu.memory_space<vmem>>, vector<1x16xf32>,
      %parallel_loop3A_558 = vector.shape_cast %parallel_loop3A_557 : vector<1x16xf32> to vector<16xf32>
      %parallel_loop3A_559 = arith.index_cast %parallel_loop3A_549 : i32 to index
      %parallel_loop3A_560 = arith.index_cast %parallel_loop3A_554 : i32 to index
      %parallel_loop3A_561 = tpu.vector_load %arg14[%parallel_loop3A_559, %parallel_loop3A_560] {strides = array<i32>} : memref<8x1024xf32, #tpu.memory_space<vmem>>, vector<1x16xf32>,
      %parallel_loop3A_562 = vector.shape_cast %parallel_loop3A_561 : vector<1x16xf32> to vector<16xf32>
      %parallel_loop3A_563 = arith.addf %parallel_loop3A_558, %parallel_loop3A_562 : vector<16xf32>
      %parallel_loop3A_564 = arith.index_cast %parallel_loop3A_549 : i32 to index
      %parallel_loop3A_565 = arith.index_cast %parallel_loop3A_554 : i32 to index
      %parallel_loop3A_566 = tpu.vector_load %arg10[%parallel_loop3A_564, %parallel_loop3A_565] {strides = array<i32>} : memref<8x1024xf32, #tpu.memory_space<vmem>>, vector<1x16xf32>,
      %parallel_loop3A_567 = vector.shape_cast %parallel_loop3A_566 : vector<1x16xf32> to vector<16xf32>
      %parallel_loop3A_568 = vector.shape_cast %parallel_loop3A_563 : vector<16xf32> to vector<1x16xf32>
      tpu.vector_store %arg10[%parallel_loop3A_564, %parallel_loop3A_565], %parallel_loop3A_568 {strides = array<i32>} : memref<8x1024xf32, #tpu.memory_space<vmem>>, vector<1x16xf32>,
    } {sc.loop_unroll_factor = 8 : i64, sc.parallel_access}
    %add3A_281 = arith.constant 8192 : i32
    %add3A_282 = arith.addi %add3A_281, %select_n3A : i32
    %add3A_283 = arith.constant 8 : i32
    %add3A_284 = arith.addi %add3A_282, %add3A_283 : i32
    %min3A_285 = arith.constant 32760 : i32
    %min3A_286 = arith.minsi %add3A_284, %min3A_285 : i32
    %dma_start3A_287 = arith.constant 0 : i32
    %dma_start3A_288 = tpu.memref_slice %arg4[%min3A_286, %dma_start3A_287] : memref<32768x1024xf32, #tpu.memory_space<hbm>> -> memref<8x1024xf32, #tpu.memory_space<hbm>>
    %dma_start3A_289 = arith.constant 0 : i32
    %dma_start3A_290 = tpu.memref_slice %arg4[%min3A_286, %dma_start3A_289] : memref<32768x1024xf32, #tpu.memory_space<hbm>> -> memref<8x1024xf32, #tpu.memory_space<hbm>>
    tpu.enqueue_dma source(%arg10 : memref<8x1024xf32, #tpu.memory_space<vmem>>) target(%dma_start3A_290 : memref<8x1024xf32, #tpu.memory_space<hbm>>) target_semaphore(%arg20 : memref<!tpu.dma_semaphore, #tpu.memory_space<semaphore_mem>>)
    %add3A_291 = arith.constant 8192 : i32
    %add3A_292 = arith.addi %add3A_291, %select_n3A : i32
    %add3A_293 = arith.constant 16 : i32
    %add3A_294 = arith.addi %add3A_292, %add3A_293 : i32
    %min3A_295 = arith.constant 32760 : i32
    %min3A_296 = arith.minsi %add3A_294, %min3A_295 : i32
    %dma_start3A_297 = arith.constant 0 : i32
    %dma_start3A_298 = tpu.memref_slice %arg2[%min3A_296, %dma_start3A_297] : memref<32768x1024xf32, #tpu.memory_space<hbm>> -> memref<8x1024xf32, #tpu.memory_space<hbm>>
    %dma_start3A_299 = arith.constant 0 : i32
    %dma_start3A_300 = tpu.memref_slice %arg2[%min3A_296, %dma_start3A_299] : memref<32768x1024xf32, #tpu.memory_space<hbm>> -> memref<8x1024xf32, #tpu.memory_space<hbm>>
    tpu.enqueue_dma source(%dma_start3A_300 : memref<8x1024xf32, #tpu.memory_space<hbm>>) target(%arg6 : memref<8x1024xf32, #tpu.memory_space<vmem>>) target_semaphore(%arg16 : memref<!tpu.dma_semaphore, #tpu.memory_space<semaphore_mem>>)
    %add3A_301 = arith.constant 16384 : i32
    %add3A_302 = arith.addi %add3A_301, %select_n3A : i32
    %add3A_303 = arith.constant 8 : i32
    %add3A_304 = arith.addi %add3A_302, %add3A_303 : i32
    %min3A_305 = arith.constant 32760 : i32
    %min3A_306 = arith.minsi %add3A_304, %min3A_305 : i32
    %dma_wait3A_307 = arith.constant 0 : i32
    %dma_wait3A_308 = tpu.memref_slice %arg2[%min3A_306, %dma_wait3A_307] : memref<32768x1024xf32, #tpu.memory_space<hbm>> -> memref<8x1024xf32, #tpu.memory_space<hbm>>
    %dma_wait3A_309 = arith.constant 0 : i32
    %dma_wait3A_310 = tpu.memref_slice %arg2[%min3A_306, %dma_wait3A_309] : memref<32768x1024xf32, #tpu.memory_space<hbm>> -> memref<8x1024xf32, #tpu.memory_space<hbm>>
    tpu.wait_dma2 semaphore(%arg17 : memref<!tpu.dma_semaphore, #tpu.memory_space<semaphore_mem>>) src(%dma_wait3A_310 : memref<8x1024xf32, #tpu.memory_space<hbm>>) dst(%arg7 : memref<8x1024xf32, #tpu.memory_space<vmem>>)
    %add3A_311 = arith.constant 16384 : i32
    %add3A_312 = arith.addi %add3A_311, %select_n3A : i32
    %add3A_313 = arith.constant 0 : i32
    %add3A_314 = arith.addi %add3A_312, %add3A_313 : i32
    %min3A_315 = arith.constant 32760 : i32
    %min3A_316 = arith.minsi %add3A_314, %min3A_315 : i32
    %dma_wait3A_317 = arith.constant 0 : i32
    %dma_wait3A_318 = tpu.memref_slice %arg4[%min3A_316, %dma_wait3A_317] : memref<32768x1024xf32, #tpu.memory_space<hbm>> -> memref<8x1024xf32, #tpu.memory_space<hbm>>
    %dma_wait3A_319 = arith.constant 0 : i32
    %dma_wait3A_320 = tpu.memref_slice %arg4[%min3A_316, %dma_wait3A_319] : memref<32768x1024xf32, #tpu.memory_space<hbm>> -> memref<8x1024xf32, #tpu.memory_space<hbm>>
    tpu.wait_dma2 semaphore(%arg21 : memref<!tpu.dma_semaphore, #tpu.memory_space<semaphore_mem>>) src(%arg11 : memref<8x1024xf32, #tpu.memory_space<vmem>>) dst(%dma_wait3A_320 : memref<8x1024xf32, #tpu.memory_space<hbm>>)
    %parallel_loop3A_321 = arith.constant 0 : i32
    %parallel_loop3A_322 = arith.constant 512 : i32
    %parallel_loop3A_323 = arith.constant 1 : i32
    scf.for %parallel_loop3A_547 = %parallel_loop3A_321 to %parallel_loop3A_322 step %parallel_loop3A_323  : i32 {
      %parallel_loop3A_548 = arith.constant 6 : i32
      %parallel_loop3A_549 = arith.shrsi %parallel_loop3A_547, %parallel_loop3A_548 : i32
      %parallel_loop3A_550 = arith.constant 63 : i32
      %parallel_loop3A_551 = arith.andi %parallel_loop3A_547, %parallel_loop3A_550 : i32
      %parallel_loop3A_552 = arith.constant 4 : i32
      %parallel_loop3A_553 = arith.shli %parallel_loop3A_551, %parallel_loop3A_552 : i32
      %parallel_loop3A_554 = tpu.assume_multiple %parallel_loop3A_553, 16 : i32
      %parallel_loop3A_555 = arith.index_cast %parallel_loop3A_549 : i32 to index
      %parallel_loop3A_556 = arith.index_cast %parallel_loop3A_554 : i32 to index
      %parallel_loop3A_557 = tpu.vector_load %arg7[%parallel_loop3A_555, %parallel_loop3A_556] {strides = array<i32>} : memref<8x1024xf32, #tpu.memory_space<vmem>>, vector<1x16xf32>,
      %parallel_loop3A_558 = vector.shape_cast %parallel_loop3A_557 : vector<1x16xf32> to vector<16xf32>
      %parallel_loop3A_559 = arith.index_cast %parallel_loop3A_549 : i32 to index
      %parallel_loop3A_560 = arith.index_cast %parallel_loop3A_554 : i32 to index
      %parallel_loop3A_561 = tpu.vector_load %arg14[%parallel_loop3A_559, %parallel_loop3A_560] {strides = array<i32>} : memref<8x1024xf32, #tpu.memory_space<vmem>>, vector<1x16xf32>,
      %parallel_loop3A_562 = vector.shape_cast %parallel_loop3A_561 : vector<1x16xf32> to vector<16xf32>
      %parallel_loop3A_563 = arith.addf %parallel_loop3A_558, %parallel_loop3A_562 : vector<16xf32>
      %parallel_loop3A_564 = arith.index_cast %parallel_loop3A_549 : i32 to index
      %parallel_loop3A_565 = arith.index_cast %parallel_loop3A_554 : i32 to index
      %parallel_loop3A_566 = tpu.vector_load %arg11[%parallel_loop3A_564, %parallel_loop3A_565] {strides = array<i32>} : memref<8x1024xf32, #tpu.memory_space<vmem>>, vector<1x16xf32>,
      %parallel_loop3A_567 = vector.shape_cast %parallel_loop3A_566 : vector<1x16xf32> to vector<16xf32>
      %parallel_loop3A_568 = vector.shape_cast %parallel_loop3A_563 : vector<16xf32> to vector<1x16xf32>
      tpu.vector_store %arg11[%parallel_loop3A_564, %parallel_loop3A_565], %parallel_loop3A_568 {strides = array<i32>} : memref<8x1024xf32, #tpu.memory_space<vmem>>, vector<1x16xf32>,
    } {sc.loop_unroll_factor = 8 : i64, sc.parallel_access}
    %add3A_324 = arith.constant 16384 : i32
    %add3A_325 = arith.addi %add3A_324, %select_n3A : i32
    %add3A_326 = arith.constant 8 : i32
    %add3A_327 = arith.addi %add3A_325, %add3A_326 : i32
    %min3A_328 = arith.constant 32760 : i32
    %min3A_329 = arith.minsi %add3A_327, %min3A_328 : i32
    %dma_start3A_330 = arith.constant 0 : i32
    %dma_start3A_331 = tpu.memref_slice %arg4[%min3A_329, %dma_start3A_330] : memref<32768x1024xf32, #tpu.memory_space<hbm>> -> memref<8x1024xf32, #tpu.memory_space<hbm>>
    %dma_start3A_332 = arith.constant 0 : i32
    %dma_start3A_333 = tpu.memref_slice %arg4[%min3A_329, %dma_start3A_332] : memref<32768x1024xf32, #tpu.memory_space<hbm>> -> memref<8x1024xf32, #tpu.memory_space<hbm>>
    tpu.enqueue_dma source(%arg11 : memref<8x1024xf32, #tpu.memory_space<vmem>>) target(%dma_start3A_333 : memref<8x1024xf32, #tpu.memory_space<hbm>>) target_semaphore(%arg21 : memref<!tpu.dma_semaphore, #tpu.memory_space<semaphore_mem>>)
    %add3A_334 = arith.constant 16384 : i32
    %add3A_335 = arith.addi %add3A_334, %select_n3A : i32
    %add3A_336 = arith.constant 16 : i32
    %add3A_337 = arith.addi %add3A_335, %add3A_336 : i32
    %min3A_338 = arith.constant 32760 : i32
    %min3A_339 = arith.minsi %add3A_337, %min3A_338 : i32
    %dma_start3A_340 = arith.constant 0 : i32
    %dma_start3A_341 = tpu.memref_slice %arg2[%min3A_339, %dma_start3A_340] : memref<32768x1024xf32, #tpu.memory_space<hbm>> -> memref<8x1024xf32, #tpu.memory_space<hbm>>
    %dma_start3A_342 = arith.constant 0 : i32
    %dma_start3A_343 = tpu.memref_slice %arg2[%min3A_339, %dma_start3A_342] : memref<32768x1024xf32, #tpu.memory_space<hbm>> -> memref<8x1024xf32, #tpu.memory_space<hbm>>
    tpu.enqueue_dma source(%dma_start3A_343 : memref<8x1024xf32, #tpu.memory_space<hbm>>) target(%arg7 : memref<8x1024xf32, #tpu.memory_space<vmem>>) target_semaphore(%arg17 : memref<!tpu.dma_semaphore, #tpu.memory_space<semaphore_mem>>)
    %add3A_344 = arith.constant 24576 : i32
    %add3A_345 = arith.addi %add3A_344, %select_n3A : i32
    %add3A_346 = arith.constant 8 : i32
    %add3A_347 = arith.addi %add3A_345, %add3A_346 : i32
    %min3A_348 = arith.constant 32760 : i32
    %min3A_349 = arith.minsi %add3A_347, %min3A_348 : i32
    %dma_wait3A_350 = arith.constant 0 : i32
    %dma_wait3A_351 = tpu.memref_slice %arg2[%min3A_349, %dma_wait3A_350] : memref<32768x1024xf32, #tpu.memory_space<hbm>> -> memref<8x1024xf32, #tpu.memory_space<hbm>>
    %dma_wait3A_352 = arith.constant 0 : i32
    %dma_wait3A_353 = tpu.memref_slice %arg2[%min3A_349, %dma_wait3A_352] : memref<32768x1024xf32, #tpu.memory_space<hbm>> -> memref<8x1024xf32, #tpu.memory_space<hbm>>
    tpu.wait_dma2 semaphore(%arg18 : memref<!tpu.dma_semaphore, #tpu.memory_space<semaphore_mem>>) src(%dma_wait3A_353 : memref<8x1024xf32, #tpu.memory_space<hbm>>) dst(%arg8 : memref<8x1024xf32, #tpu.memory_space<vmem>>)
    %add3A_354 = arith.constant 24576 : i32
    %add3A_355 = arith.addi %add3A_354, %select_n3A : i32
    %add3A_356 = arith.constant 0 : i32
    %add3A_357 = arith.addi %add3A_355, %add3A_356 : i32
    %min3A_358 = arith.constant 32760 : i32
    %min3A_359 = arith.minsi %add3A_357, %min3A_358 : i32
    %dma_wait3A_360 = arith.constant 0 : i32
    %dma_wait3A_361 = tpu.memref_slice %arg4[%min3A_359, %dma_wait3A_360] : memref<32768x1024xf32, #tpu.memory_space<hbm>> -> memref<8x1024xf32, #tpu.memory_space<hbm>>
    %dma_wait3A_362 = arith.constant 0 : i32
    %dma_wait3A_363 = tpu.memref_slice %arg4[%min3A_359, %dma_wait3A_362] : memref<32768x1024xf32, #tpu.memory_space<hbm>> -> memref<8x1024xf32, #tpu.memory_space<hbm>>
    tpu.wait_dma2 semaphore(%arg22 : memref<!tpu.dma_semaphore, #tpu.memory_space<semaphore_mem>>) src(%arg12 : memref<8x1024xf32, #tpu.memory_space<vmem>>) dst(%dma_wait3A_363 : memref<8x1024xf32, #tpu.memory_space<hbm>>)
    %parallel_loop3A_364 = arith.constant 0 : i32
    %parallel_loop3A_365 = arith.constant 512 : i32
    %parallel_loop3A_366 = arith.constant 1 : i32
    scf.for %parallel_loop3A_547 = %parallel_loop3A_364 to %parallel_loop3A_365 step %parallel_loop3A_366  : i32 {
      %parallel_loop3A_548 = arith.constant 6 : i32
      %parallel_loop3A_549 = arith.shrsi %parallel_loop3A_547, %parallel_loop3A_548 : i32
      %parallel_loop3A_550 = arith.constant 63 : i32
      %parallel_loop3A_551 = arith.andi %parallel_loop3A_547, %parallel_loop3A_550 : i32
      %parallel_loop3A_552 = arith.constant 4 : i32
      %parallel_loop3A_553 = arith.shli %parallel_loop3A_551, %parallel_loop3A_552 : i32
      %parallel_loop3A_554 = tpu.assume_multiple %parallel_loop3A_553, 16 : i32
      %parallel_loop3A_555 = arith.index_cast %parallel_loop3A_549 : i32 to index
      %parallel_loop3A_556 = arith.index_cast %parallel_loop3A_554 : i32 to index
      %parallel_loop3A_557 = tpu.vector_load %arg8[%parallel_loop3A_555, %parallel_loop3A_556] {strides = array<i32>} : memref<8x1024xf32, #tpu.memory_space<vmem>>, vector<1x16xf32>,
      %parallel_loop3A_558 = vector.shape_cast %parallel_loop3A_557 : vector<1x16xf32> to vector<16xf32>
      %parallel_loop3A_559 = arith.index_cast %parallel_loop3A_549 : i32 to index
      %parallel_loop3A_560 = arith.index_cast %parallel_loop3A_554 : i32 to index
      %parallel_loop3A_561 = tpu.vector_load %arg14[%parallel_loop3A_559, %parallel_loop3A_560] {strides = array<i32>} : memref<8x1024xf32, #tpu.memory_space<vmem>>, vector<1x16xf32>,
      %parallel_loop3A_562 = vector.shape_cast %parallel_loop3A_561 : vector<1x16xf32> to vector<16xf32>
      %parallel_loop3A_563 = arith.addf %parallel_loop3A_558, %parallel_loop3A_562 : vector<16xf32>
      %parallel_loop3A_564 = arith.index_cast %parallel_loop3A_549 : i32 to index
      %parallel_loop3A_565 = arith.index_cast %parallel_loop3A_554 : i32 to index
      %parallel_loop3A_566 = tpu.vector_load %arg12[%parallel_loop3A_564, %parallel_loop3A_565] {strides = array<i32>} : memref<8x1024xf32, #tpu.memory_space<vmem>>, vector<1x16xf32>,
      %parallel_loop3A_567 = vector.shape_cast %parallel_loop3A_566 : vector<1x16xf32> to vector<16xf32>
      %parallel_loop3A_568 = vector.shape_cast %parallel_loop3A_563 : vector<16xf32> to vector<1x16xf32>
      tpu.vector_store %arg12[%parallel_loop3A_564, %parallel_loop3A_565], %parallel_loop3A_568 {strides = array<i32>} : memref<8x1024xf32, #tpu.memory_space<vmem>>, vector<1x16xf32>,
    } {sc.loop_unroll_factor = 8 : i64, sc.parallel_access}
    %add3A_367 = arith.constant 24576 : i32
    %add3A_368 = arith.addi %add3A_367, %select_n3A : i32
    %add3A_369 = arith.constant 8 : i32
    %add3A_370 = arith.addi %add3A_368, %add3A_369 : i32
    %min3A_371 = arith.constant 32760 : i32
    %min3A_372 = arith.minsi %add3A_370, %min3A_371 : i32
    %dma_start3A_373 = arith.constant 0 : i32
    %dma_start3A_374 = tpu.memref_slice %arg4[%min3A_372, %dma_start3A_373] : memref<32768x1024xf32, #tpu.memory_space<hbm>> -> memref<8x1024xf32, #tpu.memory_space<hbm>>
    %dma_start3A_375 = arith.constant 0 : i32
    %dma_start3A_376 = tpu.memref_slice %arg4[%min3A_372, %dma_start3A_375] : memref<32768x1024xf32, #tpu.memory_space<hbm>> -> memref<8x1024xf32, #tpu.memory_space<hbm>>
    tpu.enqueue_dma source(%arg12 : memref<8x1024xf32, #tpu.memory_space<vmem>>) target(%dma_start3A_376 : memref<8x1024xf32, #tpu.memory_space<hbm>>) target_semaphore(%arg22 : memref<!tpu.dma_semaphore, #tpu.memory_space<semaphore_mem>>)
    %add3A_377 = arith.constant 24576 : i32
    %add3A_378 = arith.addi %add3A_377, %select_n3A : i32
    %add3A_379 = arith.constant 16 : i32
    %add3A_380 = arith.addi %add3A_378, %add3A_379 : i32
    %min3A_381 = arith.constant 32760 : i32
    %min3A_382 = arith.minsi %add3A_380, %min3A_381 : i32
    %dma_start3A_383 = arith.constant 0 : i32
    %dma_start3A_384 = tpu.memref_slice %arg2[%min3A_382, %dma_start3A_383] : memref<32768x1024xf32, #tpu.memory_space<hbm>> -> memref<8x1024xf32, #tpu.memory_space<hbm>>
    %dma_start3A_385 = arith.constant 0 : i32
    %dma_start3A_386 = tpu.memref_slice %arg2[%min3A_382, %dma_start3A_385] : memref<32768x1024xf32, #tpu.memory_space<hbm>> -> memref<8x1024xf32, #tpu.memory_space<hbm>>
    tpu.enqueue_dma source(%dma_start3A_386 : memref<8x1024xf32, #tpu.memory_space<hbm>>) target(%arg8 : memref<8x1024xf32, #tpu.memory_space<vmem>>) target_semaphore(%arg18 : memref<!tpu.dma_semaphore, #tpu.memory_space<semaphore_mem>>)
    %add3A_387 = arith.constant 24 : i32
    %add3A_388 = arith.addi %select_n3A, %add3A_387 : i32
    %min3A_389 = arith.constant 8184 : i32
    %min3A_390 = arith.minsi %add3A_388, %min3A_389 : i32
    %dma_start3A_391 = arith.constant 0 : i32
    %dma_start3A_392 = tpu.memref_slice %arg3[%min3A_390, %dma_start3A_391] : memref<8192x1024xf32, #tpu.memory_space<hbm>> -> memref<8x1024xf32, #tpu.memory_space<hbm>>
    %dma_start3A_393 = arith.constant 0 : i32
    %dma_start3A_394 = tpu.memref_slice %arg3[%min3A_390, %dma_start3A_393] : memref<8192x1024xf32, #tpu.memory_space<hbm>> -> memref<8x1024xf32, #tpu.memory_space<hbm>>
    tpu.enqueue_dma source(%dma_start3A_394 : memref<8x1024xf32, #tpu.memory_space<hbm>>) target(%arg14 : memref<8x1024xf32, #tpu.memory_space<vmem>>) target_semaphore(%arg24 : memref<!tpu.dma_semaphore, #tpu.memory_space<semaphore_mem>>)
    %jit3A_395 = arith.constant 2 : i32
    %div3A = arith.divsi %select_n3A_6, %jit3A_395 : i32
    %sign3A = arith.constant 0 : i32
    %sign3A_396 = arith.cmpi sgt, %select_n3A_6, %sign3A : i32
    %sign3A_397 = arith.extui %sign3A_396 : i1 to i32
    %sign3A_398 = arith.constant 0 : i32
    %sign3A_399 = arith.cmpi slt, %select_n3A_6, %sign3A_398 : i32
    %sign3A_400 = arith.extui %sign3A_399 : i1 to i32
    %sign3A_401 = arith.subi %sign3A_397, %sign3A_400 : i32
    %sign3A_402 = arith.constant 0 : i32
    %sign3A_403 = arith.cmpi sgt, %jit3A_395, %sign3A_402 : i32
    %sign3A_404 = arith.extui %sign3A_403 : i1 to i32
    %sign3A_405 = arith.constant 0 : i32
    %sign3A_406 = arith.cmpi slt, %jit3A_395, %sign3A_405 : i32
    %sign3A_407 = arith.extui %sign3A_406 : i1 to i32
    %sign3A_408 = arith.subi %sign3A_404, %sign3A_407 : i32
    %ne3A = arith.cmpi ne, %sign3A_401, %sign3A_408 : i32
    %rem3A = arith.remsi %select_n3A_6, %jit3A_395 : i32
    %ne3A_409 = arith.constant 0 : i32
    %ne3A_410 = arith.cmpi ne, %rem3A, %ne3A_409 : i32
    %and3A = arith.andi %ne3A, %ne3A_410 : i1
    %sub3A = arith.constant 1 : i32
    %sub3A_411 = arith.subi %div3A, %sub3A : i32
    %select_n3A_412 = arith.select %and3A, %sub3A_411, %div3A : i32
    %sub3A_413 = arith.constant 1 : i32
    %sub3A_414 = arith.subi %select_n3A_412, %sub3A_413 : i32
    %sub3A_415 = arith.constant 1 : i32
    %sub3A_416 = arith.constant 1 : i32
    %sub3A_417 = arith.subi %sub3A_415, %sub3A_416 : i32
    %add3A_418 = arith.addi %sub3A_414, %sub3A_417 : i32
    %div3A_419 = arith.constant 1 : i32
    %div3A_420 = arith.divsi %add3A_418, %div3A_419 : i32
    %while3A = arith.constant 1 : i32
    %while3A_421 = arith.constant 1 : i32
    %while3A_422 = arith.constant 0 : i32
    %while3A_423 = arith.subi %div3A_420, %while3A_422 : i32
    %while3A_424 = arith.addi %while3A_422, %while3A_423 : i32
    %while3A_425 = arith.constant 1 : i32
    %while3A_426 = arith.divsi %while3A_423, %while3A_425 : i32
    %while3A_427 = arith.muli %while3A_426, %while3A_425 : i32
    %while3A_428 = arith.addi %while3A_422, %while3A_427 : i32
    %while3A_429 = arith.constant 1 : i32
    scf.for %while3A_547 = %while3A_422 to %while3A_428 step %while3A_429  : i32 {
      %mul3A_548 = arith.muli %while3A_547, %while3A : i32
      %add3A_549 = arith.addi %while3A_421, %mul3A_548 : i32
      %mul3A_550 = arith.constant 2 : i32
      %mul3A_551 = arith.muli %add3A_549, %mul3A_550 : i32
      %add3A_552 = arith.constant 0 : i32
      %add3A_553 = arith.addi %add3A_552, %select_n3A : i32
      %mul3A_554 = arith.constant 8 : i32
      %mul3A_555 = arith.muli %mul3A_551, %mul3A_554 : i32
      %add3A_556 = arith.addi %add3A_553, %mul3A_555 : i32
      %min3A_557 = arith.constant 32760 : i32
      %min3A_558 = arith.minsi %add3A_556, %min3A_557 : i32
      %dma_wait3A_559 = arith.constant 0 : i32
      %dma_wait3A_560 = tpu.memref_slice %arg2[%min3A_558, %dma_wait3A_559] : memref<32768x1024xf32, #tpu.memory_space<hbm>> -> memref<8x1024xf32, #tpu.memory_space<hbm>>
      %dma_wait3A_561 = arith.constant 0 : i32
      %dma_wait3A_562 = tpu.memref_slice %arg2[%min3A_558, %dma_wait3A_561] : memref<32768x1024xf32, #tpu.memory_space<hbm>> -> memref<8x1024xf32, #tpu.memory_space<hbm>>
      tpu.wait_dma2 semaphore(%arg15 : memref<!tpu.dma_semaphore, #tpu.memory_space<semaphore_mem>>) src(%dma_wait3A_562 : memref<8x1024xf32, #tpu.memory_space<hbm>>) dst(%arg5 : memref<8x1024xf32, #tpu.memory_space<vmem>>)
      %mul3A_563 = arith.constant 8 : i32
      %mul3A_564 = arith.muli %mul3A_551, %mul3A_563 : i32
      %add3A_565 = arith.addi %select_n3A, %mul3A_564 : i32
      %min3A_566 = arith.constant 8184 : i32
      %min3A_567 = arith.minsi %add3A_565, %min3A_566 : i32
      %dma_wait3A_568 = arith.constant 0 : i32
      %dma_wait3A_569 = tpu.memref_slice %arg3[%min3A_567, %dma_wait3A_568] : memref<8192x1024xf32, #tpu.memory_space<hbm>> -> memref<8x1024xf32, #tpu.memory_space<hbm>>
      %dma_wait3A_570 = arith.constant 0 : i32
      %dma_wait3A_571 = tpu.memref_slice %arg3[%min3A_567, %dma_wait3A_570] : memref<8192x1024xf32, #tpu.memory_space<hbm>> -> memref<8x1024xf32, #tpu.memory_space<hbm>>
      tpu.wait_dma2 semaphore(%arg23 : memref<!tpu.dma_semaphore, #tpu.memory_space<semaphore_mem>>) src(%dma_wait3A_571 : memref<8x1024xf32, #tpu.memory_space<hbm>>) dst(%arg13 : memref<8x1024xf32, #tpu.memory_space<vmem>>)
      %sub3A_572 = arith.constant 1 : i32
      %sub3A_573 = arith.subi %mul3A_551, %sub3A_572 : i32
      %add3A_574 = arith.constant 0 : i32
      %add3A_575 = arith.addi %add3A_574, %select_n3A : i32
      %mul3A_576 = arith.constant 8 : i32
      %mul3A_577 = arith.muli %sub3A_573, %mul3A_576 : i32
      %add3A_578 = arith.addi %add3A_575, %mul3A_577 : i32
      %min3A_579 = arith.constant 32760 : i32
      %min3A_580 = arith.minsi %add3A_578, %min3A_579 : i32
      %dma_wait3A_581 = arith.constant 0 : i32
      %dma_wait3A_582 = tpu.memref_slice %arg4[%min3A_580, %dma_wait3A_581] : memref<32768x1024xf32, #tpu.memory_space<hbm>> -> memref<8x1024xf32, #tpu.memory_space<hbm>>
      %dma_wait3A_583 = arith.constant 0 : i32
      %dma_wait3A_584 = tpu.memref_slice %arg4[%min3A_580, %dma_wait3A_583] : memref<32768x1024xf32, #tpu.memory_space<hbm>> -> memref<8x1024xf32, #tpu.memory_space<hbm>>
      tpu.wait_dma2 semaphore(%arg19 : memref<!tpu.dma_semaphore, #tpu.memory_space<semaphore_mem>>) src(%arg9 : memref<8x1024xf32, #tpu.memory_space<vmem>>) dst(%dma_wait3A_584 : memref<8x1024xf32, #tpu.memory_space<hbm>>)
      %parallel_loop3A_585 = arith.constant 0 : i32
      %parallel_loop3A_586 = arith.constant 512 : i32
      %parallel_loop3A_587 = arith.constant 1 : i32
      scf.for %parallel_loop3A_1004 = %parallel_loop3A_585 to %parallel_loop3A_586 step %parallel_loop3A_587  : i32 {
        %parallel_loop3A_1005 = arith.constant 6 : i32
        %parallel_loop3A_1006 = arith.shrsi %parallel_loop3A_1004, %parallel_loop3A_1005 : i32
        %parallel_loop3A_1007 = arith.constant 63 : i32
        %parallel_loop3A_1008 = arith.andi %parallel_loop3A_1004, %parallel_loop3A_1007 : i32
        %parallel_loop3A_1009 = arith.constant 4 : i32
        %parallel_loop3A_1010 = arith.shli %parallel_loop3A_1008, %parallel_loop3A_1009 : i32
        %parallel_loop3A_1011 = tpu.assume_multiple %parallel_loop3A_1010, 16 : i32
        %parallel_loop3A_1012 = arith.index_cast %parallel_loop3A_1006 : i32 to index
        %parallel_loop3A_1013 = arith.index_cast %parallel_loop3A_1011 : i32 to index
        %parallel_loop3A_1014 = tpu.vector_load %arg5[%parallel_loop3A_1012, %parallel_loop3A_1013] {strides = array<i32>} : memref<8x1024xf32, #tpu.memory_space<vmem>>, vector<1x16xf32>,
        %parallel_loop3A_1015 = vector.shape_cast %parallel_loop3A_1014 : vector<1x16xf32> to vector<16xf32>
        %parallel_loop3A_1016 = arith.index_cast %parallel_loop3A_1006 : i32 to index
        %parallel_loop3A_1017 = arith.index_cast %parallel_loop3A_1011 : i32 to index
        %parallel_loop3A_1018 = tpu.vector_load %arg13[%parallel_loop3A_1016, %parallel_loop3A_1017] {strides = array<i32>} : memref<8x1024xf32, #tpu.memory_space<vmem>>, vector<1x16xf32>,
        %parallel_loop3A_1019 = vector.shape_cast %parallel_loop3A_1018 : vector<1x16xf32> to vector<16xf32>
        %parallel_loop3A_1020 = arith.addf %parallel_loop3A_1015, %parallel_loop3A_1019 : vector<16xf32>
        %parallel_loop3A_1021 = arith.index_cast %parallel_loop3A_1006 : i32 to index
        %parallel_loop3A_1022 = arith.index_cast %parallel_loop3A_1011 : i32 to index
        %parallel_loop3A_1023 = tpu.vector_load %arg9[%parallel_loop3A_1021, %parallel_loop3A_1022] {strides = array<i32>} : memref<8x1024xf32, #tpu.memory_space<vmem>>, vector<1x16xf32>,
        %parallel_loop3A_1024 = vector.shape_cast %parallel_loop3A_1023 : vector<1x16xf32> to vector<16xf32>
        %parallel_loop3A_1025 = vector.shape_cast %parallel_loop3A_1020 : vector<16xf32> to vector<1x16xf32>
        tpu.vector_store %arg9[%parallel_loop3A_1021, %parallel_loop3A_1022], %parallel_loop3A_1025 {strides = array<i32>} : memref<8x1024xf32, #tpu.memory_space<vmem>>, vector<1x16xf32>,
      } {sc.loop_unroll_factor = 8 : i64, sc.parallel_access}
      %add3A_588 = arith.constant 0 : i32
      %add3A_589 = arith.addi %add3A_588, %select_n3A : i32
      %mul3A_590 = arith.constant 8 : i32
      %mul3A_591 = arith.muli %mul3A_551, %mul3A_590 : i32
      %add3A_592 = arith.addi %add3A_589, %mul3A_591 : i32
      %min3A_593 = arith.constant 32760 : i32
      %min3A_594 = arith.minsi %add3A_592, %min3A_593 : i32
      %dma_start3A_595 = arith.constant 0 : i32
      %dma_start3A_596 = tpu.memref_slice %arg4[%min3A_594, %dma_start3A_595] : memref<32768x1024xf32, #tpu.memory_space<hbm>> -> memref<8x1024xf32, #tpu.memory_space<hbm>>
      %dma_start3A_597 = arith.constant 0 : i32
      %dma_start3A_598 = tpu.memref_slice %arg4[%min3A_594, %dma_start3A_597] : memref<32768x1024xf32, #tpu.memory_space<hbm>> -> memref<8x1024xf32, #tpu.memory_space<hbm>>
      tpu.enqueue_dma source(%arg9 : memref<8x1024xf32, #tpu.memory_space<vmem>>) target(%dma_start3A_598 : memref<8x1024xf32, #tpu.memory_space<hbm>>) target_semaphore(%arg19 : memref<!tpu.dma_semaphore, #tpu.memory_space<semaphore_mem>>)
      %add3A_599 = arith.constant 1 : i32
      %add3A_600 = arith.addi %mul3A_551, %add3A_599 : i32
      %add3A_601 = arith.constant 0 : i32
      %add3A_602 = arith.addi %add3A_601, %select_n3A : i32
      %mul3A_603 = arith.constant 8 : i32
      %mul3A_604 = arith.muli %add3A_600, %mul3A_603 : i32
      %add3A_605 = arith.addi %add3A_602, %mul3A_604 : i32
      %min3A_606 = arith.constant 32760 : i32
      %min3A_607 = arith.minsi %add3A_605, %min3A_606 : i32
      %dma_start3A_608 = arith.constant 0 : i32
      %dma_start3A_609 = tpu.memref_slice %arg2[%min3A_607, %dma_start3A_608] : memref<32768x1024xf32, #tpu.memory_space<hbm>> -> memref<8x1024xf32, #tpu.memory_space<hbm>>
      %dma_start3A_610 = arith.constant 0 : i32
      %dma_start3A_611 = tpu.memref_slice %arg2[%min3A_607, %dma_start3A_610] : memref<32768x1024xf32, #tpu.memory_space<hbm>> -> memref<8x1024xf32, #tpu.memory_space<hbm>>
      tpu.enqueue_dma source(%dma_start3A_611 : memref<8x1024xf32, #tpu.memory_space<hbm>>) target(%arg5 : memref<8x1024xf32, #tpu.memory_space<vmem>>) target_semaphore(%arg15 : memref<!tpu.dma_semaphore, #tpu.memory_space<semaphore_mem>>)
      %add3A_612 = arith.constant 8192 : i32
      %add3A_613 = arith.addi %add3A_612, %select_n3A : i32
      %mul3A_614 = arith.constant 8 : i32
      %mul3A_615 = arith.muli %mul3A_551, %mul3A_614 : i32
      %add3A_616 = arith.addi %add3A_613, %mul3A_615 : i32
      %min3A_617 = arith.constant 32760 : i32
      %min3A_618 = arith.minsi %add3A_616, %min3A_617 : i32
      %dma_wait3A_619 = arith.constant 0 : i32
      %dma_wait3A_620 = tpu.memref_slice %arg2[%min3A_618, %dma_wait3A_619] : memref<32768x1024xf32, #tpu.memory_space<hbm>> -> memref<8x1024xf32, #tpu.memory_space<hbm>>
      %dma_wait3A_621 = arith.constant 0 : i32
      %dma_wait3A_622 = tpu.memref_slice %arg2[%min3A_618, %dma_wait3A_621] : memref<32768x1024xf32, #tpu.memory_space<hbm>> -> memref<8x1024xf32, #tpu.memory_space<hbm>>
      tpu.wait_dma2 semaphore(%arg16 : memref<!tpu.dma_semaphore, #tpu.memory_space<semaphore_mem>>) src(%dma_wait3A_622 : memref<8x1024xf32, #tpu.memory_space<hbm>>) dst(%arg6 : memref<8x1024xf32, #tpu.memory_space<vmem>>)
      %sub3A_623 = arith.constant 1 : i32
      %sub3A_624 = arith.subi %mul3A_551, %sub3A_623 : i32
      %add3A_625 = arith.constant 8192 : i32
      %add3A_626 = arith.addi %add3A_625, %select_n3A : i32
      %mul3A_627 = arith.constant 8 : i32
      %mul3A_628 = arith.muli %sub3A_624, %mul3A_627 : i32
      %add3A_629 = arith.addi %add3A_626, %mul3A_628 : i32
      %min3A_630 = arith.constant 32760 : i32
      %min3A_631 = arith.minsi %add3A_629, %min3A_630 : i32
      %dma_wait3A_632 = arith.constant 0 : i32
      %dma_wait3A_633 = tpu.memref_slice %arg4[%min3A_631, %dma_wait3A_632] : memref<32768x1024xf32, #tpu.memory_space<hbm>> -> memref<8x1024xf32, #tpu.memory_space<hbm>>
      %dma_wait3A_634 = arith.constant 0 : i32
      %dma_wait3A_635 = tpu.memref_slice %arg4[%min3A_631, %dma_wait3A_634] : memref<32768x1024xf32, #tpu.memory_space<hbm>> -> memref<8x1024xf32, #tpu.memory_space<hbm>>
      tpu.wait_dma2 semaphore(%arg20 : memref<!tpu.dma_semaphore, #tpu.memory_space<semaphore_mem>>) src(%arg10 : memref<8x1024xf32, #tpu.memory_space<vmem>>) dst(%dma_wait3A_635 : memref<8x1024xf32, #tpu.memory_space<hbm>>)
      %parallel_loop3A_636 = arith.constant 0 : i32
      %parallel_loop3A_637 = arith.constant 512 : i32
      %parallel_loop3A_638 = arith.constant 1 : i32
      scf.for %parallel_loop3A_1004 = %parallel_loop3A_636 to %parallel_loop3A_637 step %parallel_loop3A_638  : i32 {
        %parallel_loop3A_1005 = arith.constant 6 : i32
        %parallel_loop3A_1006 = arith.shrsi %parallel_loop3A_1004, %parallel_loop3A_1005 : i32
        %parallel_loop3A_1007 = arith.constant 63 : i32
        %parallel_loop3A_1008 = arith.andi %parallel_loop3A_1004, %parallel_loop3A_1007 : i32
        %parallel_loop3A_1009 = arith.constant 4 : i32
        %parallel_loop3A_1010 = arith.shli %parallel_loop3A_1008, %parallel_loop3A_1009 : i32
        %parallel_loop3A_1011 = tpu.assume_multiple %parallel_loop3A_1010, 16 : i32
        %parallel_loop3A_1012 = arith.index_cast %parallel_loop3A_1006 : i32 to index
        %parallel_loop3A_1013 = arith.index_cast %parallel_loop3A_1011 : i32 to index
        %parallel_loop3A_1014 = tpu.vector_load %arg6[%parallel_loop3A_1012, %parallel_loop3A_1013] {strides = array<i32>} : memref<8x1024xf32, #tpu.memory_space<vmem>>, vector<1x16xf32>,
        %parallel_loop3A_1015 = vector.shape_cast %parallel_loop3A_1014 : vector<1x16xf32> to vector<16xf32>
        %parallel_loop3A_1016 = arith.index_cast %parallel_loop3A_1006 : i32 to index
        %parallel_loop3A_1017 = arith.index_cast %parallel_loop3A_1011 : i32 to index
        %parallel_loop3A_1018 = tpu.vector_load %arg13[%parallel_loop3A_1016, %parallel_loop3A_1017] {strides = array<i32>} : memref<8x1024xf32, #tpu.memory_space<vmem>>, vector<1x16xf32>,
        %parallel_loop3A_1019 = vector.shape_cast %parallel_loop3A_1018 : vector<1x16xf32> to vector<16xf32>
        %parallel_loop3A_1020 = arith.addf %parallel_loop3A_1015, %parallel_loop3A_1019 : vector<16xf32>
        %parallel_loop3A_1021 = arith.index_cast %parallel_loop3A_1006 : i32 to index
        %parallel_loop3A_1022 = arith.index_cast %parallel_loop3A_1011 : i32 to index
        %parallel_loop3A_1023 = tpu.vector_load %arg10[%parallel_loop3A_1021, %parallel_loop3A_1022] {strides = array<i32>} : memref<8x1024xf32, #tpu.memory_space<vmem>>, vector<1x16xf32>,
        %parallel_loop3A_1024 = vector.shape_cast %parallel_loop3A_1023 : vector<1x16xf32> to vector<16xf32>
        %parallel_loop3A_1025 = vector.shape_cast %parallel_loop3A_1020 : vector<16xf32> to vector<1x16xf32>
        tpu.vector_store %arg10[%parallel_loop3A_1021, %parallel_loop3A_1022], %parallel_loop3A_1025 {strides = array<i32>} : memref<8x1024xf32, #tpu.memory_space<vmem>>, vector<1x16xf32>,
      } {sc.loop_unroll_factor = 8 : i64, sc.parallel_access}
      %add3A_639 = arith.constant 8192 : i32
      %add3A_640 = arith.addi %add3A_639, %select_n3A : i32
      %mul3A_641 = arith.constant 8 : i32
      %mul3A_642 = arith.muli %mul3A_551, %mul3A_641 : i32
      %add3A_643 = arith.addi %add3A_640, %mul3A_642 : i32
      %min3A_644 = arith.constant 32760 : i32
      %min3A_645 = arith.minsi %add3A_643, %min3A_644 : i32
      %dma_start3A_646 = arith.constant 0 : i32
      %dma_start3A_647 = tpu.memref_slice %arg4[%min3A_645, %dma_start3A_646] : memref<32768x1024xf32, #tpu.memory_space<hbm>> -> memref<8x1024xf32, #tpu.memory_space<hbm>>
      %dma_start3A_648 = arith.constant 0 : i32
      %dma_start3A_649 = tpu.memref_slice %arg4[%min3A_645, %dma_start3A_648] : memref<32768x1024xf32, #tpu.memory_space<hbm>> -> memref<8x1024xf32, #tpu.memory_space<hbm>>
      tpu.enqueue_dma source(%arg10 : memref<8x1024xf32, #tpu.memory_space<vmem>>) target(%dma_start3A_649 : memref<8x1024xf32, #tpu.memory_space<hbm>>) target_semaphore(%arg20 : memref<!tpu.dma_semaphore, #tpu.memory_space<semaphore_mem>>)
      %add3A_650 = arith.constant 1 : i32
      %add3A_651 = arith.addi %mul3A_551, %add3A_650 : i32
      %add3A_652 = arith.constant 8192 : i32
      %add3A_653 = arith.addi %add3A_652, %select_n3A : i32
      %mul3A_654 = arith.constant 8 : i32
      %mul3A_655 = arith.muli %add3A_651, %mul3A_654 : i32
      %add3A_656 = arith.addi %add3A_653, %mul3A_655 : i32
      %min3A_657 = arith.constant 32760 : i32
      %min3A_658 = arith.minsi %add3A_656, %min3A_657 : i32
      %dma_start3A_659 = arith.constant 0 : i32
      %dma_start3A_660 = tpu.memref_slice %arg2[%min3A_658, %dma_start3A_659] : memref<32768x1024xf32, #tpu.memory_space<hbm>> -> memref<8x1024xf32, #tpu.memory_space<hbm>>
      %dma_start3A_661 = arith.constant 0 : i32
      %dma_start3A_662 = tpu.memref_slice %arg2[%min3A_658, %dma_start3A_661] : memref<32768x1024xf32, #tpu.memory_space<hbm>> -> memref<8x1024xf32, #tpu.memory_space<hbm>>
      tpu.enqueue_dma source(%dma_start3A_662 : memref<8x1024xf32, #tpu.memory_space<hbm>>) target(%arg6 : memref<8x1024xf32, #tpu.memory_space<vmem>>) target_semaphore(%arg16 : memref<!tpu.dma_semaphore, #tpu.memory_space<semaphore_mem>>)
      %add3A_663 = arith.constant 16384 : i32
      %add3A_664 = arith.addi %add3A_663, %select_n3A : i32
      %mul3A_665 = arith.constant 8 : i32
      %mul3A_666 = arith.muli %mul3A_551, %mul3A_665 : i32
      %add3A_667 = arith.addi %add3A_664, %mul3A_666 : i32
      %min3A_668 = arith.constant 32760 : i32
      %min3A_669 = arith.minsi %add3A_667, %min3A_668 : i32
      %dma_wait3A_670 = arith.constant 0 : i32
      %dma_wait3A_671 = tpu.memref_slice %arg2[%min3A_669, %dma_wait3A_670] : memref<32768x1024xf32, #tpu.memory_space<hbm>> -> memref<8x1024xf32, #tpu.memory_space<hbm>>
      %dma_wait3A_672 = arith.constant 0 : i32
      %dma_wait3A_673 = tpu.memref_slice %arg2[%min3A_669, %dma_wait3A_672] : memref<32768x1024xf32, #tpu.memory_space<hbm>> -> memref<8x1024xf32, #tpu.memory_space<hbm>>
      tpu.wait_dma2 semaphore(%arg17 : memref<!tpu.dma_semaphore, #tpu.memory_space<semaphore_mem>>) src(%dma_wait3A_673 : memref<8x1024xf32, #tpu.memory_space<hbm>>) dst(%arg7 : memref<8x1024xf32, #tpu.memory_space<vmem>>)
      %sub3A_674 = arith.constant 1 : i32
      %sub3A_675 = arith.subi %mul3A_551, %sub3A_674 : i32
      %add3A_676 = arith.constant 16384 : i32
      %add3A_677 = arith.addi %add3A_676, %select_n3A : i32
      %mul3A_678 = arith.constant 8 : i32
      %mul3A_679 = arith.muli %sub3A_675, %mul3A_678 : i32
      %add3A_680 = arith.addi %add3A_677, %mul3A_679 : i32
      %min3A_681 = arith.constant 32760 : i32
      %min3A_682 = arith.minsi %add3A_680, %min3A_681 : i32
      %dma_wait3A_683 = arith.constant 0 : i32
      %dma_wait3A_684 = tpu.memref_slice %arg4[%min3A_682, %dma_wait3A_683] : memref<32768x1024xf32, #tpu.memory_space<hbm>> -> memref<8x1024xf32, #tpu.memory_space<hbm>>
      %dma_wait3A_685 = arith.constant 0 : i32
      %dma_wait3A_686 = tpu.memref_slice %arg4[%min3A_682, %dma_wait3A_685] : memref<32768x1024xf32, #tpu.memory_space<hbm>> -> memref<8x1024xf32, #tpu.memory_space<hbm>>
      tpu.wait_dma2 semaphore(%arg21 : memref<!tpu.dma_semaphore, #tpu.memory_space<semaphore_mem>>) src(%arg11 : memref<8x1024xf32, #tpu.memory_space<vmem>>) dst(%dma_wait3A_686 : memref<8x1024xf32, #tpu.memory_space<hbm>>)
      %parallel_loop3A_687 = arith.constant 0 : i32
      %parallel_loop3A_688 = arith.constant 512 : i32
      %parallel_loop3A_689 = arith.constant 1 : i32
      scf.for %parallel_loop3A_1004 = %parallel_loop3A_687 to %parallel_loop3A_688 step %parallel_loop3A_689  : i32 {
        %parallel_loop3A_1005 = arith.constant 6 : i32
        %parallel_loop3A_1006 = arith.shrsi %parallel_loop3A_1004, %parallel_loop3A_1005 : i32
        %parallel_loop3A_1007 = arith.constant 63 : i32
        %parallel_loop3A_1008 = arith.andi %parallel_loop3A_1004, %parallel_loop3A_1007 : i32
        %parallel_loop3A_1009 = arith.constant 4 : i32
        %parallel_loop3A_1010 = arith.shli %parallel_loop3A_1008, %parallel_loop3A_1009 : i32
        %parallel_loop3A_1011 = tpu.assume_multiple %parallel_loop3A_1010, 16 : i32
        %parallel_loop3A_1012 = arith.index_cast %parallel_loop3A_1006 : i32 to index
        %parallel_loop3A_1013 = arith.index_cast %parallel_loop3A_1011 : i32 to index
        %parallel_loop3A_1014 = tpu.vector_load %arg7[%parallel_loop3A_1012, %parallel_loop3A_1013] {strides = array<i32>} : memref<8x1024xf32, #tpu.memory_space<vmem>>, vector<1x16xf32>,
        %parallel_loop3A_1015 = vector.shape_cast %parallel_loop3A_1014 : vector<1x16xf32> to vector<16xf32>
        %parallel_loop3A_1016 = arith.index_cast %parallel_loop3A_1006 : i32 to index
        %parallel_loop3A_1017 = arith.index_cast %parallel_loop3A_1011 : i32 to index
        %parallel_loop3A_1018 = tpu.vector_load %arg13[%parallel_loop3A_1016, %parallel_loop3A_1017] {strides = array<i32>} : memref<8x1024xf32, #tpu.memory_space<vmem>>, vector<1x16xf32>,
        %parallel_loop3A_1019 = vector.shape_cast %parallel_loop3A_1018 : vector<1x16xf32> to vector<16xf32>
        %parallel_loop3A_1020 = arith.addf %parallel_loop3A_1015, %parallel_loop3A_1019 : vector<16xf32>
        %parallel_loop3A_1021 = arith.index_cast %parallel_loop3A_1006 : i32 to index
        %parallel_loop3A_1022 = arith.index_cast %parallel_loop3A_1011 : i32 to index
        %parallel_loop3A_1023 = tpu.vector_load %arg11[%parallel_loop3A_1021, %parallel_loop3A_1022] {strides = array<i32>} : memref<8x1024xf32, #tpu.memory_space<vmem>>, vector<1x16xf32>,
        %parallel_loop3A_1024 = vector.shape_cast %parallel_loop3A_1023 : vector<1x16xf32> to vector<16xf32>
        %parallel_loop3A_1025 = vector.shape_cast %parallel_loop3A_1020 : vector<16xf32> to vector<1x16xf32>
        tpu.vector_store %arg11[%parallel_loop3A_1021, %parallel_loop3A_1022], %parallel_loop3A_1025 {strides = array<i32>} : memref<8x1024xf32, #tpu.memory_space<vmem>>, vector<1x16xf32>,
      } {sc.loop_unroll_factor = 8 : i64, sc.parallel_access}
      %add3A_690 = arith.constant 16384 : i32
      %add3A_691 = arith.addi %add3A_690, %select_n3A : i32
      %mul3A_692 = arith.constant 8 : i32
      %mul3A_693 = arith.muli %mul3A_551, %mul3A_692 : i32
      %add3A_694 = arith.addi %add3A_691, %mul3A_693 : i32
      %min3A_695 = arith.constant 32760 : i32
      %min3A_696 = arith.minsi %add3A_694, %min3A_695 : i32
      %dma_start3A_697 = arith.constant 0 : i32
      %dma_start3A_698 = tpu.memref_slice %arg4[%min3A_696, %dma_start3A_697] : memref<32768x1024xf32, #tpu.memory_space<hbm>> -> memref<8x1024xf32, #tpu.memory_space<hbm>>
      %dma_start3A_699 = arith.constant 0 : i32
      %dma_start3A_700 = tpu.memref_slice %arg4[%min3A_696, %dma_start3A_699] : memref<32768x1024xf32, #tpu.memory_space<hbm>> -> memref<8x1024xf32, #tpu.memory_space<hbm>>
      tpu.enqueue_dma source(%arg11 : memref<8x1024xf32, #tpu.memory_space<vmem>>) target(%dma_start3A_700 : memref<8x1024xf32, #tpu.memory_space<hbm>>) target_semaphore(%arg21 : memref<!tpu.dma_semaphore, #tpu.memory_space<semaphore_mem>>)
      %add3A_701 = arith.constant 1 : i32
      %add3A_702 = arith.addi %mul3A_551, %add3A_701 : i32
      %add3A_703 = arith.constant 16384 : i32
      %add3A_704 = arith.addi %add3A_703, %select_n3A : i32
      %mul3A_705 = arith.constant 8 : i32
      %mul3A_706 = arith.muli %add3A_702, %mul3A_705 : i32
      %add3A_707 = arith.addi %add3A_704, %mul3A_706 : i32
      %min3A_708 = arith.constant 32760 : i32
      %min3A_709 = arith.minsi %add3A_707, %min3A_708 : i32
      %dma_start3A_710 = arith.constant 0 : i32
      %dma_start3A_711 = tpu.memref_slice %arg2[%min3A_709, %dma_start3A_710] : memref<32768x1024xf32, #tpu.memory_space<hbm>> -> memref<8x1024xf32, #tpu.memory_space<hbm>>
      %dma_start3A_712 = arith.constant 0 : i32
      %dma_start3A_713 = tpu.memref_slice %arg2[%min3A_709, %dma_start3A_712] : memref<32768x1024xf32, #tpu.memory_space<hbm>> -> memref<8x1024xf32, #tpu.memory_space<hbm>>
      tpu.enqueue_dma source(%dma_start3A_713 : memref<8x1024xf32, #tpu.memory_space<hbm>>) target(%arg7 : memref<8x1024xf32, #tpu.memory_space<vmem>>) target_semaphore(%arg17 : memref<!tpu.dma_semaphore, #tpu.memory_space<semaphore_mem>>)
      %add3A_714 = arith.constant 24576 : i32
      %add3A_715 = arith.addi %add3A_714, %select_n3A : i32
      %mul3A_716 = arith.constant 8 : i32
      %mul3A_717 = arith.muli %mul3A_551, %mul3A_716 : i32
      %add3A_718 = arith.addi %add3A_715, %mul3A_717 : i32
      %min3A_719 = arith.constant 32760 : i32
      %min3A_720 = arith.minsi %add3A_718, %min3A_719 : i32
      %dma_wait3A_721 = arith.constant 0 : i32
      %dma_wait3A_722 = tpu.memref_slice %arg2[%min3A_720, %dma_wait3A_721] : memref<32768x1024xf32, #tpu.memory_space<hbm>> -> memref<8x1024xf32, #tpu.memory_space<hbm>>
      %dma_wait3A_723 = arith.constant 0 : i32
      %dma_wait3A_724 = tpu.memref_slice %arg2[%min3A_720, %dma_wait3A_723] : memref<32768x1024xf32, #tpu.memory_space<hbm>> -> memref<8x1024xf32, #tpu.memory_space<hbm>>
      tpu.wait_dma2 semaphore(%arg18 : memref<!tpu.dma_semaphore, #tpu.memory_space<semaphore_mem>>) src(%dma_wait3A_724 : memref<8x1024xf32, #tpu.memory_space<hbm>>) dst(%arg8 : memref<8x1024xf32, #tpu.memory_space<vmem>>)
      %sub3A_725 = arith.constant 1 : i32
      %sub3A_726 = arith.subi %mul3A_551, %sub3A_725 : i32
      %add3A_727 = arith.constant 24576 : i32
      %add3A_728 = arith.addi %add3A_727, %select_n3A : i32
      %mul3A_729 = arith.constant 8 : i32
      %mul3A_730 = arith.muli %sub3A_726, %mul3A_729 : i32
      %add3A_731 = arith.addi %add3A_728, %mul3A_730 : i32
      %min3A_732 = arith.constant 32760 : i32
      %min3A_733 = arith.minsi %add3A_731, %min3A_732 : i32
      %dma_wait3A_734 = arith.constant 0 : i32
      %dma_wait3A_735 = tpu.memref_slice %arg4[%min3A_733, %dma_wait3A_734] : memref<32768x1024xf32, #tpu.memory_space<hbm>> -> memref<8x1024xf32, #tpu.memory_space<hbm>>
      %dma_wait3A_736 = arith.constant 0 : i32
      %dma_wait3A_737 = tpu.memref_slice %arg4[%min3A_733, %dma_wait3A_736] : memref<32768x1024xf32, #tpu.memory_space<hbm>> -> memref<8x1024xf32, #tpu.memory_space<hbm>>
      tpu.wait_dma2 semaphore(%arg22 : memref<!tpu.dma_semaphore, #tpu.memory_space<semaphore_mem>>) src(%arg12 : memref<8x1024xf32, #tpu.memory_space<vmem>>) dst(%dma_wait3A_737 : memref<8x1024xf32, #tpu.memory_space<hbm>>)
      %parallel_loop3A_738 = arith.constant 0 : i32
      %parallel_loop3A_739 = arith.constant 512 : i32
      %parallel_loop3A_740 = arith.constant 1 : i32
      scf.for %parallel_loop3A_1004 = %parallel_loop3A_738 to %parallel_loop3A_739 step %parallel_loop3A_740  : i32 {
        %parallel_loop3A_1005 = arith.constant 6 : i32
        %parallel_loop3A_1006 = arith.shrsi %parallel_loop3A_1004, %parallel_loop3A_1005 : i32
        %parallel_loop3A_1007 = arith.constant 63 : i32
        %parallel_loop3A_1008 = arith.andi %parallel_loop3A_1004, %parallel_loop3A_1007 : i32
        %parallel_loop3A_1009 = arith.constant 4 : i32
        %parallel_loop3A_1010 = arith.shli %parallel_loop3A_1008, %parallel_loop3A_1009 : i32
        %parallel_loop3A_1011 = tpu.assume_multiple %parallel_loop3A_1010, 16 : i32
        %parallel_loop3A_1012 = arith.index_cast %parallel_loop3A_1006 : i32 to index
        %parallel_loop3A_1013 = arith.index_cast %parallel_loop3A_1011 : i32 to index
        %parallel_loop3A_1014 = tpu.vector_load %arg8[%parallel_loop3A_1012, %parallel_loop3A_1013] {strides = array<i32>} : memref<8x1024xf32, #tpu.memory_space<vmem>>, vector<1x16xf32>,
        %parallel_loop3A_1015 = vector.shape_cast %parallel_loop3A_1014 : vector<1x16xf32> to vector<16xf32>
        %parallel_loop3A_1016 = arith.index_cast %parallel_loop3A_1006 : i32 to index
        %parallel_loop3A_1017 = arith.index_cast %parallel_loop3A_1011 : i32 to index
        %parallel_loop3A_1018 = tpu.vector_load %arg13[%parallel_loop3A_1016, %parallel_loop3A_1017] {strides = array<i32>} : memref<8x1024xf32, #tpu.memory_space<vmem>>, vector<1x16xf32>,
        %parallel_loop3A_1019 = vector.shape_cast %parallel_loop3A_1018 : vector<1x16xf32> to vector<16xf32>
        %parallel_loop3A_1020 = arith.addf %parallel_loop3A_1015, %parallel_loop3A_1019 : vector<16xf32>
        %parallel_loop3A_1021 = arith.index_cast %parallel_loop3A_1006 : i32 to index
        %parallel_loop3A_1022 = arith.index_cast %parallel_loop3A_1011 : i32 to index
        %parallel_loop3A_1023 = tpu.vector_load %arg12[%parallel_loop3A_1021, %parallel_loop3A_1022] {strides = array<i32>} : memref<8x1024xf32, #tpu.memory_space<vmem>>, vector<1x16xf32>,
        %parallel_loop3A_1024 = vector.shape_cast %parallel_loop3A_1023 : vector<1x16xf32> to vector<16xf32>
        %parallel_loop3A_1025 = vector.shape_cast %parallel_loop3A_1020 : vector<16xf32> to vector<1x16xf32>
        tpu.vector_store %arg12[%parallel_loop3A_1021, %parallel_loop3A_1022], %parallel_loop3A_1025 {strides = array<i32>} : memref<8x1024xf32, #tpu.memory_space<vmem>>, vector<1x16xf32>,
      } {sc.loop_unroll_factor = 8 : i64, sc.parallel_access}
      %add3A_741 = arith.constant 24576 : i32
      %add3A_742 = arith.addi %add3A_741, %select_n3A : i32
      %mul3A_743 = arith.constant 8 : i32
      %mul3A_744 = arith.muli %mul3A_551, %mul3A_743 : i32
      %add3A_745 = arith.addi %add3A_742, %mul3A_744 : i32
      %min3A_746 = arith.constant 32760 : i32
      %min3A_747 = arith.minsi %add3A_745, %min3A_746 : i32
      %dma_start3A_748 = arith.constant 0 : i32
      %dma_start3A_749 = tpu.memref_slice %arg4[%min3A_747, %dma_start3A_748] : memref<32768x1024xf32, #tpu.memory_space<hbm>> -> memref<8x1024xf32, #tpu.memory_space<hbm>>
      %dma_start3A_750 = arith.constant 0 : i32
      %dma_start3A_751 = tpu.memref_slice %arg4[%min3A_747, %dma_start3A_750] : memref<32768x1024xf32, #tpu.memory_space<hbm>> -> memref<8x1024xf32, #tpu.memory_space<hbm>>
      tpu.enqueue_dma source(%arg12 : memref<8x1024xf32, #tpu.memory_space<vmem>>) target(%dma_start3A_751 : memref<8x1024xf32, #tpu.memory_space<hbm>>) target_semaphore(%arg22 : memref<!tpu.dma_semaphore, #tpu.memory_space<semaphore_mem>>)
      %add3A_752 = arith.constant 1 : i32
      %add3A_753 = arith.addi %mul3A_551, %add3A_752 : i32
      %add3A_754 = arith.constant 24576 : i32
      %add3A_755 = arith.addi %add3A_754, %select_n3A : i32
      %mul3A_756 = arith.constant 8 : i32
      %mul3A_757 = arith.muli %add3A_753, %mul3A_756 : i32
      %add3A_758 = arith.addi %add3A_755, %mul3A_757 : i32
      %min3A_759 = arith.constant 32760 : i32
      %min3A_760 = arith.minsi %add3A_758, %min3A_759 : i32
      %dma_start3A_761 = arith.constant 0 : i32
      %dma_start3A_762 = tpu.memref_slice %arg2[%min3A_760, %dma_start3A_761] : memref<32768x1024xf32, #tpu.memory_space<hbm>> -> memref<8x1024xf32, #tpu.memory_space<hbm>>
      %dma_start3A_763 = arith.constant 0 : i32
      %dma_start3A_764 = tpu.memref_slice %arg2[%min3A_760, %dma_start3A_763] : memref<32768x1024xf32, #tpu.memory_space<hbm>> -> memref<8x1024xf32, #tpu.memory_space<hbm>>
      tpu.enqueue_dma source(%dma_start3A_764 : memref<8x1024xf32, #tpu.memory_space<hbm>>) target(%arg8 : memref<8x1024xf32, #tpu.memory_space<vmem>>) target_semaphore(%arg18 : memref<!tpu.dma_semaphore, #tpu.memory_space<semaphore_mem>>)
      %add3A_765 = arith.constant 2 : i32
      %add3A_766 = arith.addi %mul3A_551, %add3A_765 : i32
      %mul3A_767 = arith.constant 8 : i32
      %mul3A_768 = arith.muli %add3A_766, %mul3A_767 : i32
      %add3A_769 = arith.addi %select_n3A, %mul3A_768 : i32
      %min3A_770 = arith.constant 8184 : i32
      %min3A_771 = arith.minsi %add3A_769, %min3A_770 : i32
      %dma_start3A_772 = arith.constant 0 : i32
      %dma_start3A_773 = tpu.memref_slice %arg3[%min3A_771, %dma_start3A_772] : memref<8192x1024xf32, #tpu.memory_space<hbm>> -> memref<8x1024xf32, #tpu.memory_space<hbm>>
      %dma_start3A_774 = arith.constant 0 : i32
      %dma_start3A_775 = tpu.memref_slice %arg3[%min3A_771, %dma_start3A_774] : memref<8192x1024xf32, #tpu.memory_space<hbm>> -> memref<8x1024xf32, #tpu.memory_space<hbm>>
      tpu.enqueue_dma source(%dma_start3A_775 : memref<8x1024xf32, #tpu.memory_space<hbm>>) target(%arg13 : memref<8x1024xf32, #tpu.memory_space<vmem>>) target_semaphore(%arg23 : memref<!tpu.dma_semaphore, #tpu.memory_space<semaphore_mem>>)
      %mul3A_776 = arith.constant 2 : i32
      %mul3A_777 = arith.muli %add3A_549, %mul3A_776 : i32
      %add3A_778 = arith.constant 1 : i32
      %add3A_779 = arith.addi %mul3A_777, %add3A_778 : i32
      %add3A_780 = arith.constant 0 : i32
      %add3A_781 = arith.addi %add3A_780, %select_n3A : i32
      %mul3A_782 = arith.constant 8 : i32
      %mul3A_783 = arith.muli %add3A_779, %mul3A_782 : i32
      %add3A_784 = arith.addi %add3A_781, %mul3A_783 : i32
      %min3A_785 = arith.constant 32760 : i32
      %min3A_786 = arith.minsi %add3A_784, %min3A_785 : i32
      %dma_wait3A_787 = arith.constant 0 : i32
      %dma_wait3A_788 = tpu.memref_slice %arg2[%min3A_786, %dma_wait3A_787] : memref<32768x1024xf32, #tpu.memory_space<hbm>> -> memref<8x1024xf32, #tpu.memory_space<hbm>>
      %dma_wait3A_789 = arith.constant 0 : i32
      %dma_wait3A_790 = tpu.memref_slice %arg2[%min3A_786, %dma_wait3A_789] : memref<32768x1024xf32, #tpu.memory_space<hbm>> -> memref<8x1024xf32, #tpu.memory_space<hbm>>
      tpu.wait_dma2 semaphore(%arg15 : memref<!tpu.dma_semaphore, #tpu.memory_space<semaphore_mem>>) src(%dma_wait3A_790 : memref<8x1024xf32, #tpu.memory_space<hbm>>) dst(%arg5 : memref<8x1024xf32, #tpu.memory_space<vmem>>)
      %mul3A_791 = arith.constant 8 : i32
      %mul3A_792 = arith.muli %add3A_779, %mul3A_791 : i32
      %add3A_793 = arith.addi %select_n3A, %mul3A_792 : i32
      %min3A_794 = arith.constant 8184 : i32
      %min3A_795 = arith.minsi %add3A_793, %min3A_794 : i32
      %dma_wait3A_796 = arith.constant 0 : i32
      %dma_wait3A_797 = tpu.memref_slice %arg3[%min3A_795, %dma_wait3A_796] : memref<8192x1024xf32, #tpu.memory_space<hbm>> -> memref<8x1024xf32, #tpu.memory_space<hbm>>
      %dma_wait3A_798 = arith.constant 0 : i32
      %dma_wait3A_799 = tpu.memref_slice %arg3[%min3A_795, %dma_wait3A_798] : memref<8192x1024xf32, #tpu.memory_space<hbm>> -> memref<8x1024xf32, #tpu.memory_space<hbm>>
      tpu.wait_dma2 semaphore(%arg24 : memref<!tpu.dma_semaphore, #tpu.memory_space<semaphore_mem>>) src(%dma_wait3A_799 : memref<8x1024xf32, #tpu.memory_space<hbm>>) dst(%arg14 : memref<8x1024xf32, #tpu.memory_space<vmem>>)
      %sub3A_800 = arith.constant 1 : i32
      %sub3A_801 = arith.subi %add3A_779, %sub3A_800 : i32
      %add3A_802 = arith.constant 0 : i32
      %add3A_803 = arith.addi %add3A_802, %select_n3A : i32
      %mul3A_804 = arith.constant 8 : i32
      %mul3A_805 = arith.muli %sub3A_801, %mul3A_804 : i32
      %add3A_806 = arith.addi %add3A_803, %mul3A_805 : i32
      %min3A_807 = arith.constant 32760 : i32
      %min3A_808 = arith.minsi %add3A_806, %min3A_807 : i32
      %dma_wait3A_809 = arith.constant 0 : i32
      %dma_wait3A_810 = tpu.memref_slice %arg4[%min3A_808, %dma_wait3A_809] : memref<32768x1024xf32, #tpu.memory_space<hbm>> -> memref<8x1024xf32, #tpu.memory_space<hbm>>
      %dma_wait3A_811 = arith.constant 0 : i32
      %dma_wait3A_812 = tpu.memref_slice %arg4[%min3A_808, %dma_wait3A_811] : memref<32768x1024xf32, #tpu.memory_space<hbm>> -> memref<8x1024xf32, #tpu.memory_space<hbm>>
      tpu.wait_dma2 semaphore(%arg19 : memref<!tpu.dma_semaphore, #tpu.memory_space<semaphore_mem>>) src(%arg9 : memref<8x1024xf32, #tpu.memory_space<vmem>>) dst(%dma_wait3A_812 : memref<8x1024xf32, #tpu.memory_space<hbm>>)
      %parallel_loop3A_813 = arith.constant 0 : i32
      %parallel_loop3A_814 = arith.constant 512 : i32
      %parallel_loop3A_815 = arith.constant 1 : i32
      scf.for %parallel_loop3A_1004 = %parallel_loop3A_813 to %parallel_loop3A_814 step %parallel_loop3A_815  : i32 {
        %parallel_loop3A_1005 = arith.constant 6 : i32
        %parallel_loop3A_1006 = arith.shrsi %parallel_loop3A_1004, %parallel_loop3A_1005 : i32
        %parallel_loop3A_1007 = arith.constant 63 : i32
        %parallel_loop3A_1008 = arith.andi %parallel_loop3A_1004, %parallel_loop3A_1007 : i32
        %parallel_loop3A_1009 = arith.constant 4 : i32
        %parallel_loop3A_1010 = arith.shli %parallel_loop3A_1008, %parallel_loop3A_1009 : i32
        %parallel_loop3A_1011 = tpu.assume_multiple %parallel_loop3A_1010, 16 : i32
        %parallel_loop3A_1012 = arith.index_cast %parallel_loop3A_1006 : i32 to index
        %parallel_loop3A_1013 = arith.index_cast %parallel_loop3A_1011 : i32 to index
        %parallel_loop3A_1014 = tpu.vector_load %arg5[%parallel_loop3A_1012, %parallel_loop3A_1013] {strides = array<i32>} : memref<8x1024xf32, #tpu.memory_space<vmem>>, vector<1x16xf32>,
        %parallel_loop3A_1015 = vector.shape_cast %parallel_loop3A_1014 : vector<1x16xf32> to vector<16xf32>
        %parallel_loop3A_1016 = arith.index_cast %parallel_loop3A_1006 : i32 to index
        %parallel_loop3A_1017 = arith.index_cast %parallel_loop3A_1011 : i32 to index
        %parallel_loop3A_1018 = tpu.vector_load %arg14[%parallel_loop3A_1016, %parallel_loop3A_1017] {strides = array<i32>} : memref<8x1024xf32, #tpu.memory_space<vmem>>, vector<1x16xf32>,
        %parallel_loop3A_1019 = vector.shape_cast %parallel_loop3A_1018 : vector<1x16xf32> to vector<16xf32>
        %parallel_loop3A_1020 = arith.addf %parallel_loop3A_1015, %parallel_loop3A_1019 : vector<16xf32>
        %parallel_loop3A_1021 = arith.index_cast %parallel_loop3A_1006 : i32 to index
        %parallel_loop3A_1022 = arith.index_cast %parallel_loop3A_1011 : i32 to index
        %parallel_loop3A_1023 = tpu.vector_load %arg9[%parallel_loop3A_1021, %parallel_loop3A_1022] {strides = array<i32>} : memref<8x1024xf32, #tpu.memory_space<vmem>>, vector<1x16xf32>,
        %parallel_loop3A_1024 = vector.shape_cast %parallel_loop3A_1023 : vector<1x16xf32> to vector<16xf32>
        %parallel_loop3A_1025 = vector.shape_cast %parallel_loop3A_1020 : vector<16xf32> to vector<1x16xf32>
        tpu.vector_store %arg9[%parallel_loop3A_1021, %parallel_loop3A_1022], %parallel_loop3A_1025 {strides = array<i32>} : memref<8x1024xf32, #tpu.memory_space<vmem>>, vector<1x16xf32>,
      } {sc.loop_unroll_factor = 8 : i64, sc.parallel_access}
      %add3A_816 = arith.constant 0 : i32
      %add3A_817 = arith.addi %add3A_816, %select_n3A : i32
      %mul3A_818 = arith.constant 8 : i32
      %mul3A_819 = arith.muli %add3A_779, %mul3A_818 : i32
      %add3A_820 = arith.addi %add3A_817, %mul3A_819 : i32
      %min3A_821 = arith.constant 32760 : i32
      %min3A_822 = arith.minsi %add3A_820, %min3A_821 : i32
      %dma_start3A_823 = arith.constant 0 : i32
      %dma_start3A_824 = tpu.memref_slice %arg4[%min3A_822, %dma_start3A_823] : memref<32768x1024xf32, #tpu.memory_space<hbm>> -> memref<8x1024xf32, #tpu.memory_space<hbm>>
      %dma_start3A_825 = arith.constant 0 : i32
      %dma_start3A_826 = tpu.memref_slice %arg4[%min3A_822, %dma_start3A_825] : memref<32768x1024xf32, #tpu.memory_space<hbm>> -> memref<8x1024xf32, #tpu.memory_space<hbm>>
      tpu.enqueue_dma source(%arg9 : memref<8x1024xf32, #tpu.memory_space<vmem>>) target(%dma_start3A_826 : memref<8x1024xf32, #tpu.memory_space<hbm>>) target_semaphore(%arg19 : memref<!tpu.dma_semaphore, #tpu.memory_space<semaphore_mem>>)
      %add3A_827 = arith.constant 1 : i32
      %add3A_828 = arith.addi %add3A_779, %add3A_827 : i32
      %add3A_829 = arith.constant 0 : i32
      %add3A_830 = arith.addi %add3A_829, %select_n3A : i32
      %mul3A_831 = arith.constant 8 : i32
      %mul3A_832 = arith.muli %add3A_828, %mul3A_831 : i32
      %add3A_833 = arith.addi %add3A_830, %mul3A_832 : i32
      %min3A_834 = arith.constant 32760 : i32
      %min3A_835 = arith.minsi %add3A_833, %min3A_834 : i32
      %dma_start3A_836 = arith.constant 0 : i32
      %dma_start3A_837 = tpu.memref_slice %arg2[%min3A_835, %dma_start3A_836] : memref<32768x1024xf32, #tpu.memory_space<hbm>> -> memref<8x1024xf32, #tpu.memory_space<hbm>>
      %dma_start3A_838 = arith.constant 0 : i32
      %dma_start3A_839 = tpu.memref_slice %arg2[%min3A_835, %dma_start3A_838] : memref<32768x1024xf32, #tpu.memory_space<hbm>> -> memref<8x1024xf32, #tpu.memory_space<hbm>>
      tpu.enqueue_dma source(%dma_start3A_839 : memref<8x1024xf32, #tpu.memory_space<hbm>>) target(%arg5 : memref<8x1024xf32, #tpu.memory_space<vmem>>) target_semaphore(%arg15 : memref<!tpu.dma_semaphore, #tpu.memory_space<semaphore_mem>>)
      %add3A_840 = arith.constant 8192 : i32
      %add3A_841 = arith.addi %add3A_840, %select_n3A : i32
      %mul3A_842 = arith.constant 8 : i32
      %mul3A_843 = arith.muli %add3A_779, %mul3A_842 : i32
      %add3A_844 = arith.addi %add3A_841, %mul3A_843 : i32
      %min3A_845 = arith.constant 32760 : i32
      %min3A_846 = arith.minsi %add3A_844, %min3A_845 : i32
      %dma_wait3A_847 = arith.constant 0 : i32
      %dma_wait3A_848 = tpu.memref_slice %arg2[%min3A_846, %dma_wait3A_847] : memref<32768x1024xf32, #tpu.memory_space<hbm>> -> memref<8x1024xf32, #tpu.memory_space<hbm>>
      %dma_wait3A_849 = arith.constant 0 : i32
      %dma_wait3A_850 = tpu.memref_slice %arg2[%min3A_846, %dma_wait3A_849] : memref<32768x1024xf32, #tpu.memory_space<hbm>> -> memref<8x1024xf32, #tpu.memory_space<hbm>>
      tpu.wait_dma2 semaphore(%arg16 : memref<!tpu.dma_semaphore, #tpu.memory_space<semaphore_mem>>) src(%dma_wait3A_850 : memref<8x1024xf32, #tpu.memory_space<hbm>>) dst(%arg6 : memref<8x1024xf32, #tpu.memory_space<vmem>>)
      %sub3A_851 = arith.constant 1 : i32
      %sub3A_852 = arith.subi %add3A_779, %sub3A_851 : i32
      %add3A_853 = arith.constant 8192 : i32
      %add3A_854 = arith.addi %add3A_853, %select_n3A : i32
      %mul3A_855 = arith.constant 8 : i32
      %mul3A_856 = arith.muli %sub3A_852, %mul3A_855 : i32
      %add3A_857 = arith.addi %add3A_854, %mul3A_856 : i32
      %min3A_858 = arith.constant 32760 : i32
      %min3A_859 = arith.minsi %add3A_857, %min3A_858 : i32
      %dma_wait3A_860 = arith.constant 0 : i32
      %dma_wait3A_861 = tpu.memref_slice %arg4[%min3A_859, %dma_wait3A_860] : memref<32768x1024xf32, #tpu.memory_space<hbm>> -> memref<8x1024xf32, #tpu.memory_space<hbm>>
      %dma_wait3A_862 = arith.constant 0 : i32
      %dma_wait3A_863 = tpu.memref_slice %arg4[%min3A_859, %dma_wait3A_862] : memref<32768x1024xf32, #tpu.memory_space<hbm>> -> memref<8x1024xf32, #tpu.memory_space<hbm>>
      tpu.wait_dma2 semaphore(%arg20 : memref<!tpu.dma_semaphore, #tpu.memory_space<semaphore_mem>>) src(%arg10 : memref<8x1024xf32, #tpu.memory_space<vmem>>) dst(%dma_wait3A_863 : memref<8x1024xf32, #tpu.memory_space<hbm>>)
      %parallel_loop3A_864 = arith.constant 0 : i32
      %parallel_loop3A_865 = arith.constant 512 : i32
      %parallel_loop3A_866 = arith.constant 1 : i32
      scf.for %parallel_loop3A_1004 = %parallel_loop3A_864 to %parallel_loop3A_865 step %parallel_loop3A_866  : i32 {
        %parallel_loop3A_1005 = arith.constant 6 : i32
        %parallel_loop3A_1006 = arith.shrsi %parallel_loop3A_1004, %parallel_loop3A_1005 : i32
        %parallel_loop3A_1007 = arith.constant 63 : i32
        %parallel_loop3A_1008 = arith.andi %parallel_loop3A_1004, %parallel_loop3A_1007 : i32
        %parallel_loop3A_1009 = arith.constant 4 : i32
        %parallel_loop3A_1010 = arith.shli %parallel_loop3A_1008, %parallel_loop3A_1009 : i32
        %parallel_loop3A_1011 = tpu.assume_multiple %parallel_loop3A_1010, 16 : i32
        %parallel_loop3A_1012 = arith.index_cast %parallel_loop3A_1006 : i32 to index
        %parallel_loop3A_1013 = arith.index_cast %parallel_loop3A_1011 : i32 to index
        %parallel_loop3A_1014 = tpu.vector_load %arg6[%parallel_loop3A_1012, %parallel_loop3A_1013] {strides = array<i32>} : memref<8x1024xf32, #tpu.memory_space<vmem>>, vector<1x16xf32>,
        %parallel_loop3A_1015 = vector.shape_cast %parallel_loop3A_1014 : vector<1x16xf32> to vector<16xf32>
        %parallel_loop3A_1016 = arith.index_cast %parallel_loop3A_1006 : i32 to index
        %parallel_loop3A_1017 = arith.index_cast %parallel_loop3A_1011 : i32 to index
        %parallel_loop3A_1018 = tpu.vector_load %arg14[%parallel_loop3A_1016, %parallel_loop3A_1017] {strides = array<i32>} : memref<8x1024xf32, #tpu.memory_space<vmem>>, vector<1x16xf32>,
        %parallel_loop3A_1019 = vector.shape_cast %parallel_loop3A_1018 : vector<1x16xf32> to vector<16xf32>
        %parallel_loop3A_1020 = arith.addf %parallel_loop3A_1015, %parallel_loop3A_1019 : vector<16xf32>
        %parallel_loop3A_1021 = arith.index_cast %parallel_loop3A_1006 : i32 to index
        %parallel_loop3A_1022 = arith.index_cast %parallel_loop3A_1011 : i32 to index
        %parallel_loop3A_1023 = tpu.vector_load %arg10[%parallel_loop3A_1021, %parallel_loop3A_1022] {strides = array<i32>} : memref<8x1024xf32, #tpu.memory_space<vmem>>, vector<1x16xf32>,
        %parallel_loop3A_1024 = vector.shape_cast %parallel_loop3A_1023 : vector<1x16xf32> to vector<16xf32>
        %parallel_loop3A_1025 = vector.shape_cast %parallel_loop3A_1020 : vector<16xf32> to vector<1x16xf32>
        tpu.vector_store %arg10[%parallel_loop3A_1021, %parallel_loop3A_1022], %parallel_loop3A_1025 {strides = array<i32>} : memref<8x1024xf32, #tpu.memory_space<vmem>>, vector<1x16xf32>,
      } {sc.loop_unroll_factor = 8 : i64, sc.parallel_access}
      %add3A_867 = arith.constant 8192 : i32
      %add3A_868 = arith.addi %add3A_867, %select_n3A : i32
      %mul3A_869 = arith.constant 8 : i32
      %mul3A_870 = arith.muli %add3A_779, %mul3A_869 : i32
      %add3A_871 = arith.addi %add3A_868, %mul3A_870 : i32
      %min3A_872 = arith.constant 32760 : i32
      %min3A_873 = arith.minsi %add3A_871, %min3A_872 : i32
      %dma_start3A_874 = arith.constant 0 : i32
      %dma_start3A_875 = tpu.memref_slice %arg4[%min3A_873, %dma_start3A_874] : memref<32768x1024xf32, #tpu.memory_space<hbm>> -> memref<8x1024xf32, #tpu.memory_space<hbm>>
      %dma_start3A_876 = arith.constant 0 : i32
      %dma_start3A_877 = tpu.memref_slice %arg4[%min3A_873, %dma_start3A_876] : memref<32768x1024xf32, #tpu.memory_space<hbm>> -> memref<8x1024xf32, #tpu.memory_space<hbm>>
      tpu.enqueue_dma source(%arg10 : memref<8x1024xf32, #tpu.memory_space<vmem>>) target(%dma_start3A_877 : memref<8x1024xf32, #tpu.memory_space<hbm>>) target_semaphore(%arg20 : memref<!tpu.dma_semaphore, #tpu.memory_space<semaphore_mem>>)
      %add3A_878 = arith.constant 1 : i32
      %add3A_879 = arith.addi %add3A_779, %add3A_878 : i32
      %add3A_880 = arith.constant 8192 : i32
      %add3A_881 = arith.addi %add3A_880, %select_n3A : i32
      %mul3A_882 = arith.constant 8 : i32
      %mul3A_883 = arith.muli %add3A_879, %mul3A_882 : i32
      %add3A_884 = arith.addi %add3A_881, %mul3A_883 : i32
      %min3A_885 = arith.constant 32760 : i32
      %min3A_886 = arith.minsi %add3A_884, %min3A_885 : i32
      %dma_start3A_887 = arith.constant 0 : i32
      %dma_start3A_888 = tpu.memref_slice %arg2[%min3A_886, %dma_start3A_887] : memref<32768x1024xf32, #tpu.memory_space<hbm>> -> memref<8x1024xf32, #tpu.memory_space<hbm>>
      %dma_start3A_889 = arith.constant 0 : i32
      %dma_start3A_890 = tpu.memref_slice %arg2[%min3A_886, %dma_start3A_889] : memref<32768x1024xf32, #tpu.memory_space<hbm>> -> memref<8x1024xf32, #tpu.memory_space<hbm>>
      tpu.enqueue_dma source(%dma_start3A_890 : memref<8x1024xf32, #tpu.memory_space<hbm>>) target(%arg6 : memref<8x1024xf32, #tpu.memory_space<vmem>>) target_semaphore(%arg16 : memref<!tpu.dma_semaphore, #tpu.memory_space<semaphore_mem>>)
      %add3A_891 = arith.constant 16384 : i32
      %add3A_892 = arith.addi %add3A_891, %select_n3A : i32
      %mul3A_893 = arith.constant 8 : i32
      %mul3A_894 = arith.muli %add3A_779, %mul3A_893 : i32
      %add3A_895 = arith.addi %add3A_892, %mul3A_894 : i32
      %min3A_896 = arith.constant 32760 : i32
      %min3A_897 = arith.minsi %add3A_895, %min3A_896 : i32
      %dma_wait3A_898 = arith.constant 0 : i32
      %dma_wait3A_899 = tpu.memref_slice %arg2[%min3A_897, %dma_wait3A_898] : memref<32768x1024xf32, #tpu.memory_space<hbm>> -> memref<8x1024xf32, #tpu.memory_space<hbm>>
      %dma_wait3A_900 = arith.constant 0 : i32
      %dma_wait3A_901 = tpu.memref_slice %arg2[%min3A_897, %dma_wait3A_900] : memref<32768x1024xf32, #tpu.memory_space<hbm>> -> memref<8x1024xf32, #tpu.memory_space<hbm>>
      tpu.wait_dma2 semaphore(%arg17 : memref<!tpu.dma_semaphore, #tpu.memory_space<semaphore_mem>>) src(%dma_wait3A_901 : memref<8x1024xf32, #tpu.memory_space<hbm>>) dst(%arg7 : memref<8x1024xf32, #tpu.memory_space<vmem>>)
      %sub3A_902 = arith.constant 1 : i32
      %sub3A_903 = arith.subi %add3A_779, %sub3A_902 : i32
      %add3A_904 = arith.constant 16384 : i32
      %add3A_905 = arith.addi %add3A_904, %select_n3A : i32
      %mul3A_906 = arith.constant 8 : i32
      %mul3A_907 = arith.muli %sub3A_903, %mul3A_906 : i32
      %add3A_908 = arith.addi %add3A_905, %mul3A_907 : i32
      %min3A_909 = arith.constant 32760 : i32
      %min3A_910 = arith.minsi %add3A_908, %min3A_909 : i32
      %dma_wait3A_911 = arith.constant 0 : i32
      %dma_wait3A_912 = tpu.memref_slice %arg4[%min3A_910, %dma_wait3A_911] : memref<32768x1024xf32, #tpu.memory_space<hbm>> -> memref<8x1024xf32, #tpu.memory_space<hbm>>
      %dma_wait3A_913 = arith.constant 0 : i32
      %dma_wait3A_914 = tpu.memref_slice %arg4[%min3A_910, %dma_wait3A_913] : memref<32768x1024xf32, #tpu.memory_space<hbm>> -> memref<8x1024xf32, #tpu.memory_space<hbm>>
      tpu.wait_dma2 semaphore(%arg21 : memref<!tpu.dma_semaphore, #tpu.memory_space<semaphore_mem>>) src(%arg11 : memref<8x1024xf32, #tpu.memory_space<vmem>>) dst(%dma_wait3A_914 : memref<8x1024xf32, #tpu.memory_space<hbm>>)
      %parallel_loop3A_915 = arith.constant 0 : i32
      %parallel_loop3A_916 = arith.constant 512 : i32
      %parallel_loop3A_917 = arith.constant 1 : i32
      scf.for %parallel_loop3A_1004 = %parallel_loop3A_915 to %parallel_loop3A_916 step %parallel_loop3A_917  : i32 {
        %parallel_loop3A_1005 = arith.constant 6 : i32
        %parallel_loop3A_1006 = arith.shrsi %parallel_loop3A_1004, %parallel_loop3A_1005 : i32
        %parallel_loop3A_1007 = arith.constant 63 : i32
        %parallel_loop3A_1008 = arith.andi %parallel_loop3A_1004, %parallel_loop3A_1007 : i32
        %parallel_loop3A_1009 = arith.constant 4 : i32
        %parallel_loop3A_1010 = arith.shli %parallel_loop3A_1008, %parallel_loop3A_1009 : i32
        %parallel_loop3A_1011 = tpu.assume_multiple %parallel_loop3A_1010, 16 : i32
        %parallel_loop3A_1012 = arith.index_cast %parallel_loop3A_1006 : i32 to index
        %parallel_loop3A_1013 = arith.index_cast %parallel_loop3A_1011 : i32 to index
        %parallel_loop3A_1014 = tpu.vector_load %arg7[%parallel_loop3A_1012, %parallel_loop3A_1013] {strides = array<i32>} : memref<8x1024xf32, #tpu.memory_space<vmem>>, vector<1x16xf32>,
        %parallel_loop3A_1015 = vector.shape_cast %parallel_loop3A_1014 : vector<1x16xf32> to vector<16xf32>
        %parallel_loop3A_1016 = arith.index_cast %parallel_loop3A_1006 : i32 to index
        %parallel_loop3A_1017 = arith.index_cast %parallel_loop3A_1011 : i32 to index
        %parallel_loop3A_1018 = tpu.vector_load %arg14[%parallel_loop3A_1016, %parallel_loop3A_1017] {strides = array<i32>} : memref<8x1024xf32, #tpu.memory_space<vmem>>, vector<1x16xf32>,
        %parallel_loop3A_1019 = vector.shape_cast %parallel_loop3A_1018 : vector<1x16xf32> to vector<16xf32>
        %parallel_loop3A_1020 = arith.addf %parallel_loop3A_1015, %parallel_loop3A_1019 : vector<16xf32>
        %parallel_loop3A_1021 = arith.index_cast %parallel_loop3A_1006 : i32 to index
        %parallel_loop3A_1022 = arith.index_cast %parallel_loop3A_1011 : i32 to index
        %parallel_loop3A_1023 = tpu.vector_load %arg11[%parallel_loop3A_1021, %parallel_loop3A_1022] {strides = array<i32>} : memref<8x1024xf32, #tpu.memory_space<vmem>>, vector<1x16xf32>,
        %parallel_loop3A_1024 = vector.shape_cast %parallel_loop3A_1023 : vector<1x16xf32> to vector<16xf32>
        %parallel_loop3A_1025 = vector.shape_cast %parallel_loop3A_1020 : vector<16xf32> to vector<1x16xf32>
        tpu.vector_store %arg11[%parallel_loop3A_1021, %parallel_loop3A_1022], %parallel_loop3A_1025 {strides = array<i32>} : memref<8x1024xf32, #tpu.memory_space<vmem>>, vector<1x16xf32>,
      } {sc.loop_unroll_factor = 8 : i64, sc.parallel_access}
      %add3A_918 = arith.constant 16384 : i32
      %add3A_919 = arith.addi %add3A_918, %select_n3A : i32
      %mul3A_920 = arith.constant 8 : i32
      %mul3A_921 = arith.muli %add3A_779, %mul3A_920 : i32
      %add3A_922 = arith.addi %add3A_919, %mul3A_921 : i32
      %min3A_923 = arith.constant 32760 : i32
      %min3A_924 = arith.minsi %add3A_922, %min3A_923 : i32
      %dma_start3A_925 = arith.constant 0 : i32
      %dma_start3A_926 = tpu.memref_slice %arg4[%min3A_924, %dma_start3A_925] : memref<32768x1024xf32, #tpu.memory_space<hbm>> -> memref<8x1024xf32, #tpu.memory_space<hbm>>
      %dma_start3A_927 = arith.constant 0 : i32
      %dma_start3A_928 = tpu.memref_slice %arg4[%min3A_924, %dma_start3A_927] : memref<32768x1024xf32, #tpu.memory_space<hbm>> -> memref<8x1024xf32, #tpu.memory_space<hbm>>
      tpu.enqueue_dma source(%arg11 : memref<8x1024xf32, #tpu.memory_space<vmem>>) target(%dma_start3A_928 : memref<8x1024xf32, #tpu.memory_space<hbm>>) target_semaphore(%arg21 : memref<!tpu.dma_semaphore, #tpu.memory_space<semaphore_mem>>)
      %add3A_929 = arith.constant 1 : i32
      %add3A_930 = arith.addi %add3A_779, %add3A_929 : i32
      %add3A_931 = arith.constant 16384 : i32
      %add3A_932 = arith.addi %add3A_931, %select_n3A : i32
      %mul3A_933 = arith.constant 8 : i32
      %mul3A_934 = arith.muli %add3A_930, %mul3A_933 : i32
      %add3A_935 = arith.addi %add3A_932, %mul3A_934 : i32
      %min3A_936 = arith.constant 32760 : i32
      %min3A_937 = arith.minsi %add3A_935, %min3A_936 : i32
      %dma_start3A_938 = arith.constant 0 : i32
      %dma_start3A_939 = tpu.memref_slice %arg2[%min3A_937, %dma_start3A_938] : memref<32768x1024xf32, #tpu.memory_space<hbm>> -> memref<8x1024xf32, #tpu.memory_space<hbm>>
      %dma_start3A_940 = arith.constant 0 : i32
      %dma_start3A_941 = tpu.memref_slice %arg2[%min3A_937, %dma_start3A_940] : memref<32768x1024xf32, #tpu.memory_space<hbm>> -> memref<8x1024xf32, #tpu.memory_space<hbm>>
      tpu.enqueue_dma source(%dma_start3A_941 : memref<8x1024xf32, #tpu.memory_space<hbm>>) target(%arg7 : memref<8x1024xf32, #tpu.memory_space<vmem>>) target_semaphore(%arg17 : memref<!tpu.dma_semaphore, #tpu.memory_space<semaphore_mem>>)
      %add3A_942 = arith.constant 24576 : i32
      %add3A_943 = arith.addi %add3A_942, %select_n3A : i32
      %mul3A_944 = arith.constant 8 : i32
      %mul3A_945 = arith.muli %add3A_779, %mul3A_944 : i32
      %add3A_946 = arith.addi %add3A_943, %mul3A_945 : i32
      %min3A_947 = arith.constant 32760 : i32
      %min3A_948 = arith.minsi %add3A_946, %min3A_947 : i32
      %dma_wait3A_949 = arith.constant 0 : i32
      %dma_wait3A_950 = tpu.memref_slice %arg2[%min3A_948, %dma_wait3A_949] : memref<32768x1024xf32, #tpu.memory_space<hbm>> -> memref<8x1024xf32, #tpu.memory_space<hbm>>
      %dma_wait3A_951 = arith.constant 0 : i32
      %dma_wait3A_952 = tpu.memref_slice %arg2[%min3A_948, %dma_wait3A_951] : memref<32768x1024xf32, #tpu.memory_space<hbm>> -> memref<8x1024xf32, #tpu.memory_space<hbm>>
      tpu.wait_dma2 semaphore(%arg18 : memref<!tpu.dma_semaphore, #tpu.memory_space<semaphore_mem>>) src(%dma_wait3A_952 : memref<8x1024xf32, #tpu.memory_space<hbm>>) dst(%arg8 : memref<8x1024xf32, #tpu.memory_space<vmem>>)
      %sub3A_953 = arith.constant 1 : i32
      %sub3A_954 = arith.subi %add3A_779, %sub3A_953 : i32
      %add3A_955 = arith.constant 24576 : i32
      %add3A_956 = arith.addi %add3A_955, %select_n3A : i32
      %mul3A_957 = arith.constant 8 : i32
      %mul3A_958 = arith.muli %sub3A_954, %mul3A_957 : i32
      %add3A_959 = arith.addi %add3A_956, %mul3A_958 : i32
      %min3A_960 = arith.constant 32760 : i32
      %min3A_961 = arith.minsi %add3A_959, %min3A_960 : i32
      %dma_wait3A_962 = arith.constant 0 : i32
      %dma_wait3A_963 = tpu.memref_slice %arg4[%min3A_961, %dma_wait3A_962] : memref<32768x1024xf32, #tpu.memory_space<hbm>> -> memref<8x1024xf32, #tpu.memory_space<hbm>>
      %dma_wait3A_964 = arith.constant 0 : i32
      %dma_wait3A_965 = tpu.memref_slice %arg4[%min3A_961, %dma_wait3A_964] : memref<32768x1024xf32, #tpu.memory_space<hbm>> -> memref<8x1024xf32, #tpu.memory_space<hbm>>
      tpu.wait_dma2 semaphore(%arg22 : memref<!tpu.dma_semaphore, #tpu.memory_space<semaphore_mem>>) src(%arg12 : memref<8x1024xf32, #tpu.memory_space<vmem>>) dst(%dma_wait3A_965 : memref<8x1024xf32, #tpu.memory_space<hbm>>)
      %parallel_loop3A_966 = arith.constant 0 : i32
      %parallel_loop3A_967 = arith.constant 512 : i32
      %parallel_loop3A_968 = arith.constant 1 : i32
      scf.for %parallel_loop3A_1004 = %parallel_loop3A_966 to %parallel_loop3A_967 step %parallel_loop3A_968  : i32 {
        %parallel_loop3A_1005 = arith.constant 6 : i32
        %parallel_loop3A_1006 = arith.shrsi %parallel_loop3A_1004, %parallel_loop3A_1005 : i32
        %parallel_loop3A_1007 = arith.constant 63 : i32
        %parallel_loop3A_1008 = arith.andi %parallel_loop3A_1004, %parallel_loop3A_1007 : i32
        %parallel_loop3A_1009 = arith.constant 4 : i32
        %parallel_loop3A_1010 = arith.shli %parallel_loop3A_1008, %parallel_loop3A_1009 : i32
        %parallel_loop3A_1011 = tpu.assume_multiple %parallel_loop3A_1010, 16 : i32
        %parallel_loop3A_1012 = arith.index_cast %parallel_loop3A_1006 : i32 to index
        %parallel_loop3A_1013 = arith.index_cast %parallel_loop3A_1011 : i32 to index
        %parallel_loop3A_1014 = tpu.vector_load %arg8[%parallel_loop3A_1012, %parallel_loop3A_1013] {strides = array<i32>} : memref<8x1024xf32, #tpu.memory_space<vmem>>, vector<1x16xf32>,
        %parallel_loop3A_1015 = vector.shape_cast %parallel_loop3A_1014 : vector<1x16xf32> to vector<16xf32>
        %parallel_loop3A_1016 = arith.index_cast %parallel_loop3A_1006 : i32 to index
        %parallel_loop3A_1017 = arith.index_cast %parallel_loop3A_1011 : i32 to index
        %parallel_loop3A_1018 = tpu.vector_load %arg14[%parallel_loop3A_1016, %parallel_loop3A_1017] {strides = array<i32>} : memref<8x1024xf32, #tpu.memory_space<vmem>>, vector<1x16xf32>,
        %parallel_loop3A_1019 = vector.shape_cast %parallel_loop3A_1018 : vector<1x16xf32> to vector<16xf32>
        %parallel_loop3A_1020 = arith.addf %parallel_loop3A_1015, %parallel_loop3A_1019 : vector<16xf32>
        %parallel_loop3A_1021 = arith.index_cast %parallel_loop3A_1006 : i32 to index
        %parallel_loop3A_1022 = arith.index_cast %parallel_loop3A_1011 : i32 to index
        %parallel_loop3A_1023 = tpu.vector_load %arg12[%parallel_loop3A_1021, %parallel_loop3A_1022] {strides = array<i32>} : memref<8x1024xf32, #tpu.memory_space<vmem>>, vector<1x16xf32>,
        %parallel_loop3A_1024 = vector.shape_cast %parallel_loop3A_1023 : vector<1x16xf32> to vector<16xf32>
        %parallel_loop3A_1025 = vector.shape_cast %parallel_loop3A_1020 : vector<16xf32> to vector<1x16xf32>
        tpu.vector_store %arg12[%parallel_loop3A_1021, %parallel_loop3A_1022], %parallel_loop3A_1025 {strides = array<i32>} : memref<8x1024xf32, #tpu.memory_space<vmem>>, vector<1x16xf32>,
      } {sc.loop_unroll_factor = 8 : i64, sc.parallel_access}
      %add3A_969 = arith.constant 24576 : i32
      %add3A_970 = arith.addi %add3A_969, %select_n3A : i32
      %mul3A_971 = arith.constant 8 : i32
      %mul3A_972 = arith.muli %add3A_779, %mul3A_971 : i32
      %add3A_973 = arith.addi %add3A_970, %mul3A_972 : i32
      %min3A_974 = arith.constant 32760 : i32
      %min3A_975 = arith.minsi %add3A_973, %min3A_974 : i32
      %dma_start3A_976 = arith.constant 0 : i32
      %dma_start3A_977 = tpu.memref_slice %arg4[%min3A_975, %dma_start3A_976] : memref<32768x1024xf32, #tpu.memory_space<hbm>> -> memref<8x1024xf32, #tpu.memory_space<hbm>>
      %dma_start3A_978 = arith.constant 0 : i32
      %dma_start3A_979 = tpu.memref_slice %arg4[%min3A_975, %dma_start3A_978] : memref<32768x1024xf32, #tpu.memory_space<hbm>> -> memref<8x1024xf32, #tpu.memory_space<hbm>>
      tpu.enqueue_dma source(%arg12 : memref<8x1024xf32, #tpu.memory_space<vmem>>) target(%dma_start3A_979 : memref<8x1024xf32, #tpu.memory_space<hbm>>) target_semaphore(%arg22 : memref<!tpu.dma_semaphore, #tpu.memory_space<semaphore_mem>>)
      %add3A_980 = arith.constant 1 : i32
      %add3A_981 = arith.addi %add3A_779, %add3A_980 : i32
      %add3A_982 = arith.constant 24576 : i32
      %add3A_983 = arith.addi %add3A_982, %select_n3A : i32
      %mul3A_984 = arith.constant 8 : i32
      %mul3A_985 = arith.muli %add3A_981, %mul3A_984 : i32
      %add3A_986 = arith.addi %add3A_983, %mul3A_985 : i32
      %min3A_987 = arith.constant 32760 : i32
      %min3A_988 = arith.minsi %add3A_986, %min3A_987 : i32
      %dma_start3A_989 = arith.constant 0 : i32
      %dma_start3A_990 = tpu.memref_slice %arg2[%min3A_988, %dma_start3A_989] : memref<32768x1024xf32, #tpu.memory_space<hbm>> -> memref<8x1024xf32, #tpu.memory_space<hbm>>
      %dma_start3A_991 = arith.constant 0 : i32
      %dma_start3A_992 = tpu.memref_slice %arg2[%min3A_988, %dma_start3A_991] : memref<32768x1024xf32, #tpu.memory_space<hbm>> -> memref<8x1024xf32, #tpu.memory_space<hbm>>
      tpu.enqueue_dma source(%dma_start3A_992 : memref<8x1024xf32, #tpu.memory_space<hbm>>) target(%arg8 : memref<8x1024xf32, #tpu.memory_space<vmem>>) target_semaphore(%arg18 : memref<!tpu.dma_semaphore, #tpu.memory_space<semaphore_mem>>)
      %add3A_993 = arith.constant 2 : i32
      %add3A_994 = arith.addi %add3A_779, %add3A_993 : i32
      %mul3A_995 = arith.constant 8 : i32
      %mul3A_996 = arith.muli %add3A_994, %mul3A_995 : i32
      %add3A_997 = arith.addi %select_n3A, %mul3A_996 : i32
      %min3A_998 = arith.constant 8184 : i32
      %min3A_999 = arith.minsi %add3A_997, %min3A_998 : i32
      %dma_start3A_1000 = arith.constant 0 : i32
      %dma_start3A_1001 = tpu.memref_slice %arg3[%min3A_999, %dma_start3A_1000] : memref<8192x1024xf32, #tpu.memory_space<hbm>> -> memref<8x1024xf32, #tpu.memory_space<hbm>>
      %dma_start3A_1002 = arith.constant 0 : i32
      %dma_start3A_1003 = tpu.memref_slice %arg3[%min3A_999, %dma_start3A_1002] : memref<8192x1024xf32, #tpu.memory_space<hbm>> -> memref<8x1024xf32, #tpu.memory_space<hbm>>
      tpu.enqueue_dma source(%dma_start3A_1003 : memref<8x1024xf32, #tpu.memory_space<hbm>>) target(%arg14 : memref<8x1024xf32, #tpu.memory_space<vmem>>) target_semaphore(%arg24 : memref<!tpu.dma_semaphore, #tpu.memory_space<semaphore_mem>>)
    }
    %while3A_430 = arith.constant 1 : i32
    scf.for %while3A_547 = %while3A_428 to %while3A_424 step %while3A_430  : i32 {
      %mul3A_548 = arith.muli %while3A_547, %while3A : i32
      %add3A_549 = arith.addi %while3A_421, %mul3A_548 : i32
      %mul3A_550 = arith.constant 2 : i32
      %mul3A_551 = arith.muli %add3A_549, %mul3A_550 : i32
      %add3A_552 = arith.constant 0 : i32
      %add3A_553 = arith.addi %add3A_552, %select_n3A : i32
      %mul3A_554 = arith.constant 8 : i32
      %mul3A_555 = arith.muli %mul3A_551, %mul3A_554 : i32
      %add3A_556 = arith.addi %add3A_553, %mul3A_555 : i32
      %min3A_557 = arith.constant 32760 : i32
      %min3A_558 = arith.minsi %add3A_556, %min3A_557 : i32
      %dma_wait3A_559 = arith.constant 0 : i32
      %dma_wait3A_560 = tpu.memref_slice %arg2[%min3A_558, %dma_wait3A_559] : memref<32768x1024xf32, #tpu.memory_space<hbm>> -> memref<8x1024xf32, #tpu.memory_space<hbm>>
      %dma_wait3A_561 = arith.constant 0 : i32
      %dma_wait3A_562 = tpu.memref_slice %arg2[%min3A_558, %dma_wait3A_561] : memref<32768x1024xf32, #tpu.memory_space<hbm>> -> memref<8x1024xf32, #tpu.memory_space<hbm>>
      tpu.wait_dma2 semaphore(%arg15 : memref<!tpu.dma_semaphore, #tpu.memory_space<semaphore_mem>>) src(%dma_wait3A_562 : memref<8x1024xf32, #tpu.memory_space<hbm>>) dst(%arg5 : memref<8x1024xf32, #tpu.memory_space<vmem>>)
      %mul3A_563 = arith.constant 8 : i32
      %mul3A_564 = arith.muli %mul3A_551, %mul3A_563 : i32
      %add3A_565 = arith.addi %select_n3A, %mul3A_564 : i32
      %min3A_566 = arith.constant 8184 : i32
      %min3A_567 = arith.minsi %add3A_565, %min3A_566 : i32
      %dma_wait3A_568 = arith.constant 0 : i32
      %dma_wait3A_569 = tpu.memref_slice %arg3[%min3A_567, %dma_wait3A_568] : memref<8192x1024xf32, #tpu.memory_space<hbm>> -> memref<8x1024xf32, #tpu.memory_space<hbm>>
      %dma_wait3A_570 = arith.constant 0 : i32
      %dma_wait3A_571 = tpu.memref_slice %arg3[%min3A_567, %dma_wait3A_570] : memref<8192x1024xf32, #tpu.memory_space<hbm>> -> memref<8x1024xf32, #tpu.memory_space<hbm>>
      tpu.wait_dma2 semaphore(%arg23 : memref<!tpu.dma_semaphore, #tpu.memory_space<semaphore_mem>>) src(%dma_wait3A_571 : memref<8x1024xf32, #tpu.memory_space<hbm>>) dst(%arg13 : memref<8x1024xf32, #tpu.memory_space<vmem>>)
      %sub3A_572 = arith.constant 1 : i32
      %sub3A_573 = arith.subi %mul3A_551, %sub3A_572 : i32
      %add3A_574 = arith.constant 0 : i32
      %add3A_575 = arith.addi %add3A_574, %select_n3A : i32
      %mul3A_576 = arith.constant 8 : i32
      %mul3A_577 = arith.muli %sub3A_573, %mul3A_576 : i32
      %add3A_578 = arith.addi %add3A_575, %mul3A_577 : i32
      %min3A_579 = arith.constant 32760 : i32
      %min3A_580 = arith.minsi %add3A_578, %min3A_579 : i32
      %dma_wait3A_581 = arith.constant 0 : i32
      %dma_wait3A_582 = tpu.memref_slice %arg4[%min3A_580, %dma_wait3A_581] : memref<32768x1024xf32, #tpu.memory_space<hbm>> -> memref<8x1024xf32, #tpu.memory_space<hbm>>
      %dma_wait3A_583 = arith.constant 0 : i32
      %dma_wait3A_584 = tpu.memref_slice %arg4[%min3A_580, %dma_wait3A_583] : memref<32768x1024xf32, #tpu.memory_space<hbm>> -> memref<8x1024xf32, #tpu.memory_space<hbm>>
      tpu.wait_dma2 semaphore(%arg19 : memref<!tpu.dma_semaphore, #tpu.memory_space<semaphore_mem>>) src(%arg9 : memref<8x1024xf32, #tpu.memory_space<vmem>>) dst(%dma_wait3A_584 : memref<8x1024xf32, #tpu.memory_space<hbm>>)
      %parallel_loop3A_585 = arith.constant 0 : i32
      %parallel_loop3A_586 = arith.constant 512 : i32
      %parallel_loop3A_587 = arith.constant 1 : i32
      scf.for %parallel_loop3A_1004 = %parallel_loop3A_585 to %parallel_loop3A_586 step %parallel_loop3A_587  : i32 {
        %parallel_loop3A_1005 = arith.constant 6 : i32
        %parallel_loop3A_1006 = arith.shrsi %parallel_loop3A_1004, %parallel_loop3A_1005 : i32
        %parallel_loop3A_1007 = arith.constant 63 : i32
        %parallel_loop3A_1008 = arith.andi %parallel_loop3A_1004, %parallel_loop3A_1007 : i32
        %parallel_loop3A_1009 = arith.constant 4 : i32
        %parallel_loop3A_1010 = arith.shli %parallel_loop3A_1008, %parallel_loop3A_1009 : i32
        %parallel_loop3A_1011 = tpu.assume_multiple %parallel_loop3A_1010, 16 : i32
        %parallel_loop3A_1012 = arith.index_cast %parallel_loop3A_1006 : i32 to index
        %parallel_loop3A_1013 = arith.index_cast %parallel_loop3A_1011 : i32 to index
        %parallel_loop3A_1014 = tpu.vector_load %arg5[%parallel_loop3A_1012, %parallel_loop3A_1013] {strides = array<i32>} : memref<8x1024xf32, #tpu.memory_space<vmem>>, vector<1x16xf32>,
        %parallel_loop3A_1015 = vector.shape_cast %parallel_loop3A_1014 : vector<1x16xf32> to vector<16xf32>
        %parallel_loop3A_1016 = arith.index_cast %parallel_loop3A_1006 : i32 to index
        %parallel_loop3A_1017 = arith.index_cast %parallel_loop3A_1011 : i32 to index
        %parallel_loop3A_1018 = tpu.vector_load %arg13[%parallel_loop3A_1016, %parallel_loop3A_1017] {strides = array<i32>} : memref<8x1024xf32, #tpu.memory_space<vmem>>, vector<1x16xf32>,
        %parallel_loop3A_1019 = vector.shape_cast %parallel_loop3A_1018 : vector<1x16xf32> to vector<16xf32>
        %parallel_loop3A_1020 = arith.addf %parallel_loop3A_1015, %parallel_loop3A_1019 : vector<16xf32>
        %parallel_loop3A_1021 = arith.index_cast %parallel_loop3A_1006 : i32 to index
        %parallel_loop3A_1022 = arith.index_cast %parallel_loop3A_1011 : i32 to index
        %parallel_loop3A_1023 = tpu.vector_load %arg9[%parallel_loop3A_1021, %parallel_loop3A_1022] {strides = array<i32>} : memref<8x1024xf32, #tpu.memory_space<vmem>>, vector<1x16xf32>,
        %parallel_loop3A_1024 = vector.shape_cast %parallel_loop3A_1023 : vector<1x16xf32> to vector<16xf32>
        %parallel_loop3A_1025 = vector.shape_cast %parallel_loop3A_1020 : vector<16xf32> to vector<1x16xf32>
        tpu.vector_store %arg9[%parallel_loop3A_1021, %parallel_loop3A_1022], %parallel_loop3A_1025 {strides = array<i32>} : memref<8x1024xf32, #tpu.memory_space<vmem>>, vector<1x16xf32>,
      } {sc.loop_unroll_factor = 8 : i64, sc.parallel_access}
      %add3A_588 = arith.constant 0 : i32
      %add3A_589 = arith.addi %add3A_588, %select_n3A : i32
      %mul3A_590 = arith.constant 8 : i32
      %mul3A_591 = arith.muli %mul3A_551, %mul3A_590 : i32
      %add3A_592 = arith.addi %add3A_589, %mul3A_591 : i32
      %min3A_593 = arith.constant 32760 : i32
      %min3A_594 = arith.minsi %add3A_592, %min3A_593 : i32
      %dma_start3A_595 = arith.constant 0 : i32
      %dma_start3A_596 = tpu.memref_slice %arg4[%min3A_594, %dma_start3A_595] : memref<32768x1024xf32, #tpu.memory_space<hbm>> -> memref<8x1024xf32, #tpu.memory_space<hbm>>
      %dma_start3A_597 = arith.constant 0 : i32
      %dma_start3A_598 = tpu.memref_slice %arg4[%min3A_594, %dma_start3A_597] : memref<32768x1024xf32, #tpu.memory_space<hbm>> -> memref<8x1024xf32, #tpu.memory_space<hbm>>
      tpu.enqueue_dma source(%arg9 : memref<8x1024xf32, #tpu.memory_space<vmem>>) target(%dma_start3A_598 : memref<8x1024xf32, #tpu.memory_space<hbm>>) target_semaphore(%arg19 : memref<!tpu.dma_semaphore, #tpu.memory_space<semaphore_mem>>)
      %add3A_599 = arith.constant 1 : i32
      %add3A_600 = arith.addi %mul3A_551, %add3A_599 : i32
      %add3A_601 = arith.constant 0 : i32
      %add3A_602 = arith.addi %add3A_601, %select_n3A : i32
      %mul3A_603 = arith.constant 8 : i32
      %mul3A_604 = arith.muli %add3A_600, %mul3A_603 : i32
      %add3A_605 = arith.addi %add3A_602, %mul3A_604 : i32
      %min3A_606 = arith.constant 32760 : i32
      %min3A_607 = arith.minsi %add3A_605, %min3A_606 : i32
      %dma_start3A_608 = arith.constant 0 : i32
      %dma_start3A_609 = tpu.memref_slice %arg2[%min3A_607, %dma_start3A_608] : memref<32768x1024xf32, #tpu.memory_space<hbm>> -> memref<8x1024xf32, #tpu.memory_space<hbm>>
      %dma_start3A_610 = arith.constant 0 : i32
      %dma_start3A_611 = tpu.memref_slice %arg2[%min3A_607, %dma_start3A_610] : memref<32768x1024xf32, #tpu.memory_space<hbm>> -> memref<8x1024xf32, #tpu.memory_space<hbm>>
      tpu.enqueue_dma source(%dma_start3A_611 : memref<8x1024xf32, #tpu.memory_space<hbm>>) target(%arg5 : memref<8x1024xf32, #tpu.memory_space<vmem>>) target_semaphore(%arg15 : memref<!tpu.dma_semaphore, #tpu.memory_space<semaphore_mem>>)
      %add3A_612 = arith.constant 8192 : i32
      %add3A_613 = arith.addi %add3A_612, %select_n3A : i32
      %mul3A_614 = arith.constant 8 : i32
      %mul3A_615 = arith.muli %mul3A_551, %mul3A_614 : i32
      %add3A_616 = arith.addi %add3A_613, %mul3A_615 : i32
      %min3A_617 = arith.constant 32760 : i32
      %min3A_618 = arith.minsi %add3A_616, %min3A_617 : i32
      %dma_wait3A_619 = arith.constant 0 : i32
      %dma_wait3A_620 = tpu.memref_slice %arg2[%min3A_618, %dma_wait3A_619] : memref<32768x1024xf32, #tpu.memory_space<hbm>> -> memref<8x1024xf32, #tpu.memory_space<hbm>>
      %dma_wait3A_621 = arith.constant 0 : i32
      %dma_wait3A_622 = tpu.memref_slice %arg2[%min3A_618, %dma_wait3A_621] : memref<32768x1024xf32, #tpu.memory_space<hbm>> -> memref<8x1024xf32, #tpu.memory_space<hbm>>
      tpu.wait_dma2 semaphore(%arg16 : memref<!tpu.dma_semaphore, #tpu.memory_space<semaphore_mem>>) src(%dma_wait3A_622 : memref<8x1024xf32, #tpu.memory_space<hbm>>) dst(%arg6 : memref<8x1024xf32, #tpu.memory_space<vmem>>)
      %sub3A_623 = arith.constant 1 : i32
      %sub3A_624 = arith.subi %mul3A_551, %sub3A_623 : i32
      %add3A_625 = arith.constant 8192 : i32
      %add3A_626 = arith.addi %add3A_625, %select_n3A : i32
      %mul3A_627 = arith.constant 8 : i32
      %mul3A_628 = arith.muli %sub3A_624, %mul3A_627 : i32
      %add3A_629 = arith.addi %add3A_626, %mul3A_628 : i32
      %min3A_630 = arith.constant 32760 : i32
      %min3A_631 = arith.minsi %add3A_629, %min3A_630 : i32
      %dma_wait3A_632 = arith.constant 0 : i32
      %dma_wait3A_633 = tpu.memref_slice %arg4[%min3A_631, %dma_wait3A_632] : memref<32768x1024xf32, #tpu.memory_space<hbm>> -> memref<8x1024xf32, #tpu.memory_space<hbm>>
      %dma_wait3A_634 = arith.constant 0 : i32
      %dma_wait3A_635 = tpu.memref_slice %arg4[%min3A_631, %dma_wait3A_634] : memref<32768x1024xf32, #tpu.memory_space<hbm>> -> memref<8x1024xf32, #tpu.memory_space<hbm>>
      tpu.wait_dma2 semaphore(%arg20 : memref<!tpu.dma_semaphore, #tpu.memory_space<semaphore_mem>>) src(%arg10 : memref<8x1024xf32, #tpu.memory_space<vmem>>) dst(%dma_wait3A_635 : memref<8x1024xf32, #tpu.memory_space<hbm>>)
      %parallel_loop3A_636 = arith.constant 0 : i32
      %parallel_loop3A_637 = arith.constant 512 : i32
      %parallel_loop3A_638 = arith.constant 1 : i32
      scf.for %parallel_loop3A_1004 = %parallel_loop3A_636 to %parallel_loop3A_637 step %parallel_loop3A_638  : i32 {
        %parallel_loop3A_1005 = arith.constant 6 : i32
        %parallel_loop3A_1006 = arith.shrsi %parallel_loop3A_1004, %parallel_loop3A_1005 : i32
        %parallel_loop3A_1007 = arith.constant 63 : i32
        %parallel_loop3A_1008 = arith.andi %parallel_loop3A_1004, %parallel_loop3A_1007 : i32
        %parallel_loop3A_1009 = arith.constant 4 : i32
        %parallel_loop3A_1010 = arith.shli %parallel_loop3A_1008, %parallel_loop3A_1009 : i32
        %parallel_loop3A_1011 = tpu.assume_multiple %parallel_loop3A_1010, 16 : i32
        %parallel_loop3A_1012 = arith.index_cast %parallel_loop3A_1006 : i32 to index
        %parallel_loop3A_1013 = arith.index_cast %parallel_loop3A_1011 : i32 to index
        %parallel_loop3A_1014 = tpu.vector_load %arg6[%parallel_loop3A_1012, %parallel_loop3A_1013] {strides = array<i32>} : memref<8x1024xf32, #tpu.memory_space<vmem>>, vector<1x16xf32>,
        %parallel_loop3A_1015 = vector.shape_cast %parallel_loop3A_1014 : vector<1x16xf32> to vector<16xf32>
        %parallel_loop3A_1016 = arith.index_cast %parallel_loop3A_1006 : i32 to index
        %parallel_loop3A_1017 = arith.index_cast %parallel_loop3A_1011 : i32 to index
        %parallel_loop3A_1018 = tpu.vector_load %arg13[%parallel_loop3A_1016, %parallel_loop3A_1017] {strides = array<i32>} : memref<8x1024xf32, #tpu.memory_space<vmem>>, vector<1x16xf32>,
        %parallel_loop3A_1019 = vector.shape_cast %parallel_loop3A_1018 : vector<1x16xf32> to vector<16xf32>
        %parallel_loop3A_1020 = arith.addf %parallel_loop3A_1015, %parallel_loop3A_1019 : vector<16xf32>
        %parallel_loop3A_1021 = arith.index_cast %parallel_loop3A_1006 : i32 to index
        %parallel_loop3A_1022 = arith.index_cast %parallel_loop3A_1011 : i32 to index
        %parallel_loop3A_1023 = tpu.vector_load %arg10[%parallel_loop3A_1021, %parallel_loop3A_1022] {strides = array<i32>} : memref<8x1024xf32, #tpu.memory_space<vmem>>, vector<1x16xf32>,
        %parallel_loop3A_1024 = vector.shape_cast %parallel_loop3A_1023 : vector<1x16xf32> to vector<16xf32>
        %parallel_loop3A_1025 = vector.shape_cast %parallel_loop3A_1020 : vector<16xf32> to vector<1x16xf32>
        tpu.vector_store %arg10[%parallel_loop3A_1021, %parallel_loop3A_1022], %parallel_loop3A_1025 {strides = array<i32>} : memref<8x1024xf32, #tpu.memory_space<vmem>>, vector<1x16xf32>,
      } {sc.loop_unroll_factor = 8 : i64, sc.parallel_access}
      %add3A_639 = arith.constant 8192 : i32
      %add3A_640 = arith.addi %add3A_639, %select_n3A : i32
      %mul3A_641 = arith.constant 8 : i32
      %mul3A_642 = arith.muli %mul3A_551, %mul3A_641 : i32
      %add3A_643 = arith.addi %add3A_640, %mul3A_642 : i32
      %min3A_644 = arith.constant 32760 : i32
      %min3A_645 = arith.minsi %add3A_643, %min3A_644 : i32
      %dma_start3A_646 = arith.constant 0 : i32
      %dma_start3A_647 = tpu.memref_slice %arg4[%min3A_645, %dma_start3A_646] : memref<32768x1024xf32, #tpu.memory_space<hbm>> -> memref<8x1024xf32, #tpu.memory_space<hbm>>
      %dma_start3A_648 = arith.constant 0 : i32
      %dma_start3A_649 = tpu.memref_slice %arg4[%min3A_645, %dma_start3A_648] : memref<32768x1024xf32, #tpu.memory_space<hbm>> -> memref<8x1024xf32, #tpu.memory_space<hbm>>
      tpu.enqueue_dma source(%arg10 : memref<8x1024xf32, #tpu.memory_space<vmem>>) target(%dma_start3A_649 : memref<8x1024xf32, #tpu.memory_space<hbm>>) target_semaphore(%arg20 : memref<!tpu.dma_semaphore, #tpu.memory_space<semaphore_mem>>)
      %add3A_650 = arith.constant 1 : i32
      %add3A_651 = arith.addi %mul3A_551, %add3A_650 : i32
      %add3A_652 = arith.constant 8192 : i32
      %add3A_653 = arith.addi %add3A_652, %select_n3A : i32
      %mul3A_654 = arith.constant 8 : i32
      %mul3A_655 = arith.muli %add3A_651, %mul3A_654 : i32
      %add3A_656 = arith.addi %add3A_653, %mul3A_655 : i32
      %min3A_657 = arith.constant 32760 : i32
      %min3A_658 = arith.minsi %add3A_656, %min3A_657 : i32
      %dma_start3A_659 = arith.constant 0 : i32
      %dma_start3A_660 = tpu.memref_slice %arg2[%min3A_658, %dma_start3A_659] : memref<32768x1024xf32, #tpu.memory_space<hbm>> -> memref<8x1024xf32, #tpu.memory_space<hbm>>
      %dma_start3A_661 = arith.constant 0 : i32
      %dma_start3A_662 = tpu.memref_slice %arg2[%min3A_658, %dma_start3A_661] : memref<32768x1024xf32, #tpu.memory_space<hbm>> -> memref<8x1024xf32, #tpu.memory_space<hbm>>
      tpu.enqueue_dma source(%dma_start3A_662 : memref<8x1024xf32, #tpu.memory_space<hbm>>) target(%arg6 : memref<8x1024xf32, #tpu.memory_space<vmem>>) target_semaphore(%arg16 : memref<!tpu.dma_semaphore, #tpu.memory_space<semaphore_mem>>)
      %add3A_663 = arith.constant 16384 : i32
      %add3A_664 = arith.addi %add3A_663, %select_n3A : i32
      %mul3A_665 = arith.constant 8 : i32
      %mul3A_666 = arith.muli %mul3A_551, %mul3A_665 : i32
      %add3A_667 = arith.addi %add3A_664, %mul3A_666 : i32
      %min3A_668 = arith.constant 32760 : i32
      %min3A_669 = arith.minsi %add3A_667, %min3A_668 : i32
      %dma_wait3A_670 = arith.constant 0 : i32
      %dma_wait3A_671 = tpu.memref_slice %arg2[%min3A_669, %dma_wait3A_670] : memref<32768x1024xf32, #tpu.memory_space<hbm>> -> memref<8x1024xf32, #tpu.memory_space<hbm>>
      %dma_wait3A_672 = arith.constant 0 : i32
      %dma_wait3A_673 = tpu.memref_slice %arg2[%min3A_669, %dma_wait3A_672] : memref<32768x1024xf32, #tpu.memory_space<hbm>> -> memref<8x1024xf32, #tpu.memory_space<hbm>>
      tpu.wait_dma2 semaphore(%arg17 : memref<!tpu.dma_semaphore, #tpu.memory_space<semaphore_mem>>) src(%dma_wait3A_673 : memref<8x1024xf32, #tpu.memory_space<hbm>>) dst(%arg7 : memref<8x1024xf32, #tpu.memory_space<vmem>>)
      %sub3A_674 = arith.constant 1 : i32
      %sub3A_675 = arith.subi %mul3A_551, %sub3A_674 : i32
      %add3A_676 = arith.constant 16384 : i32
      %add3A_677 = arith.addi %add3A_676, %select_n3A : i32
      %mul3A_678 = arith.constant 8 : i32
      %mul3A_679 = arith.muli %sub3A_675, %mul3A_678 : i32
      %add3A_680 = arith.addi %add3A_677, %mul3A_679 : i32
      %min3A_681 = arith.constant 32760 : i32
      %min3A_682 = arith.minsi %add3A_680, %min3A_681 : i32
      %dma_wait3A_683 = arith.constant 0 : i32
      %dma_wait3A_684 = tpu.memref_slice %arg4[%min3A_682, %dma_wait3A_683] : memref<32768x1024xf32, #tpu.memory_space<hbm>> -> memref<8x1024xf32, #tpu.memory_space<hbm>>
      %dma_wait3A_685 = arith.constant 0 : i32
      %dma_wait3A_686 = tpu.memref_slice %arg4[%min3A_682, %dma_wait3A_685] : memref<32768x1024xf32, #tpu.memory_space<hbm>> -> memref<8x1024xf32, #tpu.memory_space<hbm>>
      tpu.wait_dma2 semaphore(%arg21 : memref<!tpu.dma_semaphore, #tpu.memory_space<semaphore_mem>>) src(%arg11 : memref<8x1024xf32, #tpu.memory_space<vmem>>) dst(%dma_wait3A_686 : memref<8x1024xf32, #tpu.memory_space<hbm>>)
      %parallel_loop3A_687 = arith.constant 0 : i32
      %parallel_loop3A_688 = arith.constant 512 : i32
      %parallel_loop3A_689 = arith.constant 1 : i32
      scf.for %parallel_loop3A_1004 = %parallel_loop3A_687 to %parallel_loop3A_688 step %parallel_loop3A_689  : i32 {
        %parallel_loop3A_1005 = arith.constant 6 : i32
        %parallel_loop3A_1006 = arith.shrsi %parallel_loop3A_1004, %parallel_loop3A_1005 : i32
        %parallel_loop3A_1007 = arith.constant 63 : i32
        %parallel_loop3A_1008 = arith.andi %parallel_loop3A_1004, %parallel_loop3A_1007 : i32
        %parallel_loop3A_1009 = arith.constant 4 : i32
        %parallel_loop3A_1010 = arith.shli %parallel_loop3A_1008, %parallel_loop3A_1009 : i32
        %parallel_loop3A_1011 = tpu.assume_multiple %parallel_loop3A_1010, 16 : i32
        %parallel_loop3A_1012 = arith.index_cast %parallel_loop3A_1006 : i32 to index
        %parallel_loop3A_1013 = arith.index_cast %parallel_loop3A_1011 : i32 to index
        %parallel_loop3A_1014 = tpu.vector_load %arg7[%parallel_loop3A_1012, %parallel_loop3A_1013] {strides = array<i32>} : memref<8x1024xf32, #tpu.memory_space<vmem>>, vector<1x16xf32>,
        %parallel_loop3A_1015 = vector.shape_cast %parallel_loop3A_1014 : vector<1x16xf32> to vector<16xf32>
        %parallel_loop3A_1016 = arith.index_cast %parallel_loop3A_1006 : i32 to index
        %parallel_loop3A_1017 = arith.index_cast %parallel_loop3A_1011 : i32 to index
        %parallel_loop3A_1018 = tpu.vector_load %arg13[%parallel_loop3A_1016, %parallel_loop3A_1017] {strides = array<i32>} : memref<8x1024xf32, #tpu.memory_space<vmem>>, vector<1x16xf32>,
        %parallel_loop3A_1019 = vector.shape_cast %parallel_loop3A_1018 : vector<1x16xf32> to vector<16xf32>
        %parallel_loop3A_1020 = arith.addf %parallel_loop3A_1015, %parallel_loop3A_1019 : vector<16xf32>
        %parallel_loop3A_1021 = arith.index_cast %parallel_loop3A_1006 : i32 to index
        %parallel_loop3A_1022 = arith.index_cast %parallel_loop3A_1011 : i32 to index
        %parallel_loop3A_1023 = tpu.vector_load %arg11[%parallel_loop3A_1021, %parallel_loop3A_1022] {strides = array<i32>} : memref<8x1024xf32, #tpu.memory_space<vmem>>, vector<1x16xf32>,
        %parallel_loop3A_1024 = vector.shape_cast %parallel_loop3A_1023 : vector<1x16xf32> to vector<16xf32>
        %parallel_loop3A_1025 = vector.shape_cast %parallel_loop3A_1020 : vector<16xf32> to vector<1x16xf32>
        tpu.vector_store %arg11[%parallel_loop3A_1021, %parallel_loop3A_1022], %parallel_loop3A_1025 {strides = array<i32>} : memref<8x1024xf32, #tpu.memory_space<vmem>>, vector<1x16xf32>,
      } {sc.loop_unroll_factor = 8 : i64, sc.parallel_access}
      %add3A_690 = arith.constant 16384 : i32
      %add3A_691 = arith.addi %add3A_690, %select_n3A : i32
      %mul3A_692 = arith.constant 8 : i32
      %mul3A_693 = arith.muli %mul3A_551, %mul3A_692 : i32
      %add3A_694 = arith.addi %add3A_691, %mul3A_693 : i32
      %min3A_695 = arith.constant 32760 : i32
      %min3A_696 = arith.minsi %add3A_694, %min3A_695 : i32
      %dma_start3A_697 = arith.constant 0 : i32
      %dma_start3A_698 = tpu.memref_slice %arg4[%min3A_696, %dma_start3A_697] : memref<32768x1024xf32, #tpu.memory_space<hbm>> -> memref<8x1024xf32, #tpu.memory_space<hbm>>
      %dma_start3A_699 = arith.constant 0 : i32
      %dma_start3A_700 = tpu.memref_slice %arg4[%min3A_696, %dma_start3A_699] : memref<32768x1024xf32, #tpu.memory_space<hbm>> -> memref<8x1024xf32, #tpu.memory_space<hbm>>
      tpu.enqueue_dma source(%arg11 : memref<8x1024xf32, #tpu.memory_space<vmem>>) target(%dma_start3A_700 : memref<8x1024xf32, #tpu.memory_space<hbm>>) target_semaphore(%arg21 : memref<!tpu.dma_semaphore, #tpu.memory_space<semaphore_mem>>)
      %add3A_701 = arith.constant 1 : i32
      %add3A_702 = arith.addi %mul3A_551, %add3A_701 : i32
      %add3A_703 = arith.constant 16384 : i32
      %add3A_704 = arith.addi %add3A_703, %select_n3A : i32
      %mul3A_705 = arith.constant 8 : i32
      %mul3A_706 = arith.muli %add3A_702, %mul3A_705 : i32
      %add3A_707 = arith.addi %add3A_704, %mul3A_706 : i32
      %min3A_708 = arith.constant 32760 : i32
      %min3A_709 = arith.minsi %add3A_707, %min3A_708 : i32
      %dma_start3A_710 = arith.constant 0 : i32
      %dma_start3A_711 = tpu.memref_slice %arg2[%min3A_709, %dma_start3A_710] : memref<32768x1024xf32, #tpu.memory_space<hbm>> -> memref<8x1024xf32, #tpu.memory_space<hbm>>
      %dma_start3A_712 = arith.constant 0 : i32
      %dma_start3A_713 = tpu.memref_slice %arg2[%min3A_709, %dma_start3A_712] : memref<32768x1024xf32, #tpu.memory_space<hbm>> -> memref<8x1024xf32, #tpu.memory_space<hbm>>
      tpu.enqueue_dma source(%dma_start3A_713 : memref<8x1024xf32, #tpu.memory_space<hbm>>) target(%arg7 : memref<8x1024xf32, #tpu.memory_space<vmem>>) target_semaphore(%arg17 : memref<!tpu.dma_semaphore, #tpu.memory_space<semaphore_mem>>)
      %add3A_714 = arith.constant 24576 : i32
      %add3A_715 = arith.addi %add3A_714, %select_n3A : i32
      %mul3A_716 = arith.constant 8 : i32
      %mul3A_717 = arith.muli %mul3A_551, %mul3A_716 : i32
      %add3A_718 = arith.addi %add3A_715, %mul3A_717 : i32
      %min3A_719 = arith.constant 32760 : i32
      %min3A_720 = arith.minsi %add3A_718, %min3A_719 : i32
      %dma_wait3A_721 = arith.constant 0 : i32
      %dma_wait3A_722 = tpu.memref_slice %arg2[%min3A_720, %dma_wait3A_721] : memref<32768x1024xf32, #tpu.memory_space<hbm>> -> memref<8x1024xf32, #tpu.memory_space<hbm>>
      %dma_wait3A_723 = arith.constant 0 : i32
      %dma_wait3A_724 = tpu.memref_slice %arg2[%min3A_720, %dma_wait3A_723] : memref<32768x1024xf32, #tpu.memory_space<hbm>> -> memref<8x1024xf32, #tpu.memory_space<hbm>>
      tpu.wait_dma2 semaphore(%arg18 : memref<!tpu.dma_semaphore, #tpu.memory_space<semaphore_mem>>) src(%dma_wait3A_724 : memref<8x1024xf32, #tpu.memory_space<hbm>>) dst(%arg8 : memref<8x1024xf32, #tpu.memory_space<vmem>>)
      %sub3A_725 = arith.constant 1 : i32
      %sub3A_726 = arith.subi %mul3A_551, %sub3A_725 : i32
      %add3A_727 = arith.constant 24576 : i32
      %add3A_728 = arith.addi %add3A_727, %select_n3A : i32
      %mul3A_729 = arith.constant 8 : i32
      %mul3A_730 = arith.muli %sub3A_726, %mul3A_729 : i32
      %add3A_731 = arith.addi %add3A_728, %mul3A_730 : i32
      %min3A_732 = arith.constant 32760 : i32
      %min3A_733 = arith.minsi %add3A_731, %min3A_732 : i32
      %dma_wait3A_734 = arith.constant 0 : i32
      %dma_wait3A_735 = tpu.memref_slice %arg4[%min3A_733, %dma_wait3A_734] : memref<32768x1024xf32, #tpu.memory_space<hbm>> -> memref<8x1024xf32, #tpu.memory_space<hbm>>
      %dma_wait3A_736 = arith.constant 0 : i32
      %dma_wait3A_737 = tpu.memref_slice %arg4[%min3A_733, %dma_wait3A_736] : memref<32768x1024xf32, #tpu.memory_space<hbm>> -> memref<8x1024xf32, #tpu.memory_space<hbm>>
      tpu.wait_dma2 semaphore(%arg22 : memref<!tpu.dma_semaphore, #tpu.memory_space<semaphore_mem>>) src(%arg12 : memref<8x1024xf32, #tpu.memory_space<vmem>>) dst(%dma_wait3A_737 : memref<8x1024xf32, #tpu.memory_space<hbm>>)
      %parallel_loop3A_738 = arith.constant 0 : i32
      %parallel_loop3A_739 = arith.constant 512 : i32
      %parallel_loop3A_740 = arith.constant 1 : i32
      scf.for %parallel_loop3A_1004 = %parallel_loop3A_738 to %parallel_loop3A_739 step %parallel_loop3A_740  : i32 {
        %parallel_loop3A_1005 = arith.constant 6 : i32
        %parallel_loop3A_1006 = arith.shrsi %parallel_loop3A_1004, %parallel_loop3A_1005 : i32
        %parallel_loop3A_1007 = arith.constant 63 : i32
        %parallel_loop3A_1008 = arith.andi %parallel_loop3A_1004, %parallel_loop3A_1007 : i32
        %parallel_loop3A_1009 = arith.constant 4 : i32
        %parallel_loop3A_1010 = arith.shli %parallel_loop3A_1008, %parallel_loop3A_1009 : i32
        %parallel_loop3A_1011 = tpu.assume_multiple %parallel_loop3A_1010, 16 : i32
        %parallel_loop3A_1012 = arith.index_cast %parallel_loop3A_1006 : i32 to index
        %parallel_loop3A_1013 = arith.index_cast %parallel_loop3A_1011 : i32 to index
        %parallel_loop3A_1014 = tpu.vector_load %arg8[%parallel_loop3A_1012, %parallel_loop3A_1013] {strides = array<i32>} : memref<8x1024xf32, #tpu.memory_space<vmem>>, vector<1x16xf32>,
        %parallel_loop3A_1015 = vector.shape_cast %parallel_loop3A_1014 : vector<1x16xf32> to vector<16xf32>
        %parallel_loop3A_1016 = arith.index_cast %parallel_loop3A_1006 : i32 to index
        %parallel_loop3A_1017 = arith.index_cast %parallel_loop3A_1011 : i32 to index
        %parallel_loop3A_1018 = tpu.vector_load %arg13[%parallel_loop3A_1016, %parallel_loop3A_1017] {strides = array<i32>} : memref<8x1024xf32, #tpu.memory_space<vmem>>, vector<1x16xf32>,
        %parallel_loop3A_1019 = vector.shape_cast %parallel_loop3A_1018 : vector<1x16xf32> to vector<16xf32>
        %parallel_loop3A_1020 = arith.addf %parallel_loop3A_1015, %parallel_loop3A_1019 : vector<16xf32>
        %parallel_loop3A_1021 = arith.index_cast %parallel_loop3A_1006 : i32 to index
        %parallel_loop3A_1022 = arith.index_cast %parallel_loop3A_1011 : i32 to index
        %parallel_loop3A_1023 = tpu.vector_load %arg12[%parallel_loop3A_1021, %parallel_loop3A_1022] {strides = array<i32>} : memref<8x1024xf32, #tpu.memory_space<vmem>>, vector<1x16xf32>,
        %parallel_loop3A_1024 = vector.shape_cast %parallel_loop3A_1023 : vector<1x16xf32> to vector<16xf32>
        %parallel_loop3A_1025 = vector.shape_cast %parallel_loop3A_1020 : vector<16xf32> to vector<1x16xf32>
        tpu.vector_store %arg12[%parallel_loop3A_1021, %parallel_loop3A_1022], %parallel_loop3A_1025 {strides = array<i32>} : memref<8x1024xf32, #tpu.memory_space<vmem>>, vector<1x16xf32>,
      } {sc.loop_unroll_factor = 8 : i64, sc.parallel_access}
      %add3A_741 = arith.constant 24576 : i32
      %add3A_742 = arith.addi %add3A_741, %select_n3A : i32
      %mul3A_743 = arith.constant 8 : i32
      %mul3A_744 = arith.muli %mul3A_551, %mul3A_743 : i32
      %add3A_745 = arith.addi %add3A_742, %mul3A_744 : i32
      %min3A_746 = arith.constant 32760 : i32
      %min3A_747 = arith.minsi %add3A_745, %min3A_746 : i32
      %dma_start3A_748 = arith.constant 0 : i32
      %dma_start3A_749 = tpu.memref_slice %arg4[%min3A_747, %dma_start3A_748] : memref<32768x1024xf32, #tpu.memory_space<hbm>> -> memref<8x1024xf32, #tpu.memory_space<hbm>>
      %dma_start3A_750 = arith.constant 0 : i32
      %dma_start3A_751 = tpu.memref_slice %arg4[%min3A_747, %dma_start3A_750] : memref<32768x1024xf32, #tpu.memory_space<hbm>> -> memref<8x1024xf32, #tpu.memory_space<hbm>>
      tpu.enqueue_dma source(%arg12 : memref<8x1024xf32, #tpu.memory_space<vmem>>) target(%dma_start3A_751 : memref<8x1024xf32, #tpu.memory_space<hbm>>) target_semaphore(%arg22 : memref<!tpu.dma_semaphore, #tpu.memory_space<semaphore_mem>>)
      %add3A_752 = arith.constant 1 : i32
      %add3A_753 = arith.addi %mul3A_551, %add3A_752 : i32
      %add3A_754 = arith.constant 24576 : i32
      %add3A_755 = arith.addi %add3A_754, %select_n3A : i32
      %mul3A_756 = arith.constant 8 : i32
      %mul3A_757 = arith.muli %add3A_753, %mul3A_756 : i32
      %add3A_758 = arith.addi %add3A_755, %mul3A_757 : i32
      %min3A_759 = arith.constant 32760 : i32
      %min3A_760 = arith.minsi %add3A_758, %min3A_759 : i32
      %dma_start3A_761 = arith.constant 0 : i32
      %dma_start3A_762 = tpu.memref_slice %arg2[%min3A_760, %dma_start3A_761] : memref<32768x1024xf32, #tpu.memory_space<hbm>> -> memref<8x1024xf32, #tpu.memory_space<hbm>>
      %dma_start3A_763 = arith.constant 0 : i32
      %dma_start3A_764 = tpu.memref_slice %arg2[%min3A_760, %dma_start3A_763] : memref<32768x1024xf32, #tpu.memory_space<hbm>> -> memref<8x1024xf32, #tpu.memory_space<hbm>>
      tpu.enqueue_dma source(%dma_start3A_764 : memref<8x1024xf32, #tpu.memory_space<hbm>>) target(%arg8 : memref<8x1024xf32, #tpu.memory_space<vmem>>) target_semaphore(%arg18 : memref<!tpu.dma_semaphore, #tpu.memory_space<semaphore_mem>>)
      %add3A_765 = arith.constant 2 : i32
      %add3A_766 = arith.addi %mul3A_551, %add3A_765 : i32
      %mul3A_767 = arith.constant 8 : i32
      %mul3A_768 = arith.muli %add3A_766, %mul3A_767 : i32
      %add3A_769 = arith.addi %select_n3A, %mul3A_768 : i32
      %min3A_770 = arith.constant 8184 : i32
      %min3A_771 = arith.minsi %add3A_769, %min3A_770 : i32
      %dma_start3A_772 = arith.constant 0 : i32
      %dma_start3A_773 = tpu.memref_slice %arg3[%min3A_771, %dma_start3A_772] : memref<8192x1024xf32, #tpu.memory_space<hbm>> -> memref<8x1024xf32, #tpu.memory_space<hbm>>
      %dma_start3A_774 = arith.constant 0 : i32
      %dma_start3A_775 = tpu.memref_slice %arg3[%min3A_771, %dma_start3A_774] : memref<8192x1024xf32, #tpu.memory_space<hbm>> -> memref<8x1024xf32, #tpu.memory_space<hbm>>
      tpu.enqueue_dma source(%dma_start3A_775 : memref<8x1024xf32, #tpu.memory_space<hbm>>) target(%arg13 : memref<8x1024xf32, #tpu.memory_space<vmem>>) target_semaphore(%arg23 : memref<!tpu.dma_semaphore, #tpu.memory_space<semaphore_mem>>)
      %mul3A_776 = arith.constant 2 : i32
      %mul3A_777 = arith.muli %add3A_549, %mul3A_776 : i32
      %add3A_778 = arith.constant 1 : i32
      %add3A_779 = arith.addi %mul3A_777, %add3A_778 : i32
      %add3A_780 = arith.constant 0 : i32
      %add3A_781 = arith.addi %add3A_780, %select_n3A : i32
      %mul3A_782 = arith.constant 8 : i32
      %mul3A_783 = arith.muli %add3A_779, %mul3A_782 : i32
      %add3A_784 = arith.addi %add3A_781, %mul3A_783 : i32
      %min3A_785 = arith.constant 32760 : i32
      %min3A_786 = arith.minsi %add3A_784, %min3A_785 : i32
      %dma_wait3A_787 = arith.constant 0 : i32
      %dma_wait3A_788 = tpu.memref_slice %arg2[%min3A_786, %dma_wait3A_787] : memref<32768x1024xf32, #tpu.memory_space<hbm>> -> memref<8x1024xf32, #tpu.memory_space<hbm>>
      %dma_wait3A_789 = arith.constant 0 : i32
      %dma_wait3A_790 = tpu.memref_slice %arg2[%min3A_786, %dma_wait3A_789] : memref<32768x1024xf32, #tpu.memory_space<hbm>> -> memref<8x1024xf32, #tpu.memory_space<hbm>>
      tpu.wait_dma2 semaphore(%arg15 : memref<!tpu.dma_semaphore, #tpu.memory_space<semaphore_mem>>) src(%dma_wait3A_790 : memref<8x1024xf32, #tpu.memory_space<hbm>>) dst(%arg5 : memref<8x1024xf32, #tpu.memory_space<vmem>>)
      %mul3A_791 = arith.constant 8 : i32
      %mul3A_792 = arith.muli %add3A_779, %mul3A_791 : i32
      %add3A_793 = arith.addi %select_n3A, %mul3A_792 : i32
      %min3A_794 = arith.constant 8184 : i32
      %min3A_795 = arith.minsi %add3A_793, %min3A_794 : i32
      %dma_wait3A_796 = arith.constant 0 : i32
      %dma_wait3A_797 = tpu.memref_slice %arg3[%min3A_795, %dma_wait3A_796] : memref<8192x1024xf32, #tpu.memory_space<hbm>> -> memref<8x1024xf32, #tpu.memory_space<hbm>>
      %dma_wait3A_798 = arith.constant 0 : i32
      %dma_wait3A_799 = tpu.memref_slice %arg3[%min3A_795, %dma_wait3A_798] : memref<8192x1024xf32, #tpu.memory_space<hbm>> -> memref<8x1024xf32, #tpu.memory_space<hbm>>
      tpu.wait_dma2 semaphore(%arg24 : memref<!tpu.dma_semaphore, #tpu.memory_space<semaphore_mem>>) src(%dma_wait3A_799 : memref<8x1024xf32, #tpu.memory_space<hbm>>) dst(%arg14 : memref<8x1024xf32, #tpu.memory_space<vmem>>)
      %sub3A_800 = arith.constant 1 : i32
      %sub3A_801 = arith.subi %add3A_779, %sub3A_800 : i32
      %add3A_802 = arith.constant 0 : i32
      %add3A_803 = arith.addi %add3A_802, %select_n3A : i32
      %mul3A_804 = arith.constant 8 : i32
      %mul3A_805 = arith.muli %sub3A_801, %mul3A_804 : i32
      %add3A_806 = arith.addi %add3A_803, %mul3A_805 : i32
      %min3A_807 = arith.constant 32760 : i32
      %min3A_808 = arith.minsi %add3A_806, %min3A_807 : i32
      %dma_wait3A_809 = arith.constant 0 : i32
      %dma_wait3A_810 = tpu.memref_slice %arg4[%min3A_808, %dma_wait3A_809] : memref<32768x1024xf32, #tpu.memory_space<hbm>> -> memref<8x1024xf32, #tpu.memory_space<hbm>>
      %dma_wait3A_811 = arith.constant 0 : i32
      %dma_wait3A_812 = tpu.memref_slice %arg4[%min3A_808, %dma_wait3A_811] : memref<32768x1024xf32, #tpu.memory_space<hbm>> -> memref<8x1024xf32, #tpu.memory_space<hbm>>
      tpu.wait_dma2 semaphore(%arg19 : memref<!tpu.dma_semaphore, #tpu.memory_space<semaphore_mem>>) src(%arg9 : memref<8x1024xf32, #tpu.memory_space<vmem>>) dst(%dma_wait3A_812 : memref<8x1024xf32, #tpu.memory_space<hbm>>)
      %parallel_loop3A_813 = arith.constant 0 : i32
      %parallel_loop3A_814 = arith.constant 512 : i32
      %parallel_loop3A_815 = arith.constant 1 : i32
      scf.for %parallel_loop3A_1004 = %parallel_loop3A_813 to %parallel_loop3A_814 step %parallel_loop3A_815  : i32 {
        %parallel_loop3A_1005 = arith.constant 6 : i32
        %parallel_loop3A_1006 = arith.shrsi %parallel_loop3A_1004, %parallel_loop3A_1005 : i32
        %parallel_loop3A_1007 = arith.constant 63 : i32
        %parallel_loop3A_1008 = arith.andi %parallel_loop3A_1004, %parallel_loop3A_1007 : i32
        %parallel_loop3A_1009 = arith.constant 4 : i32
        %parallel_loop3A_1010 = arith.shli %parallel_loop3A_1008, %parallel_loop3A_1009 : i32
        %parallel_loop3A_1011 = tpu.assume_multiple %parallel_loop3A_1010, 16 : i32
        %parallel_loop3A_1012 = arith.index_cast %parallel_loop3A_1006 : i32 to index
        %parallel_loop3A_1013 = arith.index_cast %parallel_loop3A_1011 : i32 to index
        %parallel_loop3A_1014 = tpu.vector_load %arg5[%parallel_loop3A_1012, %parallel_loop3A_1013] {strides = array<i32>} : memref<8x1024xf32, #tpu.memory_space<vmem>>, vector<1x16xf32>,
        %parallel_loop3A_1015 = vector.shape_cast %parallel_loop3A_1014 : vector<1x16xf32> to vector<16xf32>
        %parallel_loop3A_1016 = arith.index_cast %parallel_loop3A_1006 : i32 to index
        %parallel_loop3A_1017 = arith.index_cast %parallel_loop3A_1011 : i32 to index
        %parallel_loop3A_1018 = tpu.vector_load %arg14[%parallel_loop3A_1016, %parallel_loop3A_1017] {strides = array<i32>} : memref<8x1024xf32, #tpu.memory_space<vmem>>, vector<1x16xf32>,
        %parallel_loop3A_1019 = vector.shape_cast %parallel_loop3A_1018 : vector<1x16xf32> to vector<16xf32>
        %parallel_loop3A_1020 = arith.addf %parallel_loop3A_1015, %parallel_loop3A_1019 : vector<16xf32>
        %parallel_loop3A_1021 = arith.index_cast %parallel_loop3A_1006 : i32 to index
        %parallel_loop3A_1022 = arith.index_cast %parallel_loop3A_1011 : i32 to index
        %parallel_loop3A_1023 = tpu.vector_load %arg9[%parallel_loop3A_1021, %parallel_loop3A_1022] {strides = array<i32>} : memref<8x1024xf32, #tpu.memory_space<vmem>>, vector<1x16xf32>,
        %parallel_loop3A_1024 = vector.shape_cast %parallel_loop3A_1023 : vector<1x16xf32> to vector<16xf32>
        %parallel_loop3A_1025 = vector.shape_cast %parallel_loop3A_1020 : vector<16xf32> to vector<1x16xf32>
        tpu.vector_store %arg9[%parallel_loop3A_1021, %parallel_loop3A_1022], %parallel_loop3A_1025 {strides = array<i32>} : memref<8x1024xf32, #tpu.memory_space<vmem>>, vector<1x16xf32>,
      } {sc.loop_unroll_factor = 8 : i64, sc.parallel_access}
      %add3A_816 = arith.constant 0 : i32
      %add3A_817 = arith.addi %add3A_816, %select_n3A : i32
      %mul3A_818 = arith.constant 8 : i32
      %mul3A_819 = arith.muli %add3A_779, %mul3A_818 : i32
      %add3A_820 = arith.addi %add3A_817, %mul3A_819 : i32
      %min3A_821 = arith.constant 32760 : i32
      %min3A_822 = arith.minsi %add3A_820, %min3A_821 : i32
      %dma_start3A_823 = arith.constant 0 : i32
      %dma_start3A_824 = tpu.memref_slice %arg4[%min3A_822, %dma_start3A_823] : memref<32768x1024xf32, #tpu.memory_space<hbm>> -> memref<8x1024xf32, #tpu.memory_space<hbm>>
      %dma_start3A_825 = arith.constant 0 : i32
      %dma_start3A_826 = tpu.memref_slice %arg4[%min3A_822, %dma_start3A_825] : memref<32768x1024xf32, #tpu.memory_space<hbm>> -> memref<8x1024xf32, #tpu.memory_space<hbm>>
      tpu.enqueue_dma source(%arg9 : memref<8x1024xf32, #tpu.memory_space<vmem>>) target(%dma_start3A_826 : memref<8x1024xf32, #tpu.memory_space<hbm>>) target_semaphore(%arg19 : memref<!tpu.dma_semaphore, #tpu.memory_space<semaphore_mem>>)
      %add3A_827 = arith.constant 1 : i32
      %add3A_828 = arith.addi %add3A_779, %add3A_827 : i32
      %add3A_829 = arith.constant 0 : i32
      %add3A_830 = arith.addi %add3A_829, %select_n3A : i32
      %mul3A_831 = arith.constant 8 : i32
      %mul3A_832 = arith.muli %add3A_828, %mul3A_831 : i32
      %add3A_833 = arith.addi %add3A_830, %mul3A_832 : i32
      %min3A_834 = arith.constant 32760 : i32
      %min3A_835 = arith.minsi %add3A_833, %min3A_834 : i32
      %dma_start3A_836 = arith.constant 0 : i32
      %dma_start3A_837 = tpu.memref_slice %arg2[%min3A_835, %dma_start3A_836] : memref<32768x1024xf32, #tpu.memory_space<hbm>> -> memref<8x1024xf32, #tpu.memory_space<hbm>>
      %dma_start3A_838 = arith.constant 0 : i32
      %dma_start3A_839 = tpu.memref_slice %arg2[%min3A_835, %dma_start3A_838] : memref<32768x1024xf32, #tpu.memory_space<hbm>> -> memref<8x1024xf32, #tpu.memory_space<hbm>>
      tpu.enqueue_dma source(%dma_start3A_839 : memref<8x1024xf32, #tpu.memory_space<hbm>>) target(%arg5 : memref<8x1024xf32, #tpu.memory_space<vmem>>) target_semaphore(%arg15 : memref<!tpu.dma_semaphore, #tpu.memory_space<semaphore_mem>>)
      %add3A_840 = arith.constant 8192 : i32
      %add3A_841 = arith.addi %add3A_840, %select_n3A : i32
      %mul3A_842 = arith.constant 8 : i32
      %mul3A_843 = arith.muli %add3A_779, %mul3A_842 : i32
      %add3A_844 = arith.addi %add3A_841, %mul3A_843 : i32
      %min3A_845 = arith.constant 32760 : i32
      %min3A_846 = arith.minsi %add3A_844, %min3A_845 : i32
      %dma_wait3A_847 = arith.constant 0 : i32
      %dma_wait3A_848 = tpu.memref_slice %arg2[%min3A_846, %dma_wait3A_847] : memref<32768x1024xf32, #tpu.memory_space<hbm>> -> memref<8x1024xf32, #tpu.memory_space<hbm>>
      %dma_wait3A_849 = arith.constant 0 : i32
      %dma_wait3A_850 = tpu.memref_slice %arg2[%min3A_846, %dma_wait3A_849] : memref<32768x1024xf32, #tpu.memory_space<hbm>> -> memref<8x1024xf32, #tpu.memory_space<hbm>>
      tpu.wait_dma2 semaphore(%arg16 : memref<!tpu.dma_semaphore, #tpu.memory_space<semaphore_mem>>) src(%dma_wait3A_850 : memref<8x1024xf32, #tpu.memory_space<hbm>>) dst(%arg6 : memref<8x1024xf32, #tpu.memory_space<vmem>>)
      %sub3A_851 = arith.constant 1 : i32
      %sub3A_852 = arith.subi %add3A_779, %sub3A_851 : i32
      %add3A_853 = arith.constant 8192 : i32
      %add3A_854 = arith.addi %add3A_853, %select_n3A : i32
      %mul3A_855 = arith.constant 8 : i32
      %mul3A_856 = arith.muli %sub3A_852, %mul3A_855 : i32
      %add3A_857 = arith.addi %add3A_854, %mul3A_856 : i32
      %min3A_858 = arith.constant 32760 : i32
      %min3A_859 = arith.minsi %add3A_857, %min3A_858 : i32
      %dma_wait3A_860 = arith.constant 0 : i32
      %dma_wait3A_861 = tpu.memref_slice %arg4[%min3A_859, %dma_wait3A_860] : memref<32768x1024xf32, #tpu.memory_space<hbm>> -> memref<8x1024xf32, #tpu.memory_space<hbm>>
      %dma_wait3A_862 = arith.constant 0 : i32
      %dma_wait3A_863 = tpu.memref_slice %arg4[%min3A_859, %dma_wait3A_862] : memref<32768x1024xf32, #tpu.memory_space<hbm>> -> memref<8x1024xf32, #tpu.memory_space<hbm>>
      tpu.wait_dma2 semaphore(%arg20 : memref<!tpu.dma_semaphore, #tpu.memory_space<semaphore_mem>>) src(%arg10 : memref<8x1024xf32, #tpu.memory_space<vmem>>) dst(%dma_wait3A_863 : memref<8x1024xf32, #tpu.memory_space<hbm>>)
      %parallel_loop3A_864 = arith.constant 0 : i32
      %parallel_loop3A_865 = arith.constant 512 : i32
      %parallel_loop3A_866 = arith.constant 1 : i32
      scf.for %parallel_loop3A_1004 = %parallel_loop3A_864 to %parallel_loop3A_865 step %parallel_loop3A_866  : i32 {
        %parallel_loop3A_1005 = arith.constant 6 : i32
        %parallel_loop3A_1006 = arith.shrsi %parallel_loop3A_1004, %parallel_loop3A_1005 : i32
        %parallel_loop3A_1007 = arith.constant 63 : i32
        %parallel_loop3A_1008 = arith.andi %parallel_loop3A_1004, %parallel_loop3A_1007 : i32
        %parallel_loop3A_1009 = arith.constant 4 : i32
        %parallel_loop3A_1010 = arith.shli %parallel_loop3A_1008, %parallel_loop3A_1009 : i32
        %parallel_loop3A_1011 = tpu.assume_multiple %parallel_loop3A_1010, 16 : i32
        %parallel_loop3A_1012 = arith.index_cast %parallel_loop3A_1006 : i32 to index
        %parallel_loop3A_1013 = arith.index_cast %parallel_loop3A_1011 : i32 to index
        %parallel_loop3A_1014 = tpu.vector_load %arg6[%parallel_loop3A_1012, %parallel_loop3A_1013] {strides = array<i32>} : memref<8x1024xf32, #tpu.memory_space<vmem>>, vector<1x16xf32>,
        %parallel_loop3A_1015 = vector.shape_cast %parallel_loop3A_1014 : vector<1x16xf32> to vector<16xf32>
        %parallel_loop3A_1016 = arith.index_cast %parallel_loop3A_1006 : i32 to index
        %parallel_loop3A_1017 = arith.index_cast %parallel_loop3A_1011 : i32 to index
        %parallel_loop3A_1018 = tpu.vector_load %arg14[%parallel_loop3A_1016, %parallel_loop3A_1017] {strides = array<i32>} : memref<8x1024xf32, #tpu.memory_space<vmem>>, vector<1x16xf32>,
        %parallel_loop3A_1019 = vector.shape_cast %parallel_loop3A_1018 : vector<1x16xf32> to vector<16xf32>
        %parallel_loop3A_1020 = arith.addf %parallel_loop3A_1015, %parallel_loop3A_1019 : vector<16xf32>
        %parallel_loop3A_1021 = arith.index_cast %parallel_loop3A_1006 : i32 to index
        %parallel_loop3A_1022 = arith.index_cast %parallel_loop3A_1011 : i32 to index
        %parallel_loop3A_1023 = tpu.vector_load %arg10[%parallel_loop3A_1021, %parallel_loop3A_1022] {strides = array<i32>} : memref<8x1024xf32, #tpu.memory_space<vmem>>, vector<1x16xf32>,
        %parallel_loop3A_1024 = vector.shape_cast %parallel_loop3A_1023 : vector<1x16xf32> to vector<16xf32>
        %parallel_loop3A_1025 = vector.shape_cast %parallel_loop3A_1020 : vector<16xf32> to vector<1x16xf32>
        tpu.vector_store %arg10[%parallel_loop3A_1021, %parallel_loop3A_1022], %parallel_loop3A_1025 {strides = array<i32>} : memref<8x1024xf32, #tpu.memory_space<vmem>>, vector<1x16xf32>,
      } {sc.loop_unroll_factor = 8 : i64, sc.parallel_access}
      %add3A_867 = arith.constant 8192 : i32
      %add3A_868 = arith.addi %add3A_867, %select_n3A : i32
      %mul3A_869 = arith.constant 8 : i32
      %mul3A_870 = arith.muli %add3A_779, %mul3A_869 : i32
      %add3A_871 = arith.addi %add3A_868, %mul3A_870 : i32
      %min3A_872 = arith.constant 32760 : i32
      %min3A_873 = arith.minsi %add3A_871, %min3A_872 : i32
      %dma_start3A_874 = arith.constant 0 : i32
      %dma_start3A_875 = tpu.memref_slice %arg4[%min3A_873, %dma_start3A_874] : memref<32768x1024xf32, #tpu.memory_space<hbm>> -> memref<8x1024xf32, #tpu.memory_space<hbm>>
      %dma_start3A_876 = arith.constant 0 : i32
      %dma_start3A_877 = tpu.memref_slice %arg4[%min3A_873, %dma_start3A_876] : memref<32768x1024xf32, #tpu.memory_space<hbm>> -> memref<8x1024xf32, #tpu.memory_space<hbm>>
      tpu.enqueue_dma source(%arg10 : memref<8x1024xf32, #tpu.memory_space<vmem>>) target(%dma_start3A_877 : memref<8x1024xf32, #tpu.memory_space<hbm>>) target_semaphore(%arg20 : memref<!tpu.dma_semaphore, #tpu.memory_space<semaphore_mem>>)
      %add3A_878 = arith.constant 1 : i32
      %add3A_879 = arith.addi %add3A_779, %add3A_878 : i32
      %add3A_880 = arith.constant 8192 : i32
      %add3A_881 = arith.addi %add3A_880, %select_n3A : i32
      %mul3A_882 = arith.constant 8 : i32
      %mul3A_883 = arith.muli %add3A_879, %mul3A_882 : i32
      %add3A_884 = arith.addi %add3A_881, %mul3A_883 : i32
      %min3A_885 = arith.constant 32760 : i32
      %min3A_886 = arith.minsi %add3A_884, %min3A_885 : i32
      %dma_start3A_887 = arith.constant 0 : i32
      %dma_start3A_888 = tpu.memref_slice %arg2[%min3A_886, %dma_start3A_887] : memref<32768x1024xf32, #tpu.memory_space<hbm>> -> memref<8x1024xf32, #tpu.memory_space<hbm>>
      %dma_start3A_889 = arith.constant 0 : i32
      %dma_start3A_890 = tpu.memref_slice %arg2[%min3A_886, %dma_start3A_889] : memref<32768x1024xf32, #tpu.memory_space<hbm>> -> memref<8x1024xf32, #tpu.memory_space<hbm>>
      tpu.enqueue_dma source(%dma_start3A_890 : memref<8x1024xf32, #tpu.memory_space<hbm>>) target(%arg6 : memref<8x1024xf32, #tpu.memory_space<vmem>>) target_semaphore(%arg16 : memref<!tpu.dma_semaphore, #tpu.memory_space<semaphore_mem>>)
      %add3A_891 = arith.constant 16384 : i32
      %add3A_892 = arith.addi %add3A_891, %select_n3A : i32
      %mul3A_893 = arith.constant 8 : i32
      %mul3A_894 = arith.muli %add3A_779, %mul3A_893 : i32
      %add3A_895 = arith.addi %add3A_892, %mul3A_894 : i32
      %min3A_896 = arith.constant 32760 : i32
      %min3A_897 = arith.minsi %add3A_895, %min3A_896 : i32
      %dma_wait3A_898 = arith.constant 0 : i32
      %dma_wait3A_899 = tpu.memref_slice %arg2[%min3A_897, %dma_wait3A_898] : memref<32768x1024xf32, #tpu.memory_space<hbm>> -> memref<8x1024xf32, #tpu.memory_space<hbm>>
      %dma_wait3A_900 = arith.constant 0 : i32
      %dma_wait3A_901 = tpu.memref_slice %arg2[%min3A_897, %dma_wait3A_900] : memref<32768x1024xf32, #tpu.memory_space<hbm>> -> memref<8x1024xf32, #tpu.memory_space<hbm>>
      tpu.wait_dma2 semaphore(%arg17 : memref<!tpu.dma_semaphore, #tpu.memory_space<semaphore_mem>>) src(%dma_wait3A_901 : memref<8x1024xf32, #tpu.memory_space<hbm>>) dst(%arg7 : memref<8x1024xf32, #tpu.memory_space<vmem>>)
      %sub3A_902 = arith.constant 1 : i32
      %sub3A_903 = arith.subi %add3A_779, %sub3A_902 : i32
      %add3A_904 = arith.constant 16384 : i32
      %add3A_905 = arith.addi %add3A_904, %select_n3A : i32
      %mul3A_906 = arith.constant 8 : i32
      %mul3A_907 = arith.muli %sub3A_903, %mul3A_906 : i32
      %add3A_908 = arith.addi %add3A_905, %mul3A_907 : i32
      %min3A_909 = arith.constant 32760 : i32
      %min3A_910 = arith.minsi %add3A_908, %min3A_909 : i32
      %dma_wait3A_911 = arith.constant 0 : i32
      %dma_wait3A_912 = tpu.memref_slice %arg4[%min3A_910, %dma_wait3A_911] : memref<32768x1024xf32, #tpu.memory_space<hbm>> -> memref<8x1024xf32, #tpu.memory_space<hbm>>
      %dma_wait3A_913 = arith.constant 0 : i32
      %dma_wait3A_914 = tpu.memref_slice %arg4[%min3A_910, %dma_wait3A_913] : memref<32768x1024xf32, #tpu.memory_space<hbm>> -> memref<8x1024xf32, #tpu.memory_space<hbm>>
      tpu.wait_dma2 semaphore(%arg21 : memref<!tpu.dma_semaphore, #tpu.memory_space<semaphore_mem>>) src(%arg11 : memref<8x1024xf32, #tpu.memory_space<vmem>>) dst(%dma_wait3A_914 : memref<8x1024xf32, #tpu.memory_space<hbm>>)
      %parallel_loop3A_915 = arith.constant 0 : i32
      %parallel_loop3A_916 = arith.constant 512 : i32
      %parallel_loop3A_917 = arith.constant 1 : i32
      scf.for %parallel_loop3A_1004 = %parallel_loop3A_915 to %parallel_loop3A_916 step %parallel_loop3A_917  : i32 {
        %parallel_loop3A_1005 = arith.constant 6 : i32
        %parallel_loop3A_1006 = arith.shrsi %parallel_loop3A_1004, %parallel_loop3A_1005 : i32
        %parallel_loop3A_1007 = arith.constant 63 : i32
        %parallel_loop3A_1008 = arith.andi %parallel_loop3A_1004, %parallel_loop3A_1007 : i32
        %parallel_loop3A_1009 = arith.constant 4 : i32
        %parallel_loop3A_1010 = arith.shli %parallel_loop3A_1008, %parallel_loop3A_1009 : i32
        %parallel_loop3A_1011 = tpu.assume_multiple %parallel_loop3A_1010, 16 : i32
        %parallel_loop3A_1012 = arith.index_cast %parallel_loop3A_1006 : i32 to index
        %parallel_loop3A_1013 = arith.index_cast %parallel_loop3A_1011 : i32 to index
        %parallel_loop3A_1014 = tpu.vector_load %arg7[%parallel_loop3A_1012, %parallel_loop3A_1013] {strides = array<i32>} : memref<8x1024xf32, #tpu.memory_space<vmem>>, vector<1x16xf32>,
        %parallel_loop3A_1015 = vector.shape_cast %parallel_loop3A_1014 : vector<1x16xf32> to vector<16xf32>
        %parallel_loop3A_1016 = arith.index_cast %parallel_loop3A_1006 : i32 to index
        %parallel_loop3A_1017 = arith.index_cast %parallel_loop3A_1011 : i32 to index
        %parallel_loop3A_1018 = tpu.vector_load %arg14[%parallel_loop3A_1016, %parallel_loop3A_1017] {strides = array<i32>} : memref<8x1024xf32, #tpu.memory_space<vmem>>, vector<1x16xf32>,
        %parallel_loop3A_1019 = vector.shape_cast %parallel_loop3A_1018 : vector<1x16xf32> to vector<16xf32>
        %parallel_loop3A_1020 = arith.addf %parallel_loop3A_1015, %parallel_loop3A_1019 : vector<16xf32>
        %parallel_loop3A_1021 = arith.index_cast %parallel_loop3A_1006 : i32 to index
        %parallel_loop3A_1022 = arith.index_cast %parallel_loop3A_1011 : i32 to index
        %parallel_loop3A_1023 = tpu.vector_load %arg11[%parallel_loop3A_1021, %parallel_loop3A_1022] {strides = array<i32>} : memref<8x1024xf32, #tpu.memory_space<vmem>>, vector<1x16xf32>,
        %parallel_loop3A_1024 = vector.shape_cast %parallel_loop3A_1023 : vector<1x16xf32> to vector<16xf32>
        %parallel_loop3A_1025 = vector.shape_cast %parallel_loop3A_1020 : vector<16xf32> to vector<1x16xf32>
        tpu.vector_store %arg11[%parallel_loop3A_1021, %parallel_loop3A_1022], %parallel_loop3A_1025 {strides = array<i32>} : memref<8x1024xf32, #tpu.memory_space<vmem>>, vector<1x16xf32>,
      } {sc.loop_unroll_factor = 8 : i64, sc.parallel_access}
      %add3A_918 = arith.constant 16384 : i32
      %add3A_919 = arith.addi %add3A_918, %select_n3A : i32
      %mul3A_920 = arith.constant 8 : i32
      %mul3A_921 = arith.muli %add3A_779, %mul3A_920 : i32
      %add3A_922 = arith.addi %add3A_919, %mul3A_921 : i32
      %min3A_923 = arith.constant 32760 : i32
      %min3A_924 = arith.minsi %add3A_922, %min3A_923 : i32
      %dma_start3A_925 = arith.constant 0 : i32
      %dma_start3A_926 = tpu.memref_slice %arg4[%min3A_924, %dma_start3A_925] : memref<32768x1024xf32, #tpu.memory_space<hbm>> -> memref<8x1024xf32, #tpu.memory_space<hbm>>
      %dma_start3A_927 = arith.constant 0 : i32
      %dma_start3A_928 = tpu.memref_slice %arg4[%min3A_924, %dma_start3A_927] : memref<32768x1024xf32, #tpu.memory_space<hbm>> -> memref<8x1024xf32, #tpu.memory_space<hbm>>
      tpu.enqueue_dma source(%arg11 : memref<8x1024xf32, #tpu.memory_space<vmem>>) target(%dma_start3A_928 : memref<8x1024xf32, #tpu.memory_space<hbm>>) target_semaphore(%arg21 : memref<!tpu.dma_semaphore, #tpu.memory_space<semaphore_mem>>)
      %add3A_929 = arith.constant 1 : i32
      %add3A_930 = arith.addi %add3A_779, %add3A_929 : i32
      %add3A_931 = arith.constant 16384 : i32
      %add3A_932 = arith.addi %add3A_931, %select_n3A : i32
      %mul3A_933 = arith.constant 8 : i32
      %mul3A_934 = arith.muli %add3A_930, %mul3A_933 : i32
      %add3A_935 = arith.addi %add3A_932, %mul3A_934 : i32
      %min3A_936 = arith.constant 32760 : i32
      %min3A_937 = arith.minsi %add3A_935, %min3A_936 : i32
      %dma_start3A_938 = arith.constant 0 : i32
      %dma_start3A_939 = tpu.memref_slice %arg2[%min3A_937, %dma_start3A_938] : memref<32768x1024xf32, #tpu.memory_space<hbm>> -> memref<8x1024xf32, #tpu.memory_space<hbm>>
      %dma_start3A_940 = arith.constant 0 : i32
      %dma_start3A_941 = tpu.memref_slice %arg2[%min3A_937, %dma_start3A_940] : memref<32768x1024xf32, #tpu.memory_space<hbm>> -> memref<8x1024xf32, #tpu.memory_space<hbm>>
      tpu.enqueue_dma source(%dma_start3A_941 : memref<8x1024xf32, #tpu.memory_space<hbm>>) target(%arg7 : memref<8x1024xf32, #tpu.memory_space<vmem>>) target_semaphore(%arg17 : memref<!tpu.dma_semaphore, #tpu.memory_space<semaphore_mem>>)
      %add3A_942 = arith.constant 24576 : i32
      %add3A_943 = arith.addi %add3A_942, %select_n3A : i32
      %mul3A_944 = arith.constant 8 : i32
      %mul3A_945 = arith.muli %add3A_779, %mul3A_944 : i32
      %add3A_946 = arith.addi %add3A_943, %mul3A_945 : i32
      %min3A_947 = arith.constant 32760 : i32
      %min3A_948 = arith.minsi %add3A_946, %min3A_947 : i32
      %dma_wait3A_949 = arith.constant 0 : i32
      %dma_wait3A_950 = tpu.memref_slice %arg2[%min3A_948, %dma_wait3A_949] : memref<32768x1024xf32, #tpu.memory_space<hbm>> -> memref<8x1024xf32, #tpu.memory_space<hbm>>
      %dma_wait3A_951 = arith.constant 0 : i32
      %dma_wait3A_952 = tpu.memref_slice %arg2[%min3A_948, %dma_wait3A_951] : memref<32768x1024xf32, #tpu.memory_space<hbm>> -> memref<8x1024xf32, #tpu.memory_space<hbm>>
      tpu.wait_dma2 semaphore(%arg18 : memref<!tpu.dma_semaphore, #tpu.memory_space<semaphore_mem>>) src(%dma_wait3A_952 : memref<8x1024xf32, #tpu.memory_space<hbm>>) dst(%arg8 : memref<8x1024xf32, #tpu.memory_space<vmem>>)
      %sub3A_953 = arith.constant 1 : i32
      %sub3A_954 = arith.subi %add3A_779, %sub3A_953 : i32
      %add3A_955 = arith.constant 24576 : i32
      %add3A_956 = arith.addi %add3A_955, %select_n3A : i32
      %mul3A_957 = arith.constant 8 : i32
      %mul3A_958 = arith.muli %sub3A_954, %mul3A_957 : i32
      %add3A_959 = arith.addi %add3A_956, %mul3A_958 : i32
      %min3A_960 = arith.constant 32760 : i32
      %min3A_961 = arith.minsi %add3A_959, %min3A_960 : i32
      %dma_wait3A_962 = arith.constant 0 : i32
      %dma_wait3A_963 = tpu.memref_slice %arg4[%min3A_961, %dma_wait3A_962] : memref<32768x1024xf32, #tpu.memory_space<hbm>> -> memref<8x1024xf32, #tpu.memory_space<hbm>>
      %dma_wait3A_964 = arith.constant 0 : i32
      %dma_wait3A_965 = tpu.memref_slice %arg4[%min3A_961, %dma_wait3A_964] : memref<32768x1024xf32, #tpu.memory_space<hbm>> -> memref<8x1024xf32, #tpu.memory_space<hbm>>
      tpu.wait_dma2 semaphore(%arg22 : memref<!tpu.dma_semaphore, #tpu.memory_space<semaphore_mem>>) src(%arg12 : memref<8x1024xf32, #tpu.memory_space<vmem>>) dst(%dma_wait3A_965 : memref<8x1024xf32, #tpu.memory_space<hbm>>)
      %parallel_loop3A_966 = arith.constant 0 : i32
      %parallel_loop3A_967 = arith.constant 512 : i32
      %parallel_loop3A_968 = arith.constant 1 : i32
      scf.for %parallel_loop3A_1004 = %parallel_loop3A_966 to %parallel_loop3A_967 step %parallel_loop3A_968  : i32 {
        %parallel_loop3A_1005 = arith.constant 6 : i32
        %parallel_loop3A_1006 = arith.shrsi %parallel_loop3A_1004, %parallel_loop3A_1005 : i32
        %parallel_loop3A_1007 = arith.constant 63 : i32
        %parallel_loop3A_1008 = arith.andi %parallel_loop3A_1004, %parallel_loop3A_1007 : i32
        %parallel_loop3A_1009 = arith.constant 4 : i32
        %parallel_loop3A_1010 = arith.shli %parallel_loop3A_1008, %parallel_loop3A_1009 : i32
        %parallel_loop3A_1011 = tpu.assume_multiple %parallel_loop3A_1010, 16 : i32
        %parallel_loop3A_1012 = arith.index_cast %parallel_loop3A_1006 : i32 to index
        %parallel_loop3A_1013 = arith.index_cast %parallel_loop3A_1011 : i32 to index
        %parallel_loop3A_1014 = tpu.vector_load %arg8[%parallel_loop3A_1012, %parallel_loop3A_1013] {strides = array<i32>} : memref<8x1024xf32, #tpu.memory_space<vmem>>, vector<1x16xf32>,
        %parallel_loop3A_1015 = vector.shape_cast %parallel_loop3A_1014 : vector<1x16xf32> to vector<16xf32>
        %parallel_loop3A_1016 = arith.index_cast %parallel_loop3A_1006 : i32 to index
        %parallel_loop3A_1017 = arith.index_cast %parallel_loop3A_1011 : i32 to index
        %parallel_loop3A_1018 = tpu.vector_load %arg14[%parallel_loop3A_1016, %parallel_loop3A_1017] {strides = array<i32>} : memref<8x1024xf32, #tpu.memory_space<vmem>>, vector<1x16xf32>,
        %parallel_loop3A_1019 = vector.shape_cast %parallel_loop3A_1018 : vector<1x16xf32> to vector<16xf32>
        %parallel_loop3A_1020 = arith.addf %parallel_loop3A_1015, %parallel_loop3A_1019 : vector<16xf32>
        %parallel_loop3A_1021 = arith.index_cast %parallel_loop3A_1006 : i32 to index
        %parallel_loop3A_1022 = arith.index_cast %parallel_loop3A_1011 : i32 to index
        %parallel_loop3A_1023 = tpu.vector_load %arg12[%parallel_loop3A_1021, %parallel_loop3A_1022] {strides = array<i32>} : memref<8x1024xf32, #tpu.memory_space<vmem>>, vector<1x16xf32>,
        %parallel_loop3A_1024 = vector.shape_cast %parallel_loop3A_1023 : vector<1x16xf32> to vector<16xf32>
        %parallel_loop3A_1025 = vector.shape_cast %parallel_loop3A_1020 : vector<16xf32> to vector<1x16xf32>
        tpu.vector_store %arg12[%parallel_loop3A_1021, %parallel_loop3A_1022], %parallel_loop3A_1025 {strides = array<i32>} : memref<8x1024xf32, #tpu.memory_space<vmem>>, vector<1x16xf32>,
      } {sc.loop_unroll_factor = 8 : i64, sc.parallel_access}
      %add3A_969 = arith.constant 24576 : i32
      %add3A_970 = arith.addi %add3A_969, %select_n3A : i32
      %mul3A_971 = arith.constant 8 : i32
      %mul3A_972 = arith.muli %add3A_779, %mul3A_971 : i32
      %add3A_973 = arith.addi %add3A_970, %mul3A_972 : i32
      %min3A_974 = arith.constant 32760 : i32
      %min3A_975 = arith.minsi %add3A_973, %min3A_974 : i32
      %dma_start3A_976 = arith.constant 0 : i32
      %dma_start3A_977 = tpu.memref_slice %arg4[%min3A_975, %dma_start3A_976] : memref<32768x1024xf32, #tpu.memory_space<hbm>> -> memref<8x1024xf32, #tpu.memory_space<hbm>>
      %dma_start3A_978 = arith.constant 0 : i32
      %dma_start3A_979 = tpu.memref_slice %arg4[%min3A_975, %dma_start3A_978] : memref<32768x1024xf32, #tpu.memory_space<hbm>> -> memref<8x1024xf32, #tpu.memory_space<hbm>>
      tpu.enqueue_dma source(%arg12 : memref<8x1024xf32, #tpu.memory_space<vmem>>) target(%dma_start3A_979 : memref<8x1024xf32, #tpu.memory_space<hbm>>) target_semaphore(%arg22 : memref<!tpu.dma_semaphore, #tpu.memory_space<semaphore_mem>>)
      %add3A_980 = arith.constant 1 : i32
      %add3A_981 = arith.addi %add3A_779, %add3A_980 : i32
      %add3A_982 = arith.constant 24576 : i32
      %add3A_983 = arith.addi %add3A_982, %select_n3A : i32
      %mul3A_984 = arith.constant 8 : i32
      %mul3A_985 = arith.muli %add3A_981, %mul3A_984 : i32
      %add3A_986 = arith.addi %add3A_983, %mul3A_985 : i32
      %min3A_987 = arith.constant 32760 : i32
      %min3A_988 = arith.minsi %add3A_986, %min3A_987 : i32
      %dma_start3A_989 = arith.constant 0 : i32
      %dma_start3A_990 = tpu.memref_slice %arg2[%min3A_988, %dma_start3A_989] : memref<32768x1024xf32, #tpu.memory_space<hbm>> -> memref<8x1024xf32, #tpu.memory_space<hbm>>
      %dma_start3A_991 = arith.constant 0 : i32
      %dma_start3A_992 = tpu.memref_slice %arg2[%min3A_988, %dma_start3A_991] : memref<32768x1024xf32, #tpu.memory_space<hbm>> -> memref<8x1024xf32, #tpu.memory_space<hbm>>
      tpu.enqueue_dma source(%dma_start3A_992 : memref<8x1024xf32, #tpu.memory_space<hbm>>) target(%arg8 : memref<8x1024xf32, #tpu.memory_space<vmem>>) target_semaphore(%arg18 : memref<!tpu.dma_semaphore, #tpu.memory_space<semaphore_mem>>)
      %add3A_993 = arith.constant 2 : i32
      %add3A_994 = arith.addi %add3A_779, %add3A_993 : i32
      %mul3A_995 = arith.constant 8 : i32
      %mul3A_996 = arith.muli %add3A_994, %mul3A_995 : i32
      %add3A_997 = arith.addi %select_n3A, %mul3A_996 : i32
      %min3A_998 = arith.constant 8184 : i32
      %min3A_999 = arith.minsi %add3A_997, %min3A_998 : i32
      %dma_start3A_1000 = arith.constant 0 : i32
      %dma_start3A_1001 = tpu.memref_slice %arg3[%min3A_999, %dma_start3A_1000] : memref<8192x1024xf32, #tpu.memory_space<hbm>> -> memref<8x1024xf32, #tpu.memory_space<hbm>>
      %dma_start3A_1002 = arith.constant 0 : i32
      %dma_start3A_1003 = tpu.memref_slice %arg3[%min3A_999, %dma_start3A_1002] : memref<8192x1024xf32, #tpu.memory_space<hbm>> -> memref<8x1024xf32, #tpu.memory_space<hbm>>
      tpu.enqueue_dma source(%dma_start3A_1003 : memref<8x1024xf32, #tpu.memory_space<hbm>>) target(%arg14 : memref<8x1024xf32, #tpu.memory_space<vmem>>) target_semaphore(%arg24 : memref<!tpu.dma_semaphore, #tpu.memory_space<semaphore_mem>>)
    }
    %sub3A_431 = arith.constant 1 : i32
    %sub3A_432 = arith.subi %select_n3A_6, %sub3A_431 : i32
    %add3A_433 = arith.constant 0 : i32
    %add3A_434 = arith.addi %add3A_433, %select_n3A : i32
    %mul3A_435 = arith.constant 8 : i32
    %mul3A_436 = arith.muli %sub3A_432, %mul3A_435 : i32
    %add3A_437 = arith.addi %add3A_434, %mul3A_436 : i32
    %min3A_438 = arith.constant 32760 : i32
    %min3A_439 = arith.minsi %add3A_437, %min3A_438 : i32
    %dma_wait3A_440 = arith.constant 0 : i32
    %dma_wait3A_441 = tpu.memref_slice %arg4[%min3A_439, %dma_wait3A_440] : memref<32768x1024xf32, #tpu.memory_space<hbm>> -> memref<8x1024xf32, #tpu.memory_space<hbm>>
    %dma_wait3A_442 = arith.constant 0 : i32
    %dma_wait3A_443 = tpu.memref_slice %arg4[%min3A_439, %dma_wait3A_442] : memref<32768x1024xf32, #tpu.memory_space<hbm>> -> memref<8x1024xf32, #tpu.memory_space<hbm>>
    tpu.wait_dma2 semaphore(%arg19 : memref<!tpu.dma_semaphore, #tpu.memory_space<semaphore_mem>>) src(%arg9 : memref<8x1024xf32, #tpu.memory_space<vmem>>) dst(%dma_wait3A_443 : memref<8x1024xf32, #tpu.memory_space<hbm>>)
    %add3A_444 = arith.constant 0 : i32
    %add3A_445 = arith.addi %add3A_444, %select_n3A : i32
    %mul3A_446 = arith.constant 8 : i32
    %mul3A_447 = arith.muli %select_n3A_6, %mul3A_446 : i32
    %add3A_448 = arith.addi %add3A_445, %mul3A_447 : i32
    %min3A_449 = arith.constant 32760 : i32
    %min3A_450 = arith.minsi %add3A_448, %min3A_449 : i32
    %dma_wait3A_451 = arith.constant 0 : i32
    %dma_wait3A_452 = tpu.memref_slice %arg2[%min3A_450, %dma_wait3A_451] : memref<32768x1024xf32, #tpu.memory_space<hbm>> -> memref<8x1024xf32, #tpu.memory_space<hbm>>
    %dma_wait3A_453 = arith.constant 0 : i32
    %dma_wait3A_454 = tpu.memref_slice %arg2[%min3A_450, %dma_wait3A_453] : memref<32768x1024xf32, #tpu.memory_space<hbm>> -> memref<8x1024xf32, #tpu.memory_space<hbm>>
    tpu.wait_dma2 semaphore(%arg15 : memref<!tpu.dma_semaphore, #tpu.memory_space<semaphore_mem>>) src(%dma_wait3A_454 : memref<8x1024xf32, #tpu.memory_space<hbm>>) dst(%arg5 : memref<8x1024xf32, #tpu.memory_space<vmem>>)
    %sub3A_455 = arith.constant 1 : i32
    %sub3A_456 = arith.subi %select_n3A_6, %sub3A_455 : i32
    %add3A_457 = arith.constant 8192 : i32
    %add3A_458 = arith.addi %add3A_457, %select_n3A : i32
    %mul3A_459 = arith.constant 8 : i32
    %mul3A_460 = arith.muli %sub3A_456, %mul3A_459 : i32
    %add3A_461 = arith.addi %add3A_458, %mul3A_460 : i32
    %min3A_462 = arith.constant 32760 : i32
    %min3A_463 = arith.minsi %add3A_461, %min3A_462 : i32
    %dma_wait3A_464 = arith.constant 0 : i32
    %dma_wait3A_465 = tpu.memref_slice %arg4[%min3A_463, %dma_wait3A_464] : memref<32768x1024xf32, #tpu.memory_space<hbm>> -> memref<8x1024xf32, #tpu.memory_space<hbm>>
    %dma_wait3A_466 = arith.constant 0 : i32
    %dma_wait3A_467 = tpu.memref_slice %arg4[%min3A_463, %dma_wait3A_466] : memref<32768x1024xf32, #tpu.memory_space<hbm>> -> memref<8x1024xf32, #tpu.memory_space<hbm>>
    tpu.wait_dma2 semaphore(%arg20 : memref<!tpu.dma_semaphore, #tpu.memory_space<semaphore_mem>>) src(%arg10 : memref<8x1024xf32, #tpu.memory_space<vmem>>) dst(%dma_wait3A_467 : memref<8x1024xf32, #tpu.memory_space<hbm>>)
    %add3A_468 = arith.constant 8192 : i32
    %add3A_469 = arith.addi %add3A_468, %select_n3A : i32
    %mul3A_470 = arith.constant 8 : i32
    %mul3A_471 = arith.muli %select_n3A_6, %mul3A_470 : i32
    %add3A_472 = arith.addi %add3A_469, %mul3A_471 : i32
    %min3A_473 = arith.constant 32760 : i32
    %min3A_474 = arith.minsi %add3A_472, %min3A_473 : i32
    %dma_wait3A_475 = arith.constant 0 : i32
    %dma_wait3A_476 = tpu.memref_slice %arg2[%min3A_474, %dma_wait3A_475] : memref<32768x1024xf32, #tpu.memory_space<hbm>> -> memref<8x1024xf32, #tpu.memory_space<hbm>>
    %dma_wait3A_477 = arith.constant 0 : i32
    %dma_wait3A_478 = tpu.memref_slice %arg2[%min3A_474, %dma_wait3A_477] : memref<32768x1024xf32, #tpu.memory_space<hbm>> -> memref<8x1024xf32, #tpu.memory_space<hbm>>
    tpu.wait_dma2 semaphore(%arg16 : memref<!tpu.dma_semaphore, #tpu.memory_space<semaphore_mem>>) src(%dma_wait3A_478 : memref<8x1024xf32, #tpu.memory_space<hbm>>) dst(%arg6 : memref<8x1024xf32, #tpu.memory_space<vmem>>)
    %sub3A_479 = arith.constant 1 : i32
    %sub3A_480 = arith.subi %select_n3A_6, %sub3A_479 : i32
    %add3A_481 = arith.constant 16384 : i32
    %add3A_482 = arith.addi %add3A_481, %select_n3A : i32
    %mul3A_483 = arith.constant 8 : i32
    %mul3A_484 = arith.muli %sub3A_480, %mul3A_483 : i32
    %add3A_485 = arith.addi %add3A_482, %mul3A_484 : i32
    %min3A_486 = arith.constant 32760 : i32
    %min3A_487 = arith.minsi %add3A_485, %min3A_486 : i32
    %dma_wait3A_488 = arith.constant 0 : i32
    %dma_wait3A_489 = tpu.memref_slice %arg4[%min3A_487, %dma_wait3A_488] : memref<32768x1024xf32, #tpu.memory_space<hbm>> -> memref<8x1024xf32, #tpu.memory_space<hbm>>
    %dma_wait3A_490 = arith.constant 0 : i32
    %dma_wait3A_491 = tpu.memref_slice %arg4[%min3A_487, %dma_wait3A_490] : memref<32768x1024xf32, #tpu.memory_space<hbm>> -> memref<8x1024xf32, #tpu.memory_space<hbm>>
    tpu.wait_dma2 semaphore(%arg21 : memref<!tpu.dma_semaphore, #tpu.memory_space<semaphore_mem>>) src(%arg11 : memref<8x1024xf32, #tpu.memory_space<vmem>>) dst(%dma_wait3A_491 : memref<8x1024xf32, #tpu.memory_space<hbm>>)
    %add3A_492 = arith.constant 16384 : i32
    %add3A_493 = arith.addi %add3A_492, %select_n3A : i32
    %mul3A_494 = arith.constant 8 : i32
    %mul3A_495 = arith.muli %select_n3A_6, %mul3A_494 : i32
    %add3A_496 = arith.addi %add3A_493, %mul3A_495 : i32
    %min3A_497 = arith.constant 32760 : i32
    %min3A_498 = arith.minsi %add3A_496, %min3A_497 : i32
    %dma_wait3A_499 = arith.constant 0 : i32
    %dma_wait3A_500 = tpu.memref_slice %arg2[%min3A_498, %dma_wait3A_499] : memref<32768x1024xf32, #tpu.memory_space<hbm>> -> memref<8x1024xf32, #tpu.memory_space<hbm>>
    %dma_wait3A_501 = arith.constant 0 : i32
    %dma_wait3A_502 = tpu.memref_slice %arg2[%min3A_498, %dma_wait3A_501] : memref<32768x1024xf32, #tpu.memory_space<hbm>> -> memref<8x1024xf32, #tpu.memory_space<hbm>>
    tpu.wait_dma2 semaphore(%arg17 : memref<!tpu.dma_semaphore, #tpu.memory_space<semaphore_mem>>) src(%dma_wait3A_502 : memref<8x1024xf32, #tpu.memory_space<hbm>>) dst(%arg7 : memref<8x1024xf32, #tpu.memory_space<vmem>>)
    %sub3A_503 = arith.constant 1 : i32
    %sub3A_504 = arith.subi %select_n3A_6, %sub3A_503 : i32
    %add3A_505 = arith.constant 24576 : i32
    %add3A_506 = arith.addi %add3A_505, %select_n3A : i32
    %mul3A_507 = arith.constant 8 : i32
    %mul3A_508 = arith.muli %sub3A_504, %mul3A_507 : i32
    %add3A_509 = arith.addi %add3A_506, %mul3A_508 : i32
    %min3A_510 = arith.constant 32760 : i32
    %min3A_511 = arith.minsi %add3A_509, %min3A_510 : i32
    %dma_wait3A_512 = arith.constant 0 : i32
    %dma_wait3A_513 = tpu.memref_slice %arg4[%min3A_511, %dma_wait3A_512] : memref<32768x1024xf32, #tpu.memory_space<hbm>> -> memref<8x1024xf32, #tpu.memory_space<hbm>>
    %dma_wait3A_514 = arith.constant 0 : i32
    %dma_wait3A_515 = tpu.memref_slice %arg4[%min3A_511, %dma_wait3A_514] : memref<32768x1024xf32, #tpu.memory_space<hbm>> -> memref<8x1024xf32, #tpu.memory_space<hbm>>
    tpu.wait_dma2 semaphore(%arg22 : memref<!tpu.dma_semaphore, #tpu.memory_space<semaphore_mem>>) src(%arg12 : memref<8x1024xf32, #tpu.memory_space<vmem>>) dst(%dma_wait3A_515 : memref<8x1024xf32, #tpu.memory_space<hbm>>)
    %add3A_516 = arith.constant 24576 : i32
    %add3A_517 = arith.addi %add3A_516, %select_n3A : i32
    %mul3A_518 = arith.constant 8 : i32
    %mul3A_519 = arith.muli %select_n3A_6, %mul3A_518 : i32
    %add3A_520 = arith.addi %add3A_517, %mul3A_519 : i32
    %min3A_521 = arith.constant 32760 : i32
    %min3A_522 = arith.minsi %add3A_520, %min3A_521 : i32
    %dma_wait3A_523 = arith.constant 0 : i32
    %dma_wait3A_524 = tpu.memref_slice %arg2[%min3A_522, %dma_wait3A_523] : memref<32768x1024xf32, #tpu.memory_space<hbm>> -> memref<8x1024xf32, #tpu.memory_space<hbm>>
    %dma_wait3A_525 = arith.constant 0 : i32
    %dma_wait3A_526 = tpu.memref_slice %arg2[%min3A_522, %dma_wait3A_525] : memref<32768x1024xf32, #tpu.memory_space<hbm>> -> memref<8x1024xf32, #tpu.memory_space<hbm>>
    tpu.wait_dma2 semaphore(%arg18 : memref<!tpu.dma_semaphore, #tpu.memory_space<semaphore_mem>>) src(%dma_wait3A_526 : memref<8x1024xf32, #tpu.memory_space<hbm>>) dst(%arg8 : memref<8x1024xf32, #tpu.memory_space<vmem>>)
    %mul3A_527 = arith.constant 8 : i32
    %mul3A_528 = arith.muli %select_n3A_6, %mul3A_527 : i32
    %add3A_529 = arith.addi %select_n3A, %mul3A_528 : i32
    %min3A_530 = arith.constant 8184 : i32
    %min3A_531 = arith.minsi %add3A_529, %min3A_530 : i32
    %dma_wait3A_532 = arith.constant 0 : i32
    %dma_wait3A_533 = tpu.memref_slice %arg3[%min3A_531, %dma_wait3A_532] : memref<8192x1024xf32, #tpu.memory_space<hbm>> -> memref<8x1024xf32, #tpu.memory_space<hbm>>
    %dma_wait3A_534 = arith.constant 0 : i32
    %dma_wait3A_535 = tpu.memref_slice %arg3[%min3A_531, %dma_wait3A_534] : memref<8192x1024xf32, #tpu.memory_space<hbm>> -> memref<8x1024xf32, #tpu.memory_space<hbm>>
    tpu.wait_dma2 semaphore(%arg23 : memref<!tpu.dma_semaphore, #tpu.memory_space<semaphore_mem>>) src(%dma_wait3A_535 : memref<8x1024xf32, #tpu.memory_space<hbm>>) dst(%arg13 : memref<8x1024xf32, #tpu.memory_space<vmem>>)
    %add3A_536 = arith.constant 1 : i32
    %add3A_537 = arith.addi %select_n3A_6, %add3A_536 : i32
    %mul3A_538 = arith.constant 8 : i32
    %mul3A_539 = arith.muli %add3A_537, %mul3A_538 : i32
    %add3A_540 = arith.addi %select_n3A, %mul3A_539 : i32
    %min3A_541 = arith.constant 8184 : i32
    %min3A_542 = arith.minsi %add3A_540, %min3A_541 : i32
    %dma_wait3A_543 = arith.constant 0 : i32
    %dma_wait3A_544 = tpu.memref_slice %arg3[%min3A_542, %dma_wait3A_543] : memref<8192x1024xf32, #tpu.memory_space<hbm>> -> memref<8x1024xf32, #tpu.memory_space<hbm>>
    %dma_wait3A_545 = arith.constant 0 : i32
    %dma_wait3A_546 = tpu.memref_slice %arg3[%min3A_542, %dma_wait3A_545] : memref<8192x1024xf32, #tpu.memory_space<hbm>> -> memref<8x1024xf32, #tpu.memory_space<hbm>>
    tpu.wait_dma2 semaphore(%arg24 : memref<!tpu.dma_semaphore, #tpu.memory_space<semaphore_mem>>) src(%dma_wait3A_546 : memref<8x1024xf32, #tpu.memory_space<hbm>>) dst(%arg14 : memref<8x1024xf32, #tpu.memory_space<vmem>>)
    return
  }
}

</mosaic_0001>

<sc_bundles>
// kernel: kernel.3.cloned.1.call-start
scs
__scs_entry_jumppad:
0x0: {  	(pc) =	sbr.rel $0x88, $3  }
0x1: {  	(tag) =	ssettag $0x0;
	lr =	simm.s32 $0x1  }
0x2: {  	[smem:$0x3F9F] =	sst lr;
	_ =	strace $0xD0000000  }
0x3: {  	_ = 	snop  }
0x4: {  	_ = 	snop  }
0x5: {  	_ = 	snop  }
0x6: {  	_ = 	snop  }
0x7: {  	_ = 	snop  }
__scs_overlays_trampoline_lowered:
0x8: {  	[smem:$0x3FAE] =	sst s0  }
0x9: {  	[smem:$0x3FAF] =	sst s1  }
0xa: {  	[smem:$0x3FB0] =	sst s2  }
0xb: {  	[smem:$0x3FB1] =	sst s3  }
0xc: {  	[smem:$0x3FB2] =	sst s4  }
0xd: {  	[smem:$0x3FB3] =	sst s5  }
0xe: {  	[smem:$0x3FB4] =	sst s6  }
0xf: {  	[smem:$0x3FB5] =	sst s7  }
0x10: {  	[smem:$0x3FB6] =	sst s8  }
0x11: {  	[smem:$0x3FB7] =	sst s9;
	s0 =	simm.s32 @!p0 $0x0  }
0x12: {  	s1 =	sld [smem:$0x3F9D];
	s0 =	simm.s32 @p0 $0x1  }
0x13: {  	[smem:$0x3FB8] =	sst s0;
	s0 =	simm.s32 @!p1 $0x0  }
0x14: {  	s2 =	sld [smem:$0x3F9C];
	s0 =	simm.s32 @p1 $0x1  }
0x15: {  	[smem:$0x3FB9] =	sst s0;
	s0 =	simm.s32 @!p2 $0x0  }
0x16: {  	s3 =	sld [smem:$0x3FDB];
	s0 =	simm.s32 @p2 $0x1  }
0x17: {  	s4 =	simm.s32 $0x1BF5;
	[smem:$0x3FBB] =	sst s0  }
0x18: {  	s0 =	sld [smem:$0x3F9E];
	_ =	swait.ge [sflag:s4], $0x0  }
0x19: {  	s7 =	sld [smem:$0x3F9F]  }
0x1a: {  	s8 =	sadd.s32 $0xFFFFE003, lr  }
0x1b: {  	s9 =	sadd.s32 $0xFFFFFEF7, lr;
	s5 =	simm.s32 $0xFFFFFFFF;
	p2 =	slt.u32 s8, $0xFFFFF086  }
0x1c: {  	p1 =	slt.u32 s9, $0xF7A;
	s5 =	simm.s32 @!p2 $0x0  }
0x1d: {  	s5 =	simm.s32 @p1 $0x1;
	p0 =	seq.s32 s7, s2  }
0x1e: {  	s7 =	smul.u32 @!p0 $0xF7A, s2;
	p2 =	seq.s32 @!p0 s5, $0x0  }
0x1f: {  	s9 =	smul.u32 $0xF7A, s1;
	s8 =	simm.s32 @!p0 $0x1BF5;
	p2 =	por !p2, p0  }
0x20: {  	[sflag:s8] =	ssyncset.s32 @!p0 $0xFFFFF086;
	s6 =	sadd.s32 @!p0 s3, s7;
	s7 =	simm.s32 @!p0 $0x108  }
0x21: {  	s3 =	sadd.s32 s3, s9;
	s6 =	sadd.s32 @!p0 $0x88, s6;
	s7 =	simm.s32 @p2 $0x1082  }
0x22: {  	[simem:s7], [sflag:s8] =	dma.local @!p0 [hbm:s6], $0xF7A  }
0x23: {  	s9 =	sor.u32 $0xD0000000, s2;
	s6 =	simm.s32 $0x108;
	_ =	swait.ge @!p0 [sflag:s8], $0x0  }
0x24: {  	s3 =	sadd.s32 $0x88, s3;
	s6 =	simm.s32 @!p1 $0x1082;
	[sflag:s4] =	ssyncset.s32 $0xFFFFF086  }
0x25: {  	[simem:s6], [sflag:s4] =	dma.local [hbm:s3], $0xF7A  }
0x26: {  	[smem:$0x3F9F] =	sst s1;
	(tag) =	ssettag s2;
	_ =	strace s9  }
0x27: {  	s1 =	sld [smem:$0x3FAF]  }
0x28: {  	s2 =	sld [smem:$0x3FB0]  }
0x29: {  	s4 =	sld [smem:$0x3FB2]  }
0x2a: {  	p0 =	seq.s32 s5, $0x0;
	s5 =	sld [smem:$0x3FB3]  }
0x2b: {  	s6 =	sld [smem:$0x3FB4]  }
0x2c: {  	s7 =	sld [smem:$0x3FB5]  }
0x2d: {  	s3 =	simm.s32 $0x108;
	s8 =	sld [smem:$0x3FB6]  }
0x2e: {  	s3 =	simm.s32 @!p0 $0x1082;
	s9 =	sld [smem:$0x3FB7]  }
0x2f: {  	lr =	sadd.s32 s0, s3;
	s0 =	sld [smem:$0x3FAE]  }
0x30: {  	s3 =	sld [smem:$0x3FB1]  }
0x31: {  	[smem:$0x3FBA] =	sst s10  }
0x32: {  	s10 =	sld [smem:$0x3FB8];
	_ =	sdelay $0x3  }
0x33: {  	p0 =	seq.s32 s10, $0x1;
	s10 =	sld [smem:$0x3FBA];
	_ =	sdelay $0x3  }
0x34: {  	[smem:$0x3FBA] =	sst s10  }
0x35: {  	s10 =	sld [smem:$0x3FB9];
	_ =	sdelay $0x3  }
0x36: {  	p1 =	seq.s32 s10, $0x1;
	s10 =	sld [smem:$0x3FBA];
	_ =	sdelay $0x3  }
0x37: {  	[smem:$0x3FBA] =	sst s10  }
0x38: {  	s10 =	sld [smem:$0x3FBB]  }
0x39: {  	_ = 	snop;
	(pc) =	sbr.ind lr, $3  }
0x3a: {  	_ = 	snop  }
0x3b: {  	_ = 	snop  }
0x3c: {  	p2 =	seq.s32 s10, $0x1;
	s10 =	sld [smem:$0x3FBA]  }
0x3d: {  	_ =	shalt  }
0x3e: {  	_ =	shalt  }
0x3f: {  	_ =	shalt  }
0x40: {  	_ =	shalt  }
0x41: {  	_ =	shalt  }
0x42: {  	_ =	shalt  }
0x43: {  	_ =	shalt  }
0x44: {  	_ =	shalt  }
0x45: {  	_ =	shalt  }
0x46: {  	_ =	shalt  }
0x47: {  	_ =	shalt  }
0x48: {  	_ =	shalt  }
0x49: {  	_ =	shalt  }
0x4a: {  	_ =	shalt  }
0x4b: {  	_ =	shalt  }
0x4c: {  	_ =	shalt  }
0x4d: {  	_ =	shalt  }
0x4e: {  	_ =	shalt  }
0x4f: {  	_ =	shalt  }
0x50: {  	_ =	shalt  }
0x51: {  	_ =	shalt  }
0x52: {  	_ =	shalt  }
0x53: {  	_ =	shalt  }
0x54: {  	_ =	shalt  }
0x55: {  	_ =	shalt  }
0x56: {  	_ =	shalt  }
0x57: {  	_ =	shalt  }
0x58: {  	_ =	shalt  }
0x59: {  	_ =	shalt  }
0x5a: {  	_ =	shalt  }
0x5b: {  	_ =	shalt  }
0x5c: {  	_ =	shalt  }
0x5d: {  	_ =	shalt  }
0x5e: {  	_ =	shalt  }
0x5f: {  	_ =	shalt  }
0x60: {  	_ =	shalt  }
0x61: {  	_ =	shalt  }
0x62: {  	_ =	shalt  }
0x63: {  	_ =	shalt  }
0x64: {  	_ =	shalt  }
0x65: {  	_ =	shalt  }
0x66: {  	_ =	shalt  }
0x67: {  	_ =	shalt  }
0x68: {  	_ =	shalt  }
0x69: {  	_ =	shalt  }
0x6a: {  	_ =	shalt  }
0x6b: {  	_ =	shalt  }
0x6c: {  	_ =	shalt  }
0x6d: {  	_ =	shalt  }
0x6e: {  	_ =	shalt  }
0x6f: {  	_ =	shalt  }
0x70: {  	_ =	shalt  }
0x71: {  	_ =	shalt  }
0x72: {  	_ =	shalt  }
0x73: {  	_ =	shalt  }
0x74: {  	_ =	shalt  }
0x75: {  	_ =	shalt  }
0x76: {  	_ =	shalt  }
0x77: {  	_ =	shalt  }
0x78: {  	_ =	shalt  }
0x79: {  	_ =	shalt  }
0x7a: {  	_ =	shalt  }
0x7b: {  	_ =	shalt  }
0x7c: {  	_ =	shalt  }
0x7d: {  	_ =	shalt  }
0x7e: {  	_ =	shalt  }
0x7f: {  	_ =	shalt  }
0x80: {  	_ =	shalt  }
0x81: {  	_ =	shalt  }
0x82: {  	_ =	shalt  }
0x83: {  	_ =	shalt  }
0x84: {  	_ =	shalt  }
0x85: {  	_ =	shalt  }
0x86: {  	_ =	shalt  }
0x87: {  	_ =	shalt  }
.Lfunc_end0:
.L_simem_size_0:
called_computation_lowered:
.L_overlay_start_0:
0x88: {  	s2 =	sld [smem:$0x3FD9]  }
0x89: {  	s3 =	sld [smem:$0x3FFE];
	_ =	sdelay $0x1  }
0x8a: {  	s1 =	srdreg.scid  }
0x8b: {  	s0 =	sand.u32 $0x1, s1  }
0x8c: {  	s18 =	sshll.u32 s0, $0xA;
	s2 =	sadd.s32 s3, s2  }
0x8d: {  	s2 =	sadd.s32 s2, s18  }
0x8e: {  	[smem:$0x3FC6] =	sst s2  }
0x8f: {  	_ = 	snop  }
0x90: {  	s2 =	sld [smem:$0x3FC9]  }
0x91: {  	s19 =	sld [smem:$0x3FC8]  }
0x92: {  	s4 =	sld [smem:$0x3FD0];
	(tm) =	ssettm $0x1  }
0x93: {  	s5 =	sld [smem:$0x3FFB];
	_ =	sdelay $0x3  }
0x94: {  	_ =	strace s5  }
0x95: {  	s5 =	sld [smem:$0x3FFC];
	_ =	sdelay $0x3  }
0x96: {  	_ =	strace s5  }
0x97: {  	s5 =	sld [smem:$0x3FFD];
	_ =	sdelay $0x3  }
0x98: {  	_ =	strace s5  }
0x99: {  	_ =	strace $0x8FFFFFFF  }
0x9a: {  	s20 =	sld [smem:$0x3FDB];
	_ =	sdelay $0x1  }
0x9b: {  	s6 =	simm.s32 $_scs_section_size  }
0x9c: {  	s7 =	simm.s32 $_size__tile_overlayer_lowered;
	s8 =	simm.s32 $_tile_overlayer_lowered  }
0x9d: {  	s23 =	simm.s32 $0x1BFF;
	s22 =	sshll.u32 s8, $0x1;
	s5 =	sadd.s32 s6, s20  }
0x9e: {  	s9 =	simm.s32 $0x0;
	s21 =	sshll.u32 s7, $0x1;
	s7 =	sadd.s32 s22, s5  }
0x9f: {  	[timem:s9], [sflag:s23] =	dma.local [hbm:s7], s21  }
0xa0: {  	_ =	swait.ge [sflag:s23], s21  }
0xa1: {  	s6 =	ssub.s32 $0x0, s21;
	[sflag:s23] =	ssyncset.done $0x0  }
0xa2: {  	[sflag:s23] =	ssyncadd.s32 s6;
	_ =	sdelay $0x1  }
0xa3: {  	s24 =	simm.s32 $0x1B8B  }
0xa4: {  	_ =	swait.ge [sflag:s24], $0x1  }
0xa5: {  	[sflag:s24] =	ssyncset.done $0x0  }
0xa6: {  	s25 =	simm.s32 $0x1B8E;
	[sflag:s24] =	ssyncadd.s32 $0xFFFFFFFF  }
0xa7: {  	s26 =	simm.s32 $execute0_lowered;
	[smem:$0x3FD2] =	sst s25  }
0xa8: {  	s6 =	sshll.u32 s26, $0x1;
	_ =	strace $0x80000046;
	[dreg:$0x1] =	wrdreg $0xFFFFFFFF  }
0xa9: {  	s28 =	simm.s32 $_size_execute0_lowered;
	s5 =	sadd.s32 s5, s6;
	[dreg:$0x0] =	wrdreg $0x0  }
0xaa: {  	s6 =	sshll.u32 s28, $0x1;
	[dreg:$0x2] =	wrdreg s5  }
0xab: {  	[dreg:$0x3] =	wrdreg s6  }
0xac: {  	[dreg:$0x4] =	wrdreg $0xC0  }
0xad: {  	_ =	task [dreg:s9], $0x5FFFF  }
0xae: {  	[dreg:$0x1] =	wrdreg $0xFFFFFFFF  }
0xaf: {  	[dreg:$0x0] =	wrdreg $0x60  }
0xb0: {  	[dreg:$0x2] =	wrdreg s2  }
0xb1: {  	[dreg:$0x3] =	wrdreg s19  }
0xb2: {  	[dreg:$0x4] =	wrdreg s4  }
0xb3: {  	[dreg:$0x5] =	wrdreg $0x9  }
0xb4: {  	_ =	task.clear_ibuf [dreg:s9], $0x6FFFF;
	_ =	strace $0x90000046  }
0xb5: {  	s29 =	simm.s32 $0x9;
	_ =	strace $0x80000048  }
0xb6: {  	_ =	swait.ge [sflag:s29], $0x1  }
0xb7: {  	[sflag:s29] =	ssyncadd.s32 $0xFFFFFFFF  }
0xb8: {  	_ =	strace $0x90000048  }
0xb9: {  	_ =	sfence  }
0xba: {  	s30 =	sld [smem:$0x0];
	_ =	sdelay $0x2  }
0xbb: {  	s31 =	sshll.u32 s1, $0xD;
	s1 =	sshrl.u32 s1, $0x2  }
0xbc: {  	s3 =	sand.u32 $0x4000, s31;
	s1 =	sadd.s32 s1, s30  }
0xbd: {  	s0 =	sor.u32 s3, s0;
	s1 =	sshll.u32 s1, $0x11  }
0xbe: {  	s0 =	sor.u32 s1, s0  }
0xbf: {  	s0 =	sadd.s32 $0x8F2B, s0  }
0xc0: {  	[sflag:s0] =	ssyncadd.remote.s32 $0x1  }
0xc1: {  	_ =	sfence.sel $0xFFFF  }
0xc2: {  	[dreg:$0x0] =	wrdreg $0xFFFFFFFF;
	(pc) =	sbr.abs _section_cstart, $3  }
0xc3: {  	[dreg:$0x1] =	wrdreg $0xFFFFFFFF  }
0xc4: {  	_ =	task.clear_ibuf [dreg:s9], $0x2FFFF;
	_ =	strace $0x9FFFFFFF  }
0xc5: {  	(tm) =	ssettm $0x7FFFFFFF  }
tec
execute0_lowered:
.L_overlay_start_1:
0x0: {  	(tag) =	ssettag $0x1  }
0x1: {  	s2 =	rddreg [dreg:$0x0]  }
0x2: {  	s5 =	rddreg [dreg:$0x1]  }
0x3: {  	s4 =	rddreg [dreg:$0x2]  }
0x4: {  	s3 =	stileid.u32;
	s0 =	srdreg.scid  }
0x5: {  	s7 =	simm.s32 $0x0;
	s1 =	smul.u32 $0xD0, s3;
	s0 =	sand.u32 $0x1, s0  }
0x6: {  	s3 =	smul.u32 $0x130, s3;
	p0 =	seq.s32 s0, $0x0;
	s0 =	ssub.s32 $0x2, s0  }
0x7: {  	[smem:$0x7FF] =	sst s7;
	s6 =	sadd.s32 $0x1300, s1;
	s18 =	sshrl.u32 s0, $0x1  }
0x8: {  	_ =	strace $0x80000047;
	s6 =	smov.u32 @p0 s3;
	s0 =	ssub.s32 s0, s18  }
0x9: {  	s3 =	sshll.u32 s6, $0x7;
	s10 =	sadd.s32 $0x2000, s6;
	s0 =	smax.u32 s0, $0x1  }
0xa: {  	s11 =	sor.u32 $0x4000, s6;
	s24 =	sadd.s32 s4, s3;
	[dreg:$0x1b] =	wrdreg s0  }
0xb: {  	s12 =	sadd.s32 $0x6000, s6;
	s14 =	sadd.s32 s2, s3;
	[dreg:$0xa] =	wrdreg s24  }
0xc: {  	s13 =	sadd.s32 s5, s3;
	s19 =	sor.u32 $0x400, s3;
	[dreg:$0x6] =	wrdreg s14  }
0xd: {  	s21 =	sshll.u32 s10, $0x7;
	s20 =	sadd.s32 s5, s19;
	[dreg:$0x4] =	wrdreg s13  }
0xe: {  	s22 =	sshll.u32 s11, $0x7;
	s8 =	sadd.s32 s2, s21;
	[dreg:$0x5] =	wrdreg s20  }
0xf: {  	s9 =	sshll.u32 s12, $0x7;
	s15 =	sadd.s32 s2, s22;
	[dreg:$0x7] =	wrdreg s8  }
0x10: {  	s23 =	sadd.s32 s2, s9;
	[dreg:$0x8] =	wrdreg s15  }
0x11: {  	s25 =	sadd.s32 $0x100400, s3;
	s7 =	sadd.s32 s4, s21;
	[dreg:$0x9] =	wrdreg s23  }
0x12: {  	s26 =	sor.u32 $0x200400, s3;
	s9 =	sadd.s32 s4, s9;
	[dreg:$0xb] =	wrdreg s7  }
0x13: {  	s30 =	sor.u32 $0x300400, s3;
	s31 =	sadd.s32 s2, s19;
	[dreg:$0xd] =	wrdreg s9  }
0x14: {  	s3 =	sadd.s32 $0x800, s3;
	s1 =	sadd.s32 s4, s19;
	[dreg:$0xe] =	wrdreg s31  }
0x15: {  	s16 =	sadd.s32 s5, s3;
	[dreg:$0xf] =	wrdreg s1  }
0x16: {  	s17 =	sadd.s32 s2, s3;
	[dreg:$0x10] =	wrdreg s16  }
0x17: {  	s18 =	sadd.s32 s2, s25;
	[dreg:$0x11] =	wrdreg s17  }
0x18: {  	s19 =	sadd.s32 s4, s25;
	[dreg:$0x12] =	wrdreg s18  }
0x19: {  	s28 =	simm.s32 $0x8000;
	s21 =	sadd.s32 s4, s26;
	[dreg:$0x13] =	wrdreg s19  }
0x1a: {  	s29 =	simm.s32 $0x4;
	s24 =	sadd.s32 $0x100800, s14;
	[dreg:$0x15] =	wrdreg s21  }
0x1b: {  	s0 =	simm.s32 $0x5;
	s25 =	sadd.s32 $0x200800, s14;
	[dreg:$0x19] =	wrdreg s24  }
0x1c: {  	s8 =	sadd.s32 s4, s22;
	s20 =	sadd.s32 s2, s26;
	[dreg:$0x1a] =	wrdreg s25  }
0x1d: {  	s22 =	sadd.s32 s2, s30;
	s23 =	sadd.s32 s4, s30;
	[dreg:$0xc] =	wrdreg s8  }
0x1e: {  	s1 =	simm.s32 $0x12;
	s26 =	sadd.s32 $0x300800, s14;
	[dreg:$0x14] =	wrdreg s20  }
0x1f: {  	s30 =	sadd.s32 $0xC00, s13;
	s31 =	sadd.s32 $0x18, s6;
	[dreg:$0x16] =	wrdreg s22  }
0x20: {  	s21 =	simm.s32 $0x1;
	s19 =	simm.s32 $0x9;
	[dreg:$0x17] =	wrdreg s23  }
0x21: {  	s24 =	simm.s32 $0x2;
	s13 =	simm.s32 $0x7;
	[dreg:$0x1c] =	wrdreg s26  }
0x22: {  	s14 =	simm.s32 $0x8;
	s7 =	simm.s32 $0x0;
	[dreg:$0x1d] =	wrdreg s30  }
0x23: {  	s1 =	simm.s32 @!p0 $0xC;
	[dreg:$0x1e] =	wrdreg s31;
	s22 =	simm.s32 $0x6000  }
0x24: {  	s26 =	simm.s32 $0x3;
	s8 =	simm.s32 $0x6;
	[dreg:$0x18] =	wrdreg s1  }
.LBB2_1:
0x25: {  	[dreg:$0x1f] =	wrdreg s7  }
0x26: {  	s1 =	simm.s32 $0x0;
	s3 =	rddreg [dreg:$0x4];
	s31 =	simm.s32 $0x10000  }
0x27: {  	[tilespmem:s31], [sflag:$0x9] =	stream.linear.gather [hbm4b:s3+s1], $0x2000, $0x38;
	[tilespmem:$0x14000] =	vst v63  }
0x28: {  	s9 =	rddreg [dreg:$0x5];
	s15 =	simm.s32 $0x12000  }
0x29: {  	[tilespmem:s15], [sflag:$0xA] =	stream.linear.gather [hbm4b:s9+s1], $0x2000, $0x38;
	[tilespmem:$0x14000] =	vst v63  }
0x2a: {  	s16 =	rddreg [dreg:$0x6]  }
0x2b: {  	[tilespmem:s1], [sflag:$0x1] =	stream.linear.gather [hbm4b:s16+s1], $0x2000, $0x38;
	[tilespmem:$0x14000] =	vst v63  }
0x2c: {  	s17 =	rddreg [dreg:$0x7];
	s18 =	simm.s32 $0x2000  }
0x2d: {  	[tilespmem:s18], [sflag:$0x2] =	stream.linear.gather [hbm4b:s17+s1], $0x2000, $0x38;
	[tilespmem:$0x14000] =	vst v63  }
0x2e: {  	s20 =	rddreg [dreg:$0x8];
	s23 =	simm.s32 $0x4000  }
0x2f: {  	[tilespmem:s23], [sflag:$0x3] =	stream.linear.gather [hbm4b:s20+s1], $0x2000, $0x38;
	[tilespmem:$0x14000] =	vst v63  }
0x30: {  	s25 =	rddreg [dreg:$0x9]  }
0x31: {  	[tilespmem:s22], [sflag:$0x4] =	stream.linear.gather [hbm4b:s25+s1], $0x2000, $0x38;
	[tilespmem:$0x14000] =	vst v63  }
0x32: {  	_ =	swait.ge [sflag:s21], $0x2000  }
0x33: {  	[sflag:s21] =	ssyncset.done $0x0  }
0x34: {  	[sflag:s21] =	ssyncadd.s32 $0xFFFFE000  }
0x35: {  	s30 =	sand.u32 $0x1C00, s1;
	_ =	swait.ge [sflag:s19], $0x2000  }
0x36: {  	s31 =	sor.u32 s30, s1;
	[sflag:s19] =	ssyncset.done $0x0  }
0x37: {  	s7 =	sor.u32 $0x70, s31;
	[sflag:s19] =	ssyncadd.s32 $0xFFFFE000  }
0x38: {  	s9 =	sand.u32 $0x380, s1;
	v0 =	vld [tilespmem:s7+$0x0]  }
0x39: {  	s3 =	sor.u32 s9, s30;
	v1 =	vld [tilespmem:s7+$0x10000]  }
0x3a: {  	v2 =	vld [tilespmem:s3+$0x0]  }
0x3b: {  	v3 =	vld [tilespmem:s3+$0x10000]  }
0x3c: {  	v5 =	vld [tilespmem:s3+$0x10]  }
0x3d: {  	v6 =	vld [tilespmem:s3+$0x10010]  }
0x3e: {  	v7 =	vld [tilespmem:s3+$0x20]  }
0x3f: {  	v8 =	vld [tilespmem:s3+$0x10020]  }
0x40: {  	v4 =	vld [tilespmem:s3+$0x10030];
	v1 =	vadd.f32 v1, v0  }
0x41: {  	v0 =	vld [tilespmem:s3+$0x30];
	v2 =	vadd.f32 v3, v2  }
0x42: {  	v3 =	vadd.f32 v6, v5;
	[tilespmem:s7+$0x8000] =	vst v1;
	v1 =	vld [tilespmem:s3+$0x40]  }
0x43: {  	[tilespmem:s3+$0x8000] =	vst v2;
	v2 =	vld [tilespmem:s3+$0x10040]  }
0x44: {  	s15 =	simm.s32 $0x0;
	s9 =	simm.s32 $0x400;
	v5 =	vadd.f32 v8, v7;
	s7 =	simm.s32 $0x0;
	[tilespmem:s3+$0x8010] =	vst v3;
	v3 =	vld [tilespmem:s3+$0x50]  }
.LBB2_2:
0x45: {  	s16 =	sand.u32 $0x1C00, s9;
	v6 =	vld [tilespmem:s3+$0x10050];
	s15 =	sadd.s32 $0x10, s15  }
0x46: {  	s7 =	sadd.s32 $0x8, s7;
	s17 =	sand.u32 $0x380, s15;
	s18 =	sor.u32 s16, s15;
	[tilespmem:s3+$0x8020] =	vst v5;
	v0 =	vadd.f32 v4, v0;
	v4 =	vld [tilespmem:s3+$0x60]  }
0x47: {  	p0 =	slt.u32 s7, $0x1F8;
	s16 =	sor.u32 s17, s16;
	s17 =	sor.u32 $0x70, s18;
	v5 =	vld [tilespmem:s3+$0x10060]  }
0x48: {  	v7 =	vld [tilespmem:s17+$0x0];
	[tilespmem:s3+$0x8030] =	vst v0;
	v0 =	vadd.f32 v2, v1  }
0x49: {  	v1 =	vld [tilespmem:s17+$0x10000]  }
0x4a: {  	v2 =	vld [tilespmem:s16+$0x0];
	[tilespmem:s3+$0x8040] =	vst v0;
	v0 =	vadd.f32 v6, v3  }
0x4b: {  	v3 =	vld [tilespmem:s16+$0x10000]  }
0x4c: {  	v6 =	vld [tilespmem:s16+$0x10];
	[tilespmem:s3+$0x8050] =	vst v0;
	v0 =	vadd.f32 v5, v4  }
0x4d: {  	v5 =	vld [tilespmem:s16+$0x10010]  }
0x4e: {  	v8 =	vld [tilespmem:s16+$0x20];
	v1 =	vadd.f32 v1, v7;
	[tilespmem:s3+$0x8060] =	vst v0;
	s3 =	smov.u32 s16  }
0x4f: {  	v7 =	vld [tilespmem:s3+$0x10020]  }
.Ltmp0:
0x50: {  	v2 =	vadd.f32 v3, v2;
	v0 =	vld [tilespmem:s3+$0x30];
	[tilespmem:s17+$0x8000] =	vst v1;
	(pc) =	sbr.rel @p0 .LBB2_2-.Ltmp0, $4  }
0x51: {  	v4 =	vld [tilespmem:s3+$0x10030]  }
0x52: {  	[tilespmem:s3+$0x8000] =	vst v2;
	v3 =	vadd.f32 v5, v6;
	v1 =	vld [tilespmem:s3+$0x40]  }
0x53: {  	v2 =	vld [tilespmem:s3+$0x10040]  }
0x54: {  	s9 =	sadd.s32 $0x400, s9;
	[tilespmem:s3+$0x8010] =	vst v3;
	v5 =	vadd.f32 v7, v8;
	v3 =	vld [tilespmem:s3+$0x50]  }
0x55: {  	v6 =	vld [tilespmem:s3+$0x10050]  }
0x56: {  	v7 =	vld [tilespmem:s3+$0x60]  }
0x57: {  	v8 =	vld [tilespmem:s3+$0x10060];
	_ =	sdelay $0x1  }
0x58: {  	v0 =	vadd.f32 v4, v0  }
0x59: {  	[tilespmem:s3+$0x8020] =	vst v5;
	v1 =	vadd.f32 v2, v1  }
0x5a: {  	[tilespmem:s3+$0x8030] =	vst v0;
	v0 =	vadd.f32 v6, v3  }
0x5b: {  	[tilespmem:s3+$0x8040] =	vst v1;
	v1 =	vadd.f32 v8, v7  }
0x5c: {  	[tilespmem:s3+$0x8050] =	vst v0  }
0x5d: {  	[tilespmem:s3+$0x8060] =	vst v1  }
0x5e: {  	s7 =	simm.s32 $0x0;
	s1 =	rddreg [dreg:$0xa]  }
0x5f: {  	[hbm4b:s1+s7] =	stream.linear.scatter [tilespmem:s28], [sflag:$0x5], $0x2000, $0x38;
	[tilespmem:$0x14000] =	vst v63  }
0x60: {  	s30 =	rddreg [dreg:$0xe]  }
0x61: {  	[tilespmem:s7], [sflag:$0x1] =	stream.linear.gather [hbm4b:s30+s7], $0x2000, $0x38;
	[tilespmem:$0x14000] =	vst v63  }
0x62: {  	s31 =	sand.u32 $0x1C00, s7;
	_ =	swait.ge [sflag:s24], $0x2000  }
0x63: {  	s9 =	sor.u32 s31, s7;
	[sflag:s24] =	ssyncset.done $0x0  }
0x64: {  	s9 =	sor.u32 $0x70, s9;
	[sflag:s24] =	ssyncadd.s32 $0xFFFFE000  }
0x65: {  	s15 =	sand.u32 $0x380, s7;
	v0 =	vld [tilespmem:s9+$0x2000]  }
0x66: {  	s3 =	sor.u32 s15, s31;
	v1 =	vld [tilespmem:s9+$0x10000]  }
0x67: {  	v2 =	vld [tilespmem:s3+$0x2000]  }
0x68: {  	v3 =	vld [tilespmem:s3+$0x10000]  }
0x69: {  	v5 =	vld [tilespmem:s3+$0x2010]  }
0x6a: {  	v6 =	vld [tilespmem:s3+$0x10010]  }
0x6b: {  	v7 =	vld [tilespmem:s3+$0x2020]  }
0x6c: {  	v63 =	vld [tilespmem:s3+$0x10020]  }
0x6d: {  	v4 =	vld [tilespmem:s3+$0x10030];
	v1 =	vadd.f32 v1, v0  }
0x6e: {  	v0 =	vld [tilespmem:s3+$0x2030];
	v2 =	vadd.f32 v3, v2  }
0x6f: {  	v3 =	vadd.f32 v6, v5;
	[tilespmem:s9+$0xA000] =	vst v1;
	v1 =	vld [tilespmem:s3+$0x2040]  }
0x70: {  	[tilespmem:s3+$0xA000] =	vst v2;
	v2 =	vld [tilespmem:s3+$0x10040]  }
0x71: {  	s15 =	simm.s32 $0x400;
	v5 =	vadd.f32 v63, v7;
	s9 =	simm.s32 $0x0;
	[tilespmem:s3+$0xA010] =	vst v3;
	v3 =	vld [tilespmem:s3+$0x2050]  }
.LBB2_4:
0x72: {  	s16 =	sand.u32 $0x1C00, s15;
	v6 =	vld [tilespmem:s3+$0x10050];
	s7 =	sadd.s32 $0x10, s7  }
0x73: {  	s9 =	sadd.s32 $0x8, s9;
	s17 =	sand.u32 $0x380, s7;
	s18 =	sor.u32 s16, s7;
	[tilespmem:s3+$0xA020] =	vst v5;
	v0 =	vadd.f32 v4, v0;
	v4 =	vld [tilespmem:s3+$0x2060]  }
0x74: {  	p0 =	slt.u32 s9, $0x1F8;
	s16 =	sor.u32 s17, s16;
	s17 =	sor.u32 $0x70, s18;
	v5 =	vld [tilespmem:s3+$0x10060]  }
0x75: {  	v7 =	vld [tilespmem:s17+$0x2000];
	[tilespmem:s3+$0xA030] =	vst v0;
	v0 =	vadd.f32 v2, v1  }
0x76: {  	v1 =	vld [tilespmem:s17+$0x10000]  }
0x77: {  	v2 =	vld [tilespmem:s16+$0x2000];
	[tilespmem:s3+$0xA040] =	vst v0;
	v0 =	vadd.f32 v6, v3  }
0x78: {  	v3 =	vld [tilespmem:s16+$0x10000]  }
0x79: {  	v6 =	vld [tilespmem:s16+$0x2010];
	[tilespmem:s3+$0xA050] =	vst v0;
	v0 =	vadd.f32 v5, v4  }
0x7a: {  	v5 =	vld [tilespmem:s16+$0x10010]  }
0x7b: {  	v8 =	vld [tilespmem:s16+$0x2020];
	v1 =	vadd.f32 v1, v7;
	[tilespmem:s3+$0xA060] =	vst v0;
	s3 =	smov.u32 s16  }
0x7c: {  	v7 =	vld [tilespmem:s3+$0x10020]  }
.Ltmp1:
0x7d: {  	v2 =	vadd.f32 v3, v2;
	v0 =	vld [tilespmem:s3+$0x2030];
	[tilespmem:s17+$0xA000] =	vst v1;
	(pc) =	sbr.rel @p0 .LBB2_4-.Ltmp1, $4  }
0x7e: {  	v4 =	vld [tilespmem:s3+$0x10030]  }
0x7f: {  	[tilespmem:s3+$0xA000] =	vst v2;
	v3 =	vadd.f32 v5, v6;
	v1 =	vld [tilespmem:s3+$0x2040]  }
0x80: {  	v2 =	vld [tilespmem:s3+$0x10040]  }
0x81: {  	s15 =	sadd.s32 $0x400, s15;
	[tilespmem:s3+$0xA010] =	vst v3;
	v5 =	vadd.f32 v7, v8;
	v3 =	vld [tilespmem:s3+$0x2050]  }
0x82: {  	v6 =	vld [tilespmem:s3+$0x10050]  }
0x83: {  	v7 =	vld [tilespmem:s3+$0x2060]  }
0x84: {  	v8 =	vld [tilespmem:s3+$0x10060];
	_ =	sdelay $0x1  }
0x85: {  	v0 =	vadd.f32 v4, v0  }
0x86: {  	[tilespmem:s3+$0xA020] =	vst v5;
	v1 =	vadd.f32 v2, v1  }
0x87: {  	[tilespmem:s3+$0xA030] =	vst v0;
	v0 =	vadd.f32 v6, v3  }
0x88: {  	[tilespmem:s3+$0xA040] =	vst v1;
	v1 =	vadd.f32 v8, v7  }
0x89: {  	[tilespmem:s3+$0xA050] =	vst v0  }
0x8a: {  	[tilespmem:s3+$0xA060] =	vst v1  }
0x8b: {  	s7 =	simm.s32 $0x0;
	s23 =	simm.s32 $0xA000;
	s1 =	rddreg [dreg:$0xb]  }
0x8c: {  	[hbm4b:s1+s7] =	stream.linear.scatter [tilespmem:s23], [sflag:$0x6], $0x2000, $0x38;
	[tilespmem:$0x14000] =	vst v63  }
0x8d: {  	s30 =	simm.s32 $0x2000;
	s25 =	rddreg [dreg:$0x12]  }
0x8e: {  	[tilespmem:s30], [sflag:$0x2] =	stream.linear.gather [hbm4b:s25+s7], $0x2000, $0x38;
	[tilespmem:$0x14000] =	vst v63  }
0x8f: {  	s31 =	sand.u32 $0x1C00, s7;
	_ =	swait.ge [sflag:s26], $0x2000  }
0x90: {  	s9 =	sor.u32 s31, s7;
	[sflag:s26] =	ssyncset.done $0x0  }
0x91: {  	s9 =	sor.u32 $0x70, s9;
	[sflag:s26] =	ssyncadd.s32 $0xFFFFE000  }
0x92: {  	s15 =	sand.u32 $0x380, s7;
	v0 =	vld [tilespmem:s9+$0x4000]  }
0x93: {  	s3 =	sor.u32 s15, s31;
	v1 =	vld [tilespmem:s9+$0x10000]  }
0x94: {  	v2 =	vld [tilespmem:s3+$0x4000]  }
0x95: {  	v3 =	vld [tilespmem:s3+$0x10000]  }
0x96: {  	v5 =	vld [tilespmem:s3+$0x4010]  }
0x97: {  	v6 =	vld [tilespmem:s3+$0x10010]  }
0x98: {  	v7 =	vld [tilespmem:s3+$0x4020]  }
0x99: {  	v63 =	vld [tilespmem:s3+$0x10020]  }
0x9a: {  	v4 =	vld [tilespmem:s3+$0x10030];
	v1 =	vadd.f32 v1, v0  }
0x9b: {  	v0 =	vld [tilespmem:s3+$0x4030];
	v2 =	vadd.f32 v3, v2  }
0x9c: {  	v3 =	vadd.f32 v6, v5;
	[tilespmem:s9+$0xC000] =	vst v1;
	v1 =	vld [tilespmem:s3+$0x4040]  }
0x9d: {  	[tilespmem:s3+$0xC000] =	vst v2;
	v2 =	vld [tilespmem:s3+$0x10040]  }
0x9e: {  	s15 =	simm.s32 $0x400;
	v5 =	vadd.f32 v63, v7;
	s9 =	simm.s32 $0x0;
	[tilespmem:s3+$0xC010] =	vst v3;
	v3 =	vld [tilespmem:s3+$0x4050]  }
.LBB2_6:
0x9f: {  	s16 =	sand.u32 $0x1C00, s15;
	v6 =	vld [tilespmem:s3+$0x10050];
	s7 =	sadd.s32 $0x10, s7  }
0xa0: {  	s9 =	sadd.s32 $0x8, s9;
	s17 =	sand.u32 $0x380, s7;
	s18 =	sor.u32 s16, s7;
	[tilespmem:s3+$0xC020] =	vst v5;
	v0 =	vadd.f32 v4, v0;
	v4 =	vld [tilespmem:s3+$0x4060]  }
0xa1: {  	p0 =	slt.u32 s9, $0x1F8;
	s16 =	sor.u32 s17, s16;
	s17 =	sor.u32 $0x70, s18;
	v5 =	vld [tilespmem:s3+$0x10060]  }
0xa2: {  	v7 =	vld [tilespmem:s17+$0x4000];
	[tilespmem:s3+$0xC030] =	vst v0;
	v0 =	vadd.f32 v2, v1  }
0xa3: {  	v1 =	vld [tilespmem:s17+$0x10000]  }
0xa4: {  	v2 =	vld [tilespmem:s16+$0x4000];
	[tilespmem:s3+$0xC040] =	vst v0;
	v0 =	vadd.f32 v6, v3  }
0xa5: {  	v3 =	vld [tilespmem:s16+$0x10000]  }
0xa6: {  	v6 =	vld [tilespmem:s16+$0x4010];
	[tilespmem:s3+$0xC050] =	vst v0;
	v0 =	vadd.f32 v5, v4  }
0xa7: {  	v5 =	vld [tilespmem:s16+$0x10010]  }
0xa8: {  	v8 =	vld [tilespmem:s16+$0x4020];
	v1 =	vadd.f32 v1, v7;
	[tilespmem:s3+$0xC060] =	vst v0;
	s3 =	smov.u32 s16  }
0xa9: {  	v7 =	vld [tilespmem:s3+$0x10020]  }
.Ltmp2:
0xaa: {  	v2 =	vadd.f32 v3, v2;
	v0 =	vld [tilespmem:s3+$0x4030];
	[tilespmem:s17+$0xC000] =	vst v1;
	(pc) =	sbr.rel @p0 .LBB2_6-.Ltmp2, $4  }
0xab: {  	v4 =	vld [tilespmem:s3+$0x10030]  }
0xac: {  	[tilespmem:s3+$0xC000] =	vst v2;
	v3 =	vadd.f32 v5, v6;
	v1 =	vld [tilespmem:s3+$0x4040]  }
0xad: {  	v2 =	vld [tilespmem:s3+$0x10040]  }
0xae: {  	s15 =	sadd.s32 $0x400, s15;
	[tilespmem:s3+$0xC010] =	vst v3;
	v5 =	vadd.f32 v7, v8;
	v3 =	vld [tilespmem:s3+$0x4050]  }
0xaf: {  	v6 =	vld [tilespmem:s3+$0x10050]  }
0xb0: {  	v7 =	vld [tilespmem:s3+$0x4060]  }
0xb1: {  	v8 =	vld [tilespmem:s3+$0x10060];
	_ =	sdelay $0x1  }
0xb2: {  	v0 =	vadd.f32 v4, v0  }
0xb3: {  	[tilespmem:s3+$0xC020] =	vst v5;
	v1 =	vadd.f32 v2, v1  }
0xb4: {  	[tilespmem:s3+$0xC030] =	vst v0;
	v0 =	vadd.f32 v6, v3  }
0xb5: {  	[tilespmem:s3+$0xC040] =	vst v1;
	v1 =	vadd.f32 v8, v7  }
0xb6: {  	[tilespmem:s3+$0xC050] =	vst v0  }
0xb7: {  	[tilespmem:s3+$0xC060] =	vst v1  }
0xb8: {  	s7 =	simm.s32 $0x0;
	s23 =	simm.s32 $0xC000;
	s1 =	rddreg [dreg:$0xc]  }
0xb9: {  	[hbm4b:s1+s7] =	stream.linear.scatter [tilespmem:s23], [sflag:$0x7], $0x2000, $0x38;
	[tilespmem:$0x14000] =	vst v63  }
0xba: {  	s30 =	simm.s32 $0x4000;
	s25 =	rddreg [dreg:$0x14]  }
0xbb: {  	[tilespmem:s30], [sflag:$0x3] =	stream.linear.gather [hbm4b:s25+s7], $0x2000, $0x38;
	[tilespmem:$0x14000] =	vst v63  }
0xbc: {  	s31 =	sand.u32 $0x1C00, s7;
	_ =	swait.ge [sflag:s29], $0x2000  }
0xbd: {  	s9 =	sor.u32 s31, s7;
	[sflag:s29] =	ssyncset.done $0x0  }
0xbe: {  	s9 =	sor.u32 $0x70, s9;
	[sflag:s29] =	ssyncadd.s32 $0xFFFFE000  }
0xbf: {  	s15 =	sand.u32 $0x380, s7;
	v0 =	vld [tilespmem:s9+$0x6000]  }
0xc0: {  	s3 =	sor.u32 s15, s31;
	v1 =	vld [tilespmem:s9+$0x10000]  }
0xc1: {  	v2 =	vld [tilespmem:s3+$0x6000]  }
0xc2: {  	v3 =	vld [tilespmem:s3+$0x10000]  }
0xc3: {  	v5 =	vld [tilespmem:s3+$0x6010]  }
0xc4: {  	v6 =	vld [tilespmem:s3+$0x10010]  }
0xc5: {  	v7 =	vld [tilespmem:s3+$0x6020]  }
0xc6: {  	v63 =	vld [tilespmem:s3+$0x10020]  }
0xc7: {  	v4 =	vld [tilespmem:s3+$0x10030];
	v1 =	vadd.f32 v1, v0  }
0xc8: {  	v0 =	vld [tilespmem:s3+$0x6030];
	v2 =	vadd.f32 v3, v2  }
0xc9: {  	v3 =	vadd.f32 v6, v5;
	[tilespmem:s9+$0xE000] =	vst v1;
	v1 =	vld [tilespmem:s3+$0x6040]  }
0xca: {  	[tilespmem:s3+$0xE000] =	vst v2;
	v2 =	vld [tilespmem:s3+$0x10040]  }
0xcb: {  	s15 =	simm.s32 $0x400;
	v5 =	vadd.f32 v63, v7;
	s9 =	simm.s32 $0x0;
	[tilespmem:s3+$0xE010] =	vst v3;
	v3 =	vld [tilespmem:s3+$0x6050]  }
.LBB2_8:
0xcc: {  	s16 =	sand.u32 $0x1C00, s15;
	v6 =	vld [tilespmem:s3+$0x10050];
	s7 =	sadd.s32 $0x10, s7  }
0xcd: {  	s9 =	sadd.s32 $0x8, s9;
	s17 =	sand.u32 $0x380, s7;
	s18 =	sor.u32 s16, s7;
	[tilespmem:s3+$0xE020] =	vst v5;
	v0 =	vadd.f32 v4, v0;
	v4 =	vld [tilespmem:s3+$0x6060]  }
0xce: {  	p0 =	slt.u32 s9, $0x1F8;
	s16 =	sor.u32 s17, s16;
	s17 =	sor.u32 $0x70, s18;
	v5 =	vld [tilespmem:s3+$0x10060]  }
0xcf: {  	v7 =	vld [tilespmem:s17+$0x6000];
	[tilespmem:s3+$0xE030] =	vst v0;
	v0 =	vadd.f32 v2, v1  }
0xd0: {  	v1 =	vld [tilespmem:s17+$0x10000]  }
0xd1: {  	v2 =	vld [tilespmem:s16+$0x6000];
	[tilespmem:s3+$0xE040] =	vst v0;
	v0 =	vadd.f32 v6, v3  }
0xd2: {  	v3 =	vld [tilespmem:s16+$0x10000]  }
0xd3: {  	v6 =	vld [tilespmem:s16+$0x6010];
	[tilespmem:s3+$0xE050] =	vst v0;
	v0 =	vadd.f32 v5, v4  }
0xd4: {  	v5 =	vld [tilespmem:s16+$0x10010]  }
0xd5: {  	v8 =	vld [tilespmem:s16+$0x6020];
	v1 =	vadd.f32 v1, v7;
	[tilespmem:s3+$0xE060] =	vst v0;
	s3 =	smov.u32 s16  }
0xd6: {  	v7 =	vld [tilespmem:s3+$0x10020]  }
.Ltmp3:
0xd7: {  	v2 =	vadd.f32 v3, v2;
	v0 =	vld [tilespmem:s3+$0x6030];
	[tilespmem:s17+$0xE000] =	vst v1;
	(pc) =	sbr.rel @p0 .LBB2_8-.Ltmp3, $4  }
0xd8: {  	v4 =	vld [tilespmem:s3+$0x10030]  }
0xd9: {  	[tilespmem:s3+$0xE000] =	vst v2;
	v3 =	vadd.f32 v5, v6;
	v1 =	vld [tilespmem:s3+$0x6040]  }
0xda: {  	v2 =	vld [tilespmem:s3+$0x10040]  }
0xdb: {  	s15 =	sadd.s32 $0x400, s15;
	[tilespmem:s3+$0xE010] =	vst v3;
	v5 =	vadd.f32 v7, v8;
	v3 =	vld [tilespmem:s3+$0x6050]  }
0xdc: {  	v6 =	vld [tilespmem:s3+$0x10050]  }
0xdd: {  	v7 =	vld [tilespmem:s3+$0x6060]  }
0xde: {  	v8 =	vld [tilespmem:s3+$0x10060];
	_ =	sdelay $0x1  }
0xdf: {  	v0 =	vadd.f32 v4, v0  }
0xe0: {  	[tilespmem:s3+$0xE020] =	vst v5;
	v1 =	vadd.f32 v2, v1  }
0xe1: {  	[tilespmem:s3+$0xE030] =	vst v0;
	v0 =	vadd.f32 v6, v3  }
0xe2: {  	[tilespmem:s3+$0xE040] =	vst v1;
	v1 =	vadd.f32 v8, v7  }
0xe3: {  	[tilespmem:s3+$0xE050] =	vst v0  }
0xe4: {  	[tilespmem:s3+$0xE060] =	vst v1  }
0xe5: {  	s7 =	simm.s32 $0xE000;
	s3 =	simm.s32 $0x0;
	s1 =	rddreg [dreg:$0xd]  }
0xe6: {  	[hbm4b:s1+s3] =	stream.linear.scatter [tilespmem:s7], [sflag:$0x8], $0x2000, $0x38;
	[tilespmem:$0x14000] =	vst v63  }
0xe7: {  	s20 =	rddreg [dreg:$0x16]  }
0xe8: {  	[tilespmem:s22], [sflag:$0x4] =	stream.linear.gather [hbm4b:s20+s3], $0x2000, $0x38;
	[tilespmem:$0x14000] =	vst v63  }
0xe9: {  	s25 =	simm.s32 $0x10000;
	s23 =	rddreg [dreg:$0x10]  }
0xea: {  	[tilespmem:s25], [sflag:$0x9] =	stream.linear.gather [hbm4b:s23+s3], $0x2000, $0x38;
	[tilespmem:$0x14000] =	vst v63  }
0xeb: {  	_ =	swait.ge [sflag:s21], $0x2000  }
0xec: {  	[sflag:s21] =	ssyncset.done $0x0  }
0xed: {  	s30 =	simm.s32 $0xA;
	[sflag:s21] =	ssyncadd.s32 $0xFFFFE000  }
0xee: {  	_ =	swait.ge [sflag:s30], $0x2000  }
0xef: {  	[sflag:s30] =	ssyncset.done $0x0  }
0xf0: {  	[sflag:s30] =	ssyncadd.s32 $0xFFFFE000  }
0xf1: {  	s31 =	sand.u32 $0x1C00, s3;
	_ =	swait.ge [sflag:s0], $0x2000  }
0xf2: {  	s9 =	sor.u32 s31, s3;
	[sflag:s0] =	ssyncset.done $0x0  }
0xf3: {  	s9 =	sor.u32 $0x70, s9;
	[sflag:s0] =	ssyncadd.s32 $0xFFFFE000  }
0xf4: {  	s15 =	sand.u32 $0x380, s3;
	v0 =	vld [tilespmem:s9+$0x0]  }
0xf5: {  	s7 =	sor.u32 s15, s31;
	v1 =	vld [tilespmem:s9+$0x12000]  }
0xf6: {  	v2 =	vld [tilespmem:s7+$0x0]  }
0xf7: {  	v3 =	vld [tilespmem:s7+$0x12000]  }
0xf8: {  	v5 =	vld [tilespmem:s7+$0x10]  }
0xf9: {  	v6 =	vld [tilespmem:s7+$0x12010]  }
0xfa: {  	v7 =	vld [tilespmem:s7+$0x20]  }
0xfb: {  	v63 =	vld [tilespmem:s7+$0x12020]  }
0xfc: {  	v4 =	vld [tilespmem:s7+$0x12030];
	v1 =	vadd.f32 v1, v0  }
0xfd: {  	v0 =	vld [tilespmem:s7+$0x30];
	v2 =	vadd.f32 v3, v2  }
0xfe: {  	v3 =	vadd.f32 v6, v5;
	[tilespmem:s9+$0x8000] =	vst v1;
	v1 =	vld [tilespmem:s7+$0x40]  }
0xff: {  	[tilespmem:s7+$0x8000] =	vst v2;
	v2 =	vld [tilespmem:s7+$0x12040]  }
0x100: {  	s15 =	simm.s32 $0x400;
	v5 =	vadd.f32 v63, v7;
	s9 =	simm.s32 $0x0;
	[tilespmem:s7+$0x8010] =	vst v3;
	v3 =	vld [tilespmem:s7+$0x50]  }
.LBB2_10:
0x101: {  	s16 =	sand.u32 $0x1C00, s15;
	v6 =	vld [tilespmem:s7+$0x12050];
	s3 =	sadd.s32 $0x10, s3  }
0x102: {  	s9 =	sadd.s32 $0x8, s9;
	s17 =	sand.u32 $0x380, s3;
	s18 =	sor.u32 s16, s3;
	[tilespmem:s7+$0x8020] =	vst v5;
	v0 =	vadd.f32 v4, v0;
	v4 =	vld [tilespmem:s7+$0x60]  }
0x103: {  	p0 =	slt.u32 s9, $0x1F8;
	s16 =	sor.u32 s17, s16;
	s17 =	sor.u32 $0x70, s18;
	v5 =	vld [tilespmem:s7+$0x12060]  }
0x104: {  	v7 =	vld [tilespmem:s17+$0x0];
	[tilespmem:s7+$0x8030] =	vst v0;
	v0 =	vadd.f32 v2, v1  }
0x105: {  	v1 =	vld [tilespmem:s17+$0x12000]  }
0x106: {  	v2 =	vld [tilespmem:s16+$0x0];
	[tilespmem:s7+$0x8040] =	vst v0;
	v0 =	vadd.f32 v6, v3  }
0x107: {  	v3 =	vld [tilespmem:s16+$0x12000]  }
0x108: {  	v6 =	vld [tilespmem:s16+$0x10];
	[tilespmem:s7+$0x8050] =	vst v0;
	v0 =	vadd.f32 v5, v4  }
0x109: {  	v5 =	vld [tilespmem:s16+$0x12010]  }
0x10a: {  	v8 =	vld [tilespmem:s16+$0x20];
	v1 =	vadd.f32 v1, v7;
	[tilespmem:s7+$0x8060] =	vst v0;
	s7 =	smov.u32 s16  }
0x10b: {  	v7 =	vld [tilespmem:s7+$0x12020]  }
.Ltmp4:
0x10c: {  	v2 =	vadd.f32 v3, v2;
	v0 =	vld [tilespmem:s7+$0x30];
	[tilespmem:s17+$0x8000] =	vst v1;
	(pc) =	sbr.rel @p0 .LBB2_10-.Ltmp4, $4  }
0x10d: {  	v4 =	vld [tilespmem:s7+$0x12030]  }
0x10e: {  	[tilespmem:s7+$0x8000] =	vst v2;
	v3 =	vadd.f32 v5, v6;
	v1 =	vld [tilespmem:s7+$0x40]  }
0x10f: {  	v2 =	vld [tilespmem:s7+$0x12040]  }
0x110: {  	s15 =	sadd.s32 $0x400, s15;
	[tilespmem:s7+$0x8010] =	vst v3;
	v5 =	vadd.f32 v7, v8;
	v3 =	vld [tilespmem:s7+$0x50]  }
0x111: {  	v6 =	vld [tilespmem:s7+$0x12050]  }
0x112: {  	v7 =	vld [tilespmem:s7+$0x60]  }
0x113: {  	v8 =	vld [tilespmem:s7+$0x12060];
	_ =	sdelay $0x1  }
0x114: {  	v0 =	vadd.f32 v4, v0  }
0x115: {  	[tilespmem:s7+$0x8020] =	vst v5;
	v1 =	vadd.f32 v2, v1  }
0x116: {  	[tilespmem:s7+$0x8030] =	vst v0;
	v0 =	vadd.f32 v6, v3  }
0x117: {  	[tilespmem:s7+$0x8040] =	vst v1;
	v1 =	vadd.f32 v8, v7  }
0x118: {  	[tilespmem:s7+$0x8050] =	vst v0  }
0x119: {  	[tilespmem:s7+$0x8060] =	vst v1  }
0x11a: {  	s3 =	simm.s32 $0x0;
	s1 =	rddreg [dreg:$0xf]  }
0x11b: {  	[hbm4b:s1+s3] =	stream.linear.scatter [tilespmem:s28], [sflag:$0x5], $0x2000, $0x38;
	[tilespmem:$0x14000] =	vst v63  }
0x11c: {  	s30 =	rddreg [dreg:$0x11]  }
0x11d: {  	[tilespmem:s3], [sflag:$0x1] =	stream.linear.gather [hbm4b:s30+s3], $0x2000, $0x38;
	[tilespmem:$0x14000] =	vst v63  }
0x11e: {  	_ =	swait.ge [sflag:s24], $0x2000  }
0x11f: {  	[sflag:s24] =	ssyncset.done $0x0  }
0x120: {  	[sflag:s24] =	ssyncadd.s32 $0xFFFFE000  }
0x121: {  	s31 =	sand.u32 $0x1C00, s3;
	_ =	swait.ge [sflag:s8], $0x2000  }
0x122: {  	s9 =	sor.u32 s31, s3;
	[sflag:s8] =	ssyncset.done $0x0  }
0x123: {  	s9 =	sor.u32 $0x70, s9;
	[sflag:s8] =	ssyncadd.s32 $0xFFFFE000  }
0x124: {  	s15 =	sand.u32 $0x380, s3;
	v0 =	vld [tilespmem:s9+$0x2000]  }
0x125: {  	s7 =	sor.u32 s15, s31;
	v1 =	vld [tilespmem:s9+$0x12000]  }
0x126: {  	v2 =	vld [tilespmem:s7+$0x2000]  }
0x127: {  	v3 =	vld [tilespmem:s7+$0x12000]  }
0x128: {  	v5 =	vld [tilespmem:s7+$0x2010]  }
0x129: {  	v6 =	vld [tilespmem:s7+$0x12010]  }
0x12a: {  	v7 =	vld [tilespmem:s7+$0x2020]  }
0x12b: {  	v63 =	vld [tilespmem:s7+$0x12020]  }
0x12c: {  	v4 =	vld [tilespmem:s7+$0x12030];
	v1 =	vadd.f32 v1, v0  }
0x12d: {  	v0 =	vld [tilespmem:s7+$0x2030];
	v2 =	vadd.f32 v3, v2  }
0x12e: {  	v3 =	vadd.f32 v6, v5;
	[tilespmem:s9+$0xA000] =	vst v1;
	v1 =	vld [tilespmem:s7+$0x2040]  }
0x12f: {  	[tilespmem:s7+$0xA000] =	vst v2;
	v2 =	vld [tilespmem:s7+$0x12040]  }
0x130: {  	s15 =	simm.s32 $0x400;
	v5 =	vadd.f32 v63, v7;
	s9 =	simm.s32 $0x0;
	[tilespmem:s7+$0xA010] =	vst v3;
	v3 =	vld [tilespmem:s7+$0x2050]  }
.LBB2_12:
0x131: {  	s16 =	sand.u32 $0x1C00, s15;
	v6 =	vld [tilespmem:s7+$0x12050];
	s3 =	sadd.s32 $0x10, s3  }
0x132: {  	s9 =	sadd.s32 $0x8, s9;
	s17 =	sand.u32 $0x380, s3;
	s18 =	sor.u32 s16, s3;
	[tilespmem:s7+$0xA020] =	vst v5;
	v0 =	vadd.f32 v4, v0;
	v4 =	vld [tilespmem:s7+$0x2060]  }
0x133: {  	p0 =	slt.u32 s9, $0x1F8;
	s16 =	sor.u32 s17, s16;
	s17 =	sor.u32 $0x70, s18;
	v5 =	vld [tilespmem:s7+$0x12060]  }
0x134: {  	v7 =	vld [tilespmem:s17+$0x2000];
	[tilespmem:s7+$0xA030] =	vst v0;
	v0 =	vadd.f32 v2, v1  }
0x135: {  	v1 =	vld [tilespmem:s17+$0x12000]  }
0x136: {  	v2 =	vld [tilespmem:s16+$0x2000];
	[tilespmem:s7+$0xA040] =	vst v0;
	v0 =	vadd.f32 v6, v3  }
0x137: {  	v3 =	vld [tilespmem:s16+$0x12000]  }
0x138: {  	v6 =	vld [tilespmem:s16+$0x2010];
	[tilespmem:s7+$0xA050] =	vst v0;
	v0 =	vadd.f32 v5, v4  }
0x139: {  	v5 =	vld [tilespmem:s16+$0x12010]  }
0x13a: {  	v8 =	vld [tilespmem:s16+$0x2020];
	v1 =	vadd.f32 v1, v7;
	[tilespmem:s7+$0xA060] =	vst v0;
	s7 =	smov.u32 s16  }
0x13b: {  	v7 =	vld [tilespmem:s7+$0x12020]  }
.Ltmp5:
0x13c: {  	v2 =	vadd.f32 v3, v2;
	v0 =	vld [tilespmem:s7+$0x2030];
	[tilespmem:s17+$0xA000] =	vst v1;
	(pc) =	sbr.rel @p0 .LBB2_12-.Ltmp5, $4  }
0x13d: {  	v4 =	vld [tilespmem:s7+$0x12030]  }
0x13e: {  	[tilespmem:s7+$0xA000] =	vst v2;
	v3 =	vadd.f32 v5, v6;
	v1 =	vld [tilespmem:s7+$0x2040]  }
0x13f: {  	v2 =	vld [tilespmem:s7+$0x12040]  }
0x140: {  	s15 =	sadd.s32 $0x400, s15;
	[tilespmem:s7+$0xA010] =	vst v3;
	v5 =	vadd.f32 v7, v8;
	v3 =	vld [tilespmem:s7+$0x2050]  }
0x141: {  	v6 =	vld [tilespmem:s7+$0x12050]  }
0x142: {  	v7 =	vld [tilespmem:s7+$0x2060]  }
0x143: {  	v8 =	vld [tilespmem:s7+$0x12060];
	_ =	sdelay $0x1  }
0x144: {  	v0 =	vadd.f32 v4, v0  }
0x145: {  	[tilespmem:s7+$0xA020] =	vst v5;
	v1 =	vadd.f32 v2, v1  }
0x146: {  	[tilespmem:s7+$0xA030] =	vst v0;
	v0 =	vadd.f32 v6, v3  }
0x147: {  	[tilespmem:s7+$0xA040] =	vst v1;
	v1 =	vadd.f32 v8, v7  }
0x148: {  	[tilespmem:s7+$0xA050] =	vst v0  }
0x149: {  	[tilespmem:s7+$0xA060] =	vst v1  }
0x14a: {  	s3 =	simm.s32 $0x0;
	s23 =	simm.s32 $0xA000;
	s1 =	rddreg [dreg:$0x13]  }
0x14b: {  	[hbm4b:s1+s3] =	stream.linear.scatter [tilespmem:s23], [sflag:$0x6], $0x2000, $0x38;
	[tilespmem:$0x14000] =	vst v63  }
0x14c: {  	s30 =	simm.s32 $0x2000;
	s25 =	rddreg [dreg:$0x19]  }
0x14d: {  	[tilespmem:s30], [sflag:$0x2] =	stream.linear.gather [hbm4b:s25+s3], $0x2000, $0x38;
	[tilespmem:$0x14000] =	vst v63  }
0x14e: {  	_ =	swait.ge [sflag:s26], $0x2000  }
0x14f: {  	[sflag:s26] =	ssyncset.done $0x0  }
0x150: {  	[sflag:s26] =	ssyncadd.s32 $0xFFFFE000  }
0x151: {  	s31 =	sand.u32 $0x1C00, s3;
	_ =	swait.ge [sflag:s13], $0x2000  }
0x152: {  	s9 =	sor.u32 s31, s3;
	[sflag:s13] =	ssyncset.done $0x0  }
0x153: {  	s9 =	sor.u32 $0x70, s9;
	[sflag:s13] =	ssyncadd.s32 $0xFFFFE000  }
0x154: {  	s15 =	sand.u32 $0x380, s3;
	v0 =	vld [tilespmem:s9+$0x4000]  }
0x155: {  	s7 =	sor.u32 s15, s31;
	v1 =	vld [tilespmem:s9+$0x12000]  }
0x156: {  	v2 =	vld [tilespmem:s7+$0x4000]  }
0x157: {  	v3 =	vld [tilespmem:s7+$0x12000]  }
0x158: {  	v5 =	vld [tilespmem:s7+$0x4010]  }
0x159: {  	v6 =	vld [tilespmem:s7+$0x12010]  }
0x15a: {  	v7 =	vld [tilespmem:s7+$0x4020]  }
0x15b: {  	v63 =	vld [tilespmem:s7+$0x12020]  }
0x15c: {  	v4 =	vld [tilespmem:s7+$0x12030];
	v1 =	vadd.f32 v1, v0  }
0x15d: {  	v0 =	vld [tilespmem:s7+$0x4030];
	v2 =	vadd.f32 v3, v2  }
0x15e: {  	v3 =	vadd.f32 v6, v5;
	[tilespmem:s9+$0xC000] =	vst v1;
	v1 =	vld [tilespmem:s7+$0x4040]  }
0x15f: {  	[tilespmem:s7+$0xC000] =	vst v2;
	v2 =	vld [tilespmem:s7+$0x12040]  }
0x160: {  	s15 =	simm.s32 $0x400;
	v5 =	vadd.f32 v63, v7;
	s9 =	simm.s32 $0x0;
	[tilespmem:s7+$0xC010] =	vst v3;
	v3 =	vld [tilespmem:s7+$0x4050]  }
.LBB2_14:
0x161: {  	s16 =	sand.u32 $0x1C00, s15;
	v6 =	vld [tilespmem:s7+$0x12050];
	s3 =	sadd.s32 $0x10, s3  }
0x162: {  	s9 =	sadd.s32 $0x8, s9;
	s17 =	sand.u32 $0x380, s3;
	s18 =	sor.u32 s16, s3;
	[tilespmem:s7+$0xC020] =	vst v5;
	v0 =	vadd.f32 v4, v0;
	v4 =	vld [tilespmem:s7+$0x4060]  }
0x163: {  	p0 =	slt.u32 s9, $0x1F8;
	s16 =	sor.u32 s17, s16;
	s17 =	sor.u32 $0x70, s18;
	v5 =	vld [tilespmem:s7+$0x12060]  }
0x164: {  	v7 =	vld [tilespmem:s17+$0x4000];
	[tilespmem:s7+$0xC030] =	vst v0;
	v0 =	vadd.f32 v2, v1  }
0x165: {  	v1 =	vld [tilespmem:s17+$0x12000]  }
0x166: {  	v2 =	vld [tilespmem:s16+$0x4000];
	[tilespmem:s7+$0xC040] =	vst v0;
	v0 =	vadd.f32 v6, v3  }
0x167: {  	v3 =	vld [tilespmem:s16+$0x12000]  }
0x168: {  	v6 =	vld [tilespmem:s16+$0x4010];
	[tilespmem:s7+$0xC050] =	vst v0;
	v0 =	vadd.f32 v5, v4  }
0x169: {  	v5 =	vld [tilespmem:s16+$0x12010]  }
0x16a: {  	v8 =	vld [tilespmem:s16+$0x4020];
	v1 =	vadd.f32 v1, v7;
	[tilespmem:s7+$0xC060] =	vst v0;
	s7 =	smov.u32 s16  }
0x16b: {  	v7 =	vld [tilespmem:s7+$0x12020]  }
.Ltmp6:
0x16c: {  	v2 =	vadd.f32 v3, v2;
	v0 =	vld [tilespmem:s7+$0x4030];
	[tilespmem:s17+$0xC000] =	vst v1;
	(pc) =	sbr.rel @p0 .LBB2_14-.Ltmp6, $4  }
0x16d: {  	v4 =	vld [tilespmem:s7+$0x12030]  }
0x16e: {  	[tilespmem:s7+$0xC000] =	vst v2;
	v3 =	vadd.f32 v5, v6;
	v1 =	vld [tilespmem:s7+$0x4040]  }
0x16f: {  	v2 =	vld [tilespmem:s7+$0x12040]  }
0x170: {  	s15 =	sadd.s32 $0x400, s15;
	[tilespmem:s7+$0xC010] =	vst v3;
	v5 =	vadd.f32 v7, v8;
	v3 =	vld [tilespmem:s7+$0x4050]  }
0x171: {  	v6 =	vld [tilespmem:s7+$0x12050]  }
0x172: {  	v7 =	vld [tilespmem:s7+$0x4060]  }
0x173: {  	v8 =	vld [tilespmem:s7+$0x12060];
	_ =	sdelay $0x1  }
0x174: {  	v0 =	vadd.f32 v4, v0  }
0x175: {  	[tilespmem:s7+$0xC020] =	vst v5;
	v1 =	vadd.f32 v2, v1  }
0x176: {  	[tilespmem:s7+$0xC030] =	vst v0;
	v0 =	vadd.f32 v6, v3  }
0x177: {  	[tilespmem:s7+$0xC040] =	vst v1;
	v1 =	vadd.f32 v8, v7  }
0x178: {  	[tilespmem:s7+$0xC050] =	vst v0  }
0x179: {  	[tilespmem:s7+$0xC060] =	vst v1  }
0x17a: {  	s3 =	simm.s32 $0x0;
	s23 =	simm.s32 $0xC000;
	s1 =	rddreg [dreg:$0x15]  }
0x17b: {  	[hbm4b:s1+s3] =	stream.linear.scatter [tilespmem:s23], [sflag:$0x7], $0x2000, $0x38;
	[tilespmem:$0x14000] =	vst v63  }
0x17c: {  	s30 =	simm.s32 $0x4000;
	s25 =	rddreg [dreg:$0x1a]  }
0x17d: {  	[tilespmem:s30], [sflag:$0x3] =	stream.linear.gather [hbm4b:s25+s3], $0x2000, $0x38;
	[tilespmem:$0x14000] =	vst v63  }
0x17e: {  	_ =	swait.ge [sflag:s29], $0x2000  }
0x17f: {  	[sflag:s29] =	ssyncset.done $0x0  }
0x180: {  	[sflag:s29] =	ssyncadd.s32 $0xFFFFE000  }
0x181: {  	s31 =	sand.u32 $0x1C00, s3;
	_ =	swait.ge [sflag:s14], $0x2000  }
0x182: {  	s9 =	sor.u32 s31, s3;
	[sflag:s14] =	ssyncset.done $0x0  }
0x183: {  	s9 =	sor.u32 $0x70, s9;
	[sflag:s14] =	ssyncadd.s32 $0xFFFFE000  }
0x184: {  	s15 =	sand.u32 $0x380, s3;
	v0 =	vld [tilespmem:s9+$0x6000]  }
0x185: {  	s7 =	sor.u32 s15, s31;
	v1 =	vld [tilespmem:s9+$0x12000]  }
0x186: {  	v2 =	vld [tilespmem:s7+$0x6000]  }
0x187: {  	v3 =	vld [tilespmem:s7+$0x12000]  }
0x188: {  	v5 =	vld [tilespmem:s7+$0x6010]  }
0x189: {  	v6 =	vld [tilespmem:s7+$0x12010]  }
0x18a: {  	v7 =	vld [tilespmem:s7+$0x6020]  }
0x18b: {  	v63 =	vld [tilespmem:s7+$0x12020]  }
0x18c: {  	v4 =	vld [tilespmem:s7+$0x12030];
	v1 =	vadd.f32 v1, v0  }
0x18d: {  	v0 =	vld [tilespmem:s7+$0x6030];
	v2 =	vadd.f32 v3, v2  }
0x18e: {  	v3 =	vadd.f32 v6, v5;
	[tilespmem:s9+$0xE000] =	vst v1;
	v1 =	vld [tilespmem:s7+$0x6040]  }
0x18f: {  	[tilespmem:s7+$0xE000] =	vst v2;
	v2 =	vld [tilespmem:s7+$0x12040]  }
0x190: {  	s15 =	simm.s32 $0x400;
	v5 =	vadd.f32 v63, v7;
	s9 =	simm.s32 $0x0;
	[tilespmem:s7+$0xE010] =	vst v3;
	v3 =	vld [tilespmem:s7+$0x6050]  }
.LBB2_16:
0x191: {  	s16 =	sand.u32 $0x1C00, s15;
	v6 =	vld [tilespmem:s7+$0x12050];
	s3 =	sadd.s32 $0x10, s3  }
0x192: {  	s9 =	sadd.s32 $0x8, s9;
	s17 =	sand.u32 $0x380, s3;
	s18 =	sor.u32 s16, s3;
	[tilespmem:s7+$0xE020] =	vst v5;
	v0 =	vadd.f32 v4, v0;
	v4 =	vld [tilespmem:s7+$0x6060]  }
0x193: {  	p0 =	slt.u32 s9, $0x1F8;
	s16 =	sor.u32 s17, s16;
	s17 =	sor.u32 $0x70, s18;
	v5 =	vld [tilespmem:s7+$0x12060]  }
0x194: {  	v7 =	vld [tilespmem:s17+$0x6000];
	[tilespmem:s7+$0xE030] =	vst v0;
	v0 =	vadd.f32 v2, v1  }
0x195: {  	v1 =	vld [tilespmem:s17+$0x12000]  }
0x196: {  	v2 =	vld [tilespmem:s16+$0x6000];
	[tilespmem:s7+$0xE040] =	vst v0;
	v0 =	vadd.f32 v6, v3  }
0x197: {  	v3 =	vld [tilespmem:s16+$0x12000]  }
0x198: {  	v6 =	vld [tilespmem:s16+$0x6010];
	[tilespmem:s7+$0xE050] =	vst v0;
	v0 =	vadd.f32 v5, v4  }
0x199: {  	v5 =	vld [tilespmem:s16+$0x12010]  }
0x19a: {  	v8 =	vld [tilespmem:s16+$0x6020];
	v1 =	vadd.f32 v1, v7;
	[tilespmem:s7+$0xE060] =	vst v0;
	s7 =	smov.u32 s16  }
0x19b: {  	v7 =	vld [tilespmem:s7+$0x12020]  }
.Ltmp7:
0x19c: {  	v2 =	vadd.f32 v3, v2;
	v0 =	vld [tilespmem:s7+$0x6030];
	[tilespmem:s17+$0xE000] =	vst v1;
	(pc) =	sbr.rel @p0 .LBB2_16-.Ltmp7, $4  }
0x19d: {  	v4 =	vld [tilespmem:s7+$0x12030]  }
0x19e: {  	[tilespmem:s7+$0xE000] =	vst v2;
	v3 =	vadd.f32 v5, v6;
	v1 =	vld [tilespmem:s7+$0x6040]  }
0x19f: {  	v2 =	vld [tilespmem:s7+$0x12040]  }
0x1a0: {  	s15 =	sadd.s32 $0x400, s15;
	[tilespmem:s7+$0xE010] =	vst v3;
	v5 =	vadd.f32 v7, v8;
	v3 =	vld [tilespmem:s7+$0x6050]  }
0x1a1: {  	v6 =	vld [tilespmem:s7+$0x12050]  }
0x1a2: {  	v7 =	vld [tilespmem:s7+$0x6060]  }
0x1a3: {  	v8 =	vld [tilespmem:s7+$0x12060];
	_ =	sdelay $0x1  }
0x1a4: {  	v0 =	vadd.f32 v4, v0  }
0x1a5: {  	[tilespmem:s7+$0xE020] =	vst v5;
	v1 =	vadd.f32 v2, v1  }
0x1a6: {  	[tilespmem:s7+$0xE030] =	vst v0;
	v62 =	vadd.f32 v6, v3  }
0x1a7: {  	[tilespmem:s7+$0xE040] =	vst v1;
	v63 =	vadd.f32 v8, v7  }
0x1a8: {  	[tilespmem:s7+$0xE050] =	vst v62  }
0x1a9: {  	[tilespmem:s7+$0xE060] =	vst v63  }
0x1aa: {  	s9 =	simm.s32 $0x0;
	s3 =	simm.s32 $0xE000;
	s1 =	rddreg [dreg:$0x17]  }
0x1ab: {  	[hbm4b:s1+s9] =	stream.linear.scatter [tilespmem:s3], [sflag:$0x8], $0x2000, $0x38;
	[tilespmem:$0x14000] =	vst v63  }
0x1ac: {  	s25 =	rddreg [dreg:$0x1c]  }
0x1ad: {  	[tilespmem:s22], [sflag:$0x4] =	stream.linear.gather [hbm4b:s25+s9], $0x2000, $0x38;
	[tilespmem:$0x14000] =	vst v63  }
0x1ae: {  	s31 =	simm.s32 $0x12000;
	s7 =	simm.s32 $0x0;
	s30 =	rddreg [dreg:$0x1d]  }
0x1af: {  	[tilespmem:s31], [sflag:$0xA] =	stream.linear.gather [hbm4b:s30+s9], $0x2000, $0x38;
	[tilespmem:$0x14000] =	vst v63  }
.LBB2_18:
0x1b0: {  	_ =	swait.ge [sflag:s21], $0x2000  }
0x1b1: {  	[sflag:s21] =	ssyncset.done $0x0  }
0x1b2: {  	[sflag:s21] =	ssyncadd.s32 $0xFFFFE000  }
0x1b3: {  	_ =	swait.ge [sflag:s19], $0x2000  }
0x1b4: {  	[sflag:s19] =	ssyncset.done $0x0  }
0x1b5: {  	[sflag:s19] =	ssyncadd.s32 $0xFFFFE000  }
0x1b6: {  	s3 =	sand.u32 $0x1C00, s9;
	_ =	swait.ge [sflag:s0], $0x2000  }
0x1b7: {  	s15 =	sor.u32 s3, s9;
	[sflag:s0] =	ssyncset.done $0x0  }
0x1b8: {  	s15 =	sor.u32 $0x70, s15;
	[sflag:s0] =	ssyncadd.s32 $0xFFFFE000  }
0x1b9: {  	s16 =	sand.u32 $0x380, s9;
	v0 =	vld [tilespmem:s15+$0x0]  }
0x1ba: {  	s3 =	sor.u32 s16, s3;
	v1 =	vld [tilespmem:s15+$0x10000]  }
0x1bb: {  	v2 =	vld [tilespmem:s3+$0x0]  }
0x1bc: {  	v3 =	vld [tilespmem:s3+$0x10000]  }
0x1bd: {  	v5 =	vld [tilespmem:s3+$0x10]  }
0x1be: {  	v6 =	vld [tilespmem:s3+$0x10010]  }
0x1bf: {  	v7 =	vld [tilespmem:s3+$0x20]  }
0x1c0: {  	v8 =	vld [tilespmem:s3+$0x10020]  }
0x1c1: {  	v4 =	vld [tilespmem:s3+$0x10030];
	v1 =	vadd.f32 v1, v0  }
0x1c2: {  	v0 =	vld [tilespmem:s3+$0x30];
	v2 =	vadd.f32 v3, v2  }
0x1c3: {  	v5 =	vadd.f32 v6, v5;
	v3 =	vld [tilespmem:s3+$0x10040];
	[tilespmem:s15+$0x8000] =	vst v1  }
0x1c4: {  	v1 =	vld [tilespmem:s3+$0x40];
	[tilespmem:s3+$0x8000] =	vst v2  }
0x1c5: {  	s17 =	simm.s32 $0x0;
	s16 =	simm.s32 $0x400;
	s15 =	simm.s32 $0x0;
	[tilespmem:s3+$0x8010] =	vst v5;
	v5 =	vadd.f32 v8, v7;
	v2 =	vld [tilespmem:s3+$0x50]  }
.LBB2_19:
0x1c6: {  	s18 =	sand.u32 $0x1C00, s16;
	v6 =	vld [tilespmem:s3+$0x10050];
	s17 =	sadd.s32 $0x10, s17  }
0x1c7: {  	s15 =	sadd.s32 $0x8, s15;
	s19 =	sand.u32 $0x380, s17;
	s23 =	sor.u32 s18, s17;
	[tilespmem:s3+$0x8020] =	vst v5;
	v0 =	vadd.f32 v4, v0;
	v4 =	vld [tilespmem:s3+$0x60]  }
0x1c8: {  	p0 =	slt.u32 s15, $0x1F8;
	s18 =	sor.u32 s19, s18;
	s19 =	sor.u32 $0x70, s23;
	v5 =	vld [tilespmem:s3+$0x10060]  }
0x1c9: {  	v7 =	vld [tilespmem:s19+$0x0];
	[tilespmem:s3+$0x8030] =	vst v0;
	v0 =	vadd.f32 v3, v1  }
0x1ca: {  	v1 =	vld [tilespmem:s19+$0x10000]  }
0x1cb: {  	v3 =	vld [tilespmem:s18+$0x0];
	[tilespmem:s3+$0x8040] =	vst v0;
	v0 =	vadd.f32 v6, v2  }
0x1cc: {  	v2 =	vld [tilespmem:s18+$0x10000]  }
0x1cd: {  	v6 =	vld [tilespmem:s18+$0x10];
	[tilespmem:s3+$0x8050] =	vst v0;
	v0 =	vadd.f32 v5, v4  }
0x1ce: {  	v5 =	vld [tilespmem:s18+$0x10010]  }
0x1cf: {  	v8 =	vld [tilespmem:s18+$0x20];
	v1 =	vadd.f32 v1, v7;
	[tilespmem:s3+$0x8060] =	vst v0;
	s3 =	smov.u32 s18  }
0x1d0: {  	v7 =	vld [tilespmem:s3+$0x10020]  }
.Ltmp8:
0x1d1: {  	v2 =	vadd.f32 v2, v3;
	v0 =	vld [tilespmem:s3+$0x30];
	[tilespmem:s19+$0x8000] =	vst v1;
	(pc) =	sbr.rel @p0 .LBB2_19-.Ltmp8, $4  }
0x1d2: {  	v4 =	vld [tilespmem:s3+$0x10030]  }
0x1d3: {  	[tilespmem:s3+$0x8000] =	vst v2;
	v2 =	vadd.f32 v5, v6;
	v1 =	vld [tilespmem:s3+$0x40]  }
0x1d4: {  	v3 =	vld [tilespmem:s3+$0x10040]  }
0x1d5: {  	s16 =	sadd.s32 $0x400, s16;
	[tilespmem:s3+$0x8010] =	vst v2;
	v5 =	vadd.f32 v7, v8;
	v2 =	vld [tilespmem:s3+$0x50]  }
0x1d6: {  	v6 =	vld [tilespmem:s3+$0x10050]  }
0x1d7: {  	v7 =	vld [tilespmem:s3+$0x60]  }
0x1d8: {  	v8 =	vld [tilespmem:s3+$0x10060];
	_ =	sdelay $0x1  }
0x1d9: {  	v0 =	vadd.f32 v4, v0  }
0x1da: {  	s7 =	sadd.s32 $0x1, s7;
	[tilespmem:s3+$0x8020] =	vst v5;
	v1 =	vadd.f32 v3, v1  }
0x1db: {  	s16 =	sshll.u32 s7, $0x4;
	[tilespmem:s3+$0x8030] =	vst v0;
	v0 =	vadd.f32 v6, v2  }
0x1dc: {  	s15 =	sadd.s32 s6, s16;
	[tilespmem:s3+$0x8040] =	vst v1;
	v1 =	vadd.f32 v8, v7  }
0x1dd: {  	s15 =	sshll.u32 s15, $0x7;
	[tilespmem:s3+$0x8050] =	vst v0  }
0x1de: {  	s15 =	sadd.s32 s4, s15;
	[tilespmem:s3+$0x8060] =	vst v1;
	s3 =	simm.s32 $0x0  }
0x1df: {  	[hbm4b:s15+s3] =	stream.linear.scatter [tilespmem:s28], [sflag:$0x5], $0x2000, $0x38;
	[tilespmem:$0x14000] =	vst v63  }
0x1e0: {  	s15 =	sor.u32 $0x8, s16  }
0x1e1: {  	s17 =	sadd.s32 s6, s15  }
0x1e2: {  	s17 =	sshll.u32 s17, $0x7  }
0x1e3: {  	s18 =	sadd.s32 s2, s17  }
0x1e4: {  	[tilespmem:s3], [sflag:$0x1] =	stream.linear.gather [hbm4b:s18+s3], $0x2000, $0x38;
	[tilespmem:$0x14000] =	vst v63  }
0x1e5: {  	_ =	swait.ge [sflag:s24], $0x2000  }
0x1e6: {  	[sflag:s24] =	ssyncset.done $0x0  }
0x1e7: {  	[sflag:s24] =	ssyncadd.s32 $0xFFFFE000  }
0x1e8: {  	s31 =	sand.u32 $0x1C00, s3;
	_ =	swait.ge [sflag:s8], $0x2000  }
0x1e9: {  	s19 =	sor.u32 s31, s3;
	[sflag:s8] =	ssyncset.done $0x0  }
0x1ea: {  	s19 =	sor.u32 $0x70, s19;
	[sflag:s8] =	ssyncadd.s32 $0xFFFFE000  }
0x1eb: {  	s23 =	sand.u32 $0x380, s3;
	v0 =	vld [tilespmem:s19+$0x2000]  }
0x1ec: {  	s23 =	sor.u32 s23, s31;
	v1 =	vld [tilespmem:s19+$0x10000]  }
0x1ed: {  	v2 =	vld [tilespmem:s23+$0x2000]  }
0x1ee: {  	v3 =	vld [tilespmem:s23+$0x10000]  }
0x1ef: {  	v5 =	vld [tilespmem:s23+$0x2010]  }
0x1f0: {  	v6 =	vld [tilespmem:s23+$0x10010]  }
0x1f1: {  	v7 =	vld [tilespmem:s23+$0x2020]  }
0x1f2: {  	v63 =	vld [tilespmem:s23+$0x10020]  }
0x1f3: {  	v4 =	vld [tilespmem:s23+$0x10030];
	v1 =	vadd.f32 v1, v0  }
0x1f4: {  	v0 =	vld [tilespmem:s23+$0x2030];
	v2 =	vadd.f32 v3, v2  }
0x1f5: {  	v3 =	vadd.f32 v6, v5;
	[tilespmem:s19+$0xA000] =	vst v1;
	v1 =	vld [tilespmem:s23+$0x2040]  }
0x1f6: {  	[tilespmem:s23+$0xA000] =	vst v2;
	v2 =	vld [tilespmem:s23+$0x10040]  }
0x1f7: {  	s25 =	simm.s32 $0x0;
	s18 =	simm.s32 $0x400;
	v5 =	vadd.f32 v63, v7;
	[tilespmem:s23+$0xA010] =	vst v3;
	v3 =	vld [tilespmem:s23+$0x2050]  }
.LBB2_21:
0x1f8: {  	s19 =	sand.u32 $0x1C00, s18;
	v6 =	vld [tilespmem:s23+$0x10050];
	s3 =	sadd.s32 $0x10, s3  }
0x1f9: {  	s25 =	sadd.s32 $0x8, s25;
	s28 =	sand.u32 $0x380, s3;
	s30 =	sor.u32 s19, s3;
	[tilespmem:s23+$0xA020] =	vst v5;
	v0 =	vadd.f32 v4, v0;
	v4 =	vld [tilespmem:s23+$0x2060]  }
0x1fa: {  	p0 =	slt.u32 s25, $0x1F8;
	s19 =	sor.u32 s28, s19;
	s28 =	sor.u32 $0x70, s30;
	v5 =	vld [tilespmem:s23+$0x10060]  }
0x1fb: {  	v7 =	vld [tilespmem:s28+$0x2000];
	[tilespmem:s23+$0xA030] =	vst v0;
	v0 =	vadd.f32 v2, v1  }
0x1fc: {  	v1 =	vld [tilespmem:s28+$0x10000]  }
0x1fd: {  	v2 =	vld [tilespmem:s19+$0x2000];
	[tilespmem:s23+$0xA040] =	vst v0;
	v0 =	vadd.f32 v6, v3  }
0x1fe: {  	v3 =	vld [tilespmem:s19+$0x10000]  }
0x1ff: {  	v6 =	vld [tilespmem:s19+$0x2010];
	[tilespmem:s23+$0xA050] =	vst v0;
	v0 =	vadd.f32 v5, v4  }
0x200: {  	v5 =	vld [tilespmem:s19+$0x10010]  }
0x201: {  	v8 =	vld [tilespmem:s19+$0x2020];
	v1 =	vadd.f32 v1, v7;
	[tilespmem:s23+$0xA060] =	vst v0;
	s23 =	smov.u32 s19  }
0x202: {  	v7 =	vld [tilespmem:s23+$0x10020]  }
.Ltmp9:
0x203: {  	v2 =	vadd.f32 v3, v2;
	v0 =	vld [tilespmem:s23+$0x2030];
	[tilespmem:s28+$0xA000] =	vst v1;
	(pc) =	sbr.rel @p0 .LBB2_21-.Ltmp9, $4  }
0x204: {  	v4 =	vld [tilespmem:s23+$0x10030]  }
0x205: {  	[tilespmem:s23+$0xA000] =	vst v2;
	v3 =	vadd.f32 v5, v6;
	v1 =	vld [tilespmem:s23+$0x2040]  }
0x206: {  	v2 =	vld [tilespmem:s23+$0x10040]  }
0x207: {  	s18 =	sadd.s32 $0x400, s18;
	[tilespmem:s23+$0xA010] =	vst v3;
	v5 =	vadd.f32 v7, v8;
	v3 =	vld [tilespmem:s23+$0x2050]  }
0x208: {  	v6 =	vld [tilespmem:s23+$0x10050]  }
0x209: {  	v7 =	vld [tilespmem:s23+$0x2060]  }
0x20a: {  	v8 =	vld [tilespmem:s23+$0x10060];
	_ =	sdelay $0x1  }
0x20b: {  	v0 =	vadd.f32 v4, v0  }
0x20c: {  	[tilespmem:s23+$0xA020] =	vst v5;
	v1 =	vadd.f32 v2, v1  }
0x20d: {  	[tilespmem:s23+$0xA030] =	vst v0;
	v0 =	vadd.f32 v6, v3  }
0x20e: {  	s3 =	sadd.s32 s10, s16;
	[tilespmem:s23+$0xA040] =	vst v1;
	v1 =	vadd.f32 v8, v7  }
0x20f: {  	s25 =	simm.s32 $0x0;
	s3 =	sshll.u32 s3, $0x7;
	[tilespmem:s23+$0xA050] =	vst v0  }
0x210: {  	s1 =	simm.s32 $0xA000;
	s20 =	sadd.s32 s10, s15;
	s3 =	sadd.s32 s4, s3;
	[tilespmem:s23+$0xA060] =	vst v1  }
0x211: {  	[hbm4b:s3+s25] =	stream.linear.scatter [tilespmem:s1], [sflag:$0x6], $0x2000, $0x38;
	[tilespmem:$0x14000] =	vst v63  }
0x212: {  	s3 =	sshll.u32 s20, $0x7  }
0x213: {  	s23 =	simm.s32 $0x2000;
	s18 =	sadd.s32 s2, s3  }
0x214: {  	[tilespmem:s23], [sflag:$0x2] =	stream.linear.gather [hbm4b:s18+s25], $0x2000, $0x38;
	[tilespmem:$0x14000] =	vst v63  }
0x215: {  	_ =	swait.ge [sflag:s26], $0x2000  }
0x216: {  	[sflag:s26] =	ssyncset.done $0x0  }
0x217: {  	[sflag:s26] =	ssyncadd.s32 $0xFFFFE000  }
0x218: {  	s30 =	sand.u32 $0x1C00, s25;
	_ =	swait.ge [sflag:s13], $0x2000  }
0x219: {  	s19 =	sor.u32 s30, s25;
	[sflag:s13] =	ssyncset.done $0x0  }
0x21a: {  	s19 =	sor.u32 $0x70, s19;
	[sflag:s13] =	ssyncadd.s32 $0xFFFFE000  }
0x21b: {  	s31 =	sand.u32 $0x380, s25;
	v0 =	vld [tilespmem:s19+$0x4000]  }
0x21c: {  	s23 =	sor.u32 s31, s30;
	v1 =	vld [tilespmem:s19+$0x10000]  }
0x21d: {  	v2 =	vld [tilespmem:s23+$0x4000]  }
0x21e: {  	v3 =	vld [tilespmem:s23+$0x10000]  }
0x21f: {  	v5 =	vld [tilespmem:s23+$0x4010]  }
0x220: {  	v6 =	vld [tilespmem:s23+$0x10010]  }
0x221: {  	v7 =	vld [tilespmem:s23+$0x4020]  }
0x222: {  	v63 =	vld [tilespmem:s23+$0x10020]  }
0x223: {  	v4 =	vld [tilespmem:s23+$0x10030];
	v0 =	vadd.f32 v1, v0  }
0x224: {  	v1 =	vld [tilespmem:s23+$0x4030];
	v2 =	vadd.f32 v3, v2  }
0x225: {  	v5 =	vadd.f32 v6, v5;
	v3 =	vld [tilespmem:s23+$0x10040];
	[tilespmem:s19+$0xC000] =	vst v0  }
0x226: {  	v0 =	vld [tilespmem:s23+$0x4040];
	[tilespmem:s23+$0xC000] =	vst v2  }
0x227: {  	s28 =	simm.s32 $0x0;
	s18 =	simm.s32 $0x400;
	[tilespmem:s23+$0xC010] =	vst v5;
	v5 =	vadd.f32 v63, v7;
	v2 =	vld [tilespmem:s23+$0x4050]  }
.LBB2_23:
0x228: {  	s19 =	sand.u32 $0x1C00, s18;
	v6 =	vld [tilespmem:s23+$0x10050];
	s25 =	sadd.s32 $0x10, s25  }
0x229: {  	s28 =	sadd.s32 $0x8, s28;
	s30 =	sand.u32 $0x380, s25;
	s31 =	sor.u32 s19, s25;
	[tilespmem:s23+$0xC020] =	vst v5;
	v1 =	vadd.f32 v4, v1;
	v4 =	vld [tilespmem:s23+$0x4060]  }
0x22a: {  	p0 =	slt.u32 s28, $0x1F8;
	s19 =	sor.u32 s30, s19;
	s30 =	sor.u32 $0x70, s31;
	v5 =	vld [tilespmem:s23+$0x10060]  }
0x22b: {  	v7 =	vld [tilespmem:s30+$0x4000];
	[tilespmem:s23+$0xC030] =	vst v1;
	v0 =	vadd.f32 v3, v0  }
0x22c: {  	v1 =	vld [tilespmem:s30+$0x10000]  }
0x22d: {  	v3 =	vld [tilespmem:s19+$0x4000];
	[tilespmem:s23+$0xC040] =	vst v0;
	v0 =	vadd.f32 v6, v2  }
0x22e: {  	v2 =	vld [tilespmem:s19+$0x10000]  }
0x22f: {  	v6 =	vld [tilespmem:s19+$0x4010];
	[tilespmem:s23+$0xC050] =	vst v0;
	v0 =	vadd.f32 v5, v4  }
0x230: {  	v5 =	vld [tilespmem:s19+$0x10010]  }
0x231: {  	v8 =	vld [tilespmem:s19+$0x4020];
	v4 =	vadd.f32 v1, v7;
	[tilespmem:s23+$0xC060] =	vst v0;
	s23 =	smov.u32 s19  }
0x232: {  	v7 =	vld [tilespmem:s23+$0x10020]  }
.Ltmp10:
0x233: {  	v0 =	vadd.f32 v2, v3;
	v1 =	vld [tilespmem:s23+$0x4030];
	[tilespmem:s30+$0xC000] =	vst v4;
	(pc) =	sbr.rel @p0 .LBB2_23-.Ltmp10, $4  }
0x234: {  	v4 =	vld [tilespmem:s23+$0x10030]  }
0x235: {  	[tilespmem:s23+$0xC000] =	vst v0;
	v2 =	vadd.f32 v5, v6;
	v0 =	vld [tilespmem:s23+$0x4040]  }
0x236: {  	v3 =	vld [tilespmem:s23+$0x10040]  }
0x237: {  	s18 =	sadd.s32 $0x400, s18;
	[tilespmem:s23+$0xC010] =	vst v2;
	v5 =	vadd.f32 v7, v8;
	v2 =	vld [tilespmem:s23+$0x4050]  }
0x238: {  	v6 =	vld [tilespmem:s23+$0x10050]  }
0x239: {  	v7 =	vld [tilespmem:s23+$0x4060]  }
0x23a: {  	v8 =	vld [tilespmem:s23+$0x10060];
	s18 =	sadd.s32 s11, s16  }
0x23b: {  	p0 =	slt.s32 s18, $0x7FF8  }
0x23c: {  	v1 =	vadd.f32 v4, v1;
	s18 =	simm.s32 @!p0 $0x7FF8  }
0x23d: {  	[tilespmem:s23+$0xC020] =	vst v5;
	v0 =	vadd.f32 v3, v0;
	s19 =	sshll.u32 s18, $0x7  }
0x23e: {  	[tilespmem:s23+$0xC030] =	vst v1;
	s18 =	sshll.u32 s18, $0xA;
	s19 =	sand.u32 $0x380, s19;
	v1 =	vadd.f32 v6, v2  }
0x23f: {  	[tilespmem:s23+$0xC040] =	vst v0;
	v0 =	vadd.f32 v8, v7;
	s18 =	sor.u32 s18, s19  }
0x240: {  	s18 =	sshrl.u32 s18, $0x3;
	[tilespmem:s23+$0xC050] =	vst v1  }
0x241: {  	s1 =	simm.s32 $0xC000;
	[tilespmem:s23+$0xC060] =	vst v0;
	s18 =	sadd.s32 s4, s18;
	s23 =	simm.s32 $0x0  }
0x242: {  	[hbm4b:s18+s23] =	stream.linear.scatter [tilespmem:s1], [sflag:$0x7], $0x2000, $0x38;
	[tilespmem:$0x14000] =	vst v63  }
0x243: {  	s18 =	sadd.s32 s11, s15  }
0x244: {  	p0 =	slt.s32 s18, $0x7FF8  }
0x245: {  	s18 =	simm.s32 @!p0 $0x7FF8  }
0x246: {  	s1 =	sshll.u32 s18, $0x7  }
0x247: {  	s18 =	sshll.u32 s18, $0xA;
	s19 =	sand.u32 $0x380, s1  }
0x248: {  	s18 =	sor.u32 s18, s19  }
0x249: {  	s31 =	sshrl.u32 s18, $0x3  }
0x24a: {  	s19 =	simm.s32 $0x4000;
	s18 =	sadd.s32 s2, s31  }
0x24b: {  	[tilespmem:s19], [sflag:$0x3] =	stream.linear.gather [hbm4b:s18+s23], $0x2000, $0x38;
	[tilespmem:$0x14000] =	vst v63  }
0x24c: {  	_ =	swait.ge [sflag:s29], $0x2000  }
0x24d: {  	[sflag:s29] =	ssyncset.done $0x0  }
0x24e: {  	[sflag:s29] =	ssyncadd.s32 $0xFFFFE000  }
0x24f: {  	s20 =	sand.u32 $0x1C00, s23;
	_ =	swait.ge [sflag:s14], $0x2000  }
0x250: {  	s30 =	sor.u32 s20, s23;
	[sflag:s14] =	ssyncset.done $0x0  }
0x251: {  	s19 =	sor.u32 $0x70, s30;
	[sflag:s14] =	ssyncadd.s32 $0xFFFFE000  }
0x252: {  	s25 =	sand.u32 $0x380, s23;
	v0 =	vld [tilespmem:s19+$0x6000]  }
0x253: {  	s25 =	sor.u32 s25, s20;
	v1 =	vld [tilespmem:s19+$0x10000]  }
0x254: {  	v2 =	vld [tilespmem:s25+$0x6000]  }
0x255: {  	v3 =	vld [tilespmem:s25+$0x10000]  }
0x256: {  	v5 =	vld [tilespmem:s25+$0x6010]  }
0x257: {  	v6 =	vld [tilespmem:s25+$0x10010]  }
0x258: {  	v7 =	vld [tilespmem:s25+$0x6020]  }
0x259: {  	v63 =	vld [tilespmem:s25+$0x10020]  }
0x25a: {  	v4 =	vld [tilespmem:s25+$0x10030];
	v0 =	vadd.f32 v1, v0  }
0x25b: {  	v1 =	vld [tilespmem:s25+$0x6030];
	v2 =	vadd.f32 v3, v2  }
0x25c: {  	v5 =	vadd.f32 v6, v5;
	v3 =	vld [tilespmem:s25+$0x10040];
	[tilespmem:s19+$0xE000] =	vst v0  }
0x25d: {  	v0 =	vld [tilespmem:s25+$0x6040];
	[tilespmem:s25+$0xE000] =	vst v2  }
0x25e: {  	s28 =	simm.s32 $0x0;
	s18 =	simm.s32 $0x400;
	[tilespmem:s25+$0xE010] =	vst v5;
	v5 =	vadd.f32 v63, v7;
	v2 =	vld [tilespmem:s25+$0x6050]  }
.LBB2_25:
0x25f: {  	s19 =	sand.u32 $0x1C00, s18;
	v6 =	vld [tilespmem:s25+$0x10050];
	s23 =	sadd.s32 $0x10, s23  }
0x260: {  	s28 =	sadd.s32 $0x8, s28;
	s30 =	sand.u32 $0x380, s23;
	s20 =	sor.u32 s19, s23;
	[tilespmem:s25+$0xE020] =	vst v5;
	v1 =	vadd.f32 v4, v1;
	v4 =	vld [tilespmem:s25+$0x6060]  }
0x261: {  	p0 =	slt.u32 s28, $0x1F8;
	s19 =	sor.u32 s30, s19;
	s20 =	sor.u32 $0x70, s20;
	v5 =	vld [tilespmem:s25+$0x10060]  }
0x262: {  	v7 =	vld [tilespmem:s20+$0x6000];
	[tilespmem:s25+$0xE030] =	vst v1;
	v0 =	vadd.f32 v3, v0  }
0x263: {  	v1 =	vld [tilespmem:s20+$0x10000]  }
0x264: {  	v3 =	vld [tilespmem:s19+$0x6000];
	[tilespmem:s25+$0xE040] =	vst v0;
	v0 =	vadd.f32 v6, v2  }
0x265: {  	v2 =	vld [tilespmem:s19+$0x10000]  }
0x266: {  	v6 =	vld [tilespmem:s19+$0x6010];
	[tilespmem:s25+$0xE050] =	vst v0;
	v0 =	vadd.f32 v5, v4  }
0x267: {  	v5 =	vld [tilespmem:s19+$0x10010]  }
0x268: {  	v8 =	vld [tilespmem:s19+$0x6020];
	v4 =	vadd.f32 v1, v7;
	[tilespmem:s25+$0xE060] =	vst v0;
	s25 =	smov.u32 s19  }
0x269: {  	v7 =	vld [tilespmem:s25+$0x10020]  }
.Ltmp11:
0x26a: {  	v0 =	vadd.f32 v2, v3;
	v1 =	vld [tilespmem:s25+$0x6030];
	[tilespmem:s20+$0xE000] =	vst v4;
	(pc) =	sbr.rel @p0 .LBB2_25-.Ltmp11, $4  }
0x26b: {  	v4 =	vld [tilespmem:s25+$0x10030]  }
0x26c: {  	[tilespmem:s25+$0xE000] =	vst v0;
	v2 =	vadd.f32 v5, v6;
	v0 =	vld [tilespmem:s25+$0x6040]  }
0x26d: {  	v3 =	vld [tilespmem:s25+$0x10040]  }
0x26e: {  	s18 =	sadd.s32 $0x400, s18;
	[tilespmem:s25+$0xE010] =	vst v2;
	v5 =	vadd.f32 v7, v8;
	v2 =	vld [tilespmem:s25+$0x6050]  }
0x26f: {  	v6 =	vld [tilespmem:s25+$0x10050]  }
0x270: {  	v7 =	vld [tilespmem:s25+$0x6060]  }
0x271: {  	v8 =	vld [tilespmem:s25+$0x10060];
	s18 =	sadd.s32 s12, s16  }
0x272: {  	p0 =	slt.s32 s18, $0x7FF8  }
0x273: {  	v1 =	vadd.f32 v4, v1;
	s18 =	simm.s32 @!p0 $0x7FF8  }
0x274: {  	[tilespmem:s25+$0xE020] =	vst v5;
	v0 =	vadd.f32 v3, v0;
	s19 =	sshll.u32 s18, $0x7  }
0x275: {  	[tilespmem:s25+$0xE030] =	vst v1;
	s18 =	sshll.u32 s18, $0xA;
	s19 =	sand.u32 $0x380, s19;
	v1 =	vadd.f32 v6, v2  }
0x276: {  	s15 =	sadd.s32 s12, s15;
	[tilespmem:s25+$0xE040] =	vst v0;
	v0 =	vadd.f32 v8, v7;
	s18 =	sor.u32 s18, s19  }
0x277: {  	s28 =	simm.s32 $0x0;
	p0 =	slt.s32 s15, $0x7FF8;
	s18 =	sshrl.u32 s18, $0x3;
	[tilespmem:s25+$0xE050] =	vst v1  }
0x278: {  	s1 =	simm.s32 $0xE000;
	s15 =	simm.s32 @!p0 $0x7FF8;
	[tilespmem:s25+$0xE060] =	vst v0;
	s18 =	sadd.s32 s4, s18  }
0x279: {  	[hbm4b:s18+s28] =	stream.linear.scatter [tilespmem:s1], [sflag:$0x8], $0x2000, $0x38;
	[tilespmem:$0x14000] =	vst v63  }
0x27a: {  	s23 =	sadd.s32 $0x10, s16;
	s1 =	sshll.u32 s15, $0x7  }
0x27b: {  	s25 =	sadd.s32 s6, s23;
	s15 =	sshll.u32 s15, $0xA;
	s18 =	sand.u32 $0x380, s1  }
0x27c: {  	p0 =	slt.s32 s25, $0x1FF8;
	s15 =	sor.u32 s15, s18;
	s18 =	smov.u32 s25  }
0x27d: {  	s15 =	sshrl.u32 s15, $0x3;
	s18 =	simm.s32 @!p0 $0x1FF8  }
0x27e: {  	s19 =	sadd.s32 s2, s15;
	s18 =	sshll.u32 s18, $0x7  }
0x27f: {  	[tilespmem:s22], [sflag:$0x4] =	stream.linear.gather [hbm4b:s19+s28], $0x2000, $0x38;
	[tilespmem:$0x14000] =	vst v63  }
0x280: {  	s20 =	simm.s32 $0x10000;
	s18 =	sadd.s32 s5, s18  }
0x281: {  	[tilespmem:s20], [sflag:$0x9] =	stream.linear.gather [hbm4b:s18+s28], $0x2000, $0x38;
	[tilespmem:$0x14000] =	vst v63  }
0x282: {  	_ =	swait.ge [sflag:s21], $0x2000  }
0x283: {  	[sflag:s21] =	ssyncset.done $0x0  }
0x284: {  	s22 =	simm.s32 $0xA;
	[sflag:s21] =	ssyncadd.s32 $0xFFFFE000  }
0x285: {  	_ =	swait.ge [sflag:s22], $0x2000  }
0x286: {  	[sflag:s22] =	ssyncset.done $0x0  }
0x287: {  	[sflag:s22] =	ssyncadd.s32 $0xFFFFE000  }
0x288: {  	s1 =	smov.u32 s5;
	s5 =	sand.u32 $0x1C00, s28;
	_ =	swait.ge [sflag:s0], $0x2000  }
0x289: {  	s22 =	sor.u32 s5, s28;
	[sflag:s0] =	ssyncset.done $0x0  }
0x28a: {  	s19 =	sor.u32 $0x70, s22;
	[sflag:s0] =	ssyncadd.s32 $0xFFFFE000  }
0x28b: {  	s20 =	sand.u32 $0x380, s28;
	v0 =	vld [tilespmem:s19+$0x0]  }
0x28c: {  	s30 =	sor.u32 s20, s5;
	v1 =	vld [tilespmem:s19+$0x12000]  }
0x28d: {  	v2 =	vld [tilespmem:s30+$0x0]  }
0x28e: {  	v3 =	vld [tilespmem:s30+$0x12000]  }
0x28f: {  	v5 =	vld [tilespmem:s30+$0x10]  }
0x290: {  	v6 =	vld [tilespmem:s30+$0x12010]  }
0x291: {  	v7 =	vld [tilespmem:s30+$0x20]  }
0x292: {  	v63 =	vld [tilespmem:s30+$0x12020]  }
0x293: {  	v4 =	vld [tilespmem:s30+$0x12030];
	v1 =	vadd.f32 v1, v0  }
0x294: {  	v0 =	vld [tilespmem:s30+$0x30];
	v2 =	vadd.f32 v3, v2  }
0x295: {  	v3 =	vadd.f32 v6, v5;
	[tilespmem:s19+$0x8000] =	vst v1;
	v1 =	vld [tilespmem:s30+$0x40]  }
0x296: {  	[tilespmem:s30+$0x8000] =	vst v2;
	v2 =	vld [tilespmem:s30+$0x12040]  }
0x297: {  	s18 =	simm.s32 $0x0;
	v5 =	vadd.f32 v63, v7;
	[tilespmem:s30+$0x8010] =	vst v3;
	v3 =	vld [tilespmem:s30+$0x50];
	s19 =	simm.s32 $0x400  }
.LBB2_27:
0x298: {  	s20 =	sand.u32 $0x1C00, s19;
	v6 =	vld [tilespmem:s30+$0x12050];
	s28 =	sadd.s32 $0x10, s28  }
0x299: {  	s18 =	sadd.s32 $0x8, s18;
	s22 =	sand.u32 $0x380, s28;
	s5 =	sor.u32 s20, s28;
	[tilespmem:s30+$0x8020] =	vst v5;
	v0 =	vadd.f32 v4, v0;
	v4 =	vld [tilespmem:s30+$0x60]  }
0x29a: {  	p0 =	slt.u32 s18, $0x1F8;
	s20 =	sor.u32 s22, s20;
	s5 =	sor.u32 $0x70, s5;
	v5 =	vld [tilespmem:s30+$0x12060]  }
0x29b: {  	v7 =	vld [tilespmem:s5+$0x0];
	[tilespmem:s30+$0x8030] =	vst v0;
	v0 =	vadd.f32 v2, v1  }
0x29c: {  	v1 =	vld [tilespmem:s5+$0x12000]  }
0x29d: {  	v2 =	vld [tilespmem:s20+$0x0];
	[tilespmem:s30+$0x8040] =	vst v0;
	v0 =	vadd.f32 v6, v3  }
0x29e: {  	v3 =	vld [tilespmem:s20+$0x12000]  }
0x29f: {  	v6 =	vld [tilespmem:s20+$0x10];
	[tilespmem:s30+$0x8050] =	vst v0;
	v0 =	vadd.f32 v5, v4  }
0x2a0: {  	v5 =	vld [tilespmem:s20+$0x12010]  }
0x2a1: {  	v8 =	vld [tilespmem:s20+$0x20];
	v1 =	vadd.f32 v1, v7;
	[tilespmem:s30+$0x8060] =	vst v0;
	s30 =	smov.u32 s20  }
0x2a2: {  	v7 =	vld [tilespmem:s30+$0x12020]  }
.Ltmp12:
0x2a3: {  	v2 =	vadd.f32 v3, v2;
	v0 =	vld [tilespmem:s30+$0x30];
	[tilespmem:s5+$0x8000] =	vst v1;
	(pc) =	sbr.rel @p0 .LBB2_27-.Ltmp12, $4  }
0x2a4: {  	v4 =	vld [tilespmem:s30+$0x12030]  }
0x2a5: {  	[tilespmem:s30+$0x8000] =	vst v2;
	v3 =	vadd.f32 v5, v6;
	v1 =	vld [tilespmem:s30+$0x40]  }
0x2a6: {  	v2 =	vld [tilespmem:s30+$0x12040]  }
0x2a7: {  	s19 =	sadd.s32 $0x400, s19;
	[tilespmem:s30+$0x8010] =	vst v3;
	v5 =	vadd.f32 v7, v8;
	v3 =	vld [tilespmem:s30+$0x50]  }
0x2a8: {  	v6 =	vld [tilespmem:s30+$0x12050]  }
0x2a9: {  	v7 =	vld [tilespmem:s30+$0x60]  }
0x2aa: {  	v8 =	vld [tilespmem:s30+$0x12060];
	_ =	sdelay $0x1  }
0x2ab: {  	v0 =	vadd.f32 v4, v0  }
0x2ac: {  	[tilespmem:s30+$0x8020] =	vst v5;
	v1 =	vadd.f32 v2, v1  }
0x2ad: {  	[tilespmem:s30+$0x8030] =	vst v0;
	v0 =	vadd.f32 v6, v3  }
0x2ae: {  	[tilespmem:s30+$0x8040] =	vst v1;
	v1 =	vadd.f32 v8, v7  }
0x2af: {  	s5 =	sadd.s32 s4, s17;
	[tilespmem:s30+$0x8050] =	vst v0  }
0x2b0: {  	s17 =	simm.s32 $0x0;
	s28 =	simm.s32 $0x8000;
	s25 =	sshll.u32 s25, $0x7;
	[tilespmem:s30+$0x8060] =	vst v1  }
0x2b1: {  	[hbm4b:s5+s17] =	stream.linear.scatter [tilespmem:s28], [sflag:$0x5], $0x2000, $0x38;
	[tilespmem:$0x14000] =	vst v63  }
0x2b2: {  	s5 =	sadd.s32 s2, s25  }
0x2b3: {  	[tilespmem:s17], [sflag:$0x1] =	stream.linear.gather [hbm4b:s5+s17], $0x2000, $0x38;
	[tilespmem:$0x14000] =	vst v63  }
0x2b4: {  	_ =	swait.ge [sflag:s24], $0x2000  }
0x2b5: {  	[sflag:s24] =	ssyncset.done $0x0  }
0x2b6: {  	[sflag:s24] =	ssyncadd.s32 $0xFFFFE000  }
0x2b7: {  	s30 =	sand.u32 $0x1C00, s17;
	_ =	swait.ge [sflag:s8], $0x2000  }
0x2b8: {  	s18 =	sor.u32 s30, s17;
	[sflag:s8] =	ssyncset.done $0x0  }
0x2b9: {  	s18 =	sor.u32 $0x70, s18;
	[sflag:s8] =	ssyncadd.s32 $0xFFFFE000  }
0x2ba: {  	s19 =	sand.u32 $0x380, s17;
	v0 =	vld [tilespmem:s18+$0x2000]  }
0x2bb: {  	s25 =	sor.u32 s19, s30;
	v1 =	vld [tilespmem:s18+$0x12000]  }
0x2bc: {  	v2 =	vld [tilespmem:s25+$0x2000]  }
0x2bd: {  	v3 =	vld [tilespmem:s25+$0x12000]  }
0x2be: {  	v5 =	vld [tilespmem:s25+$0x2010]  }
0x2bf: {  	v6 =	vld [tilespmem:s25+$0x12010]  }
0x2c0: {  	v7 =	vld [tilespmem:s25+$0x2020]  }
0x2c1: {  	v63 =	vld [tilespmem:s25+$0x12020]  }
0x2c2: {  	v4 =	vld [tilespmem:s25+$0x12030];
	v1 =	vadd.f32 v1, v0  }
0x2c3: {  	v0 =	vld [tilespmem:s25+$0x2030];
	v2 =	vadd.f32 v3, v2  }
0x2c4: {  	v3 =	vadd.f32 v6, v5;
	[tilespmem:s18+$0xA000] =	vst v1;
	v1 =	vld [tilespmem:s25+$0x2040]  }
0x2c5: {  	[tilespmem:s25+$0xA000] =	vst v2;
	v2 =	vld [tilespmem:s25+$0x12040]  }
0x2c6: {  	s19 =	simm.s32 $0x400;
	v5 =	vadd.f32 v63, v7;
	s18 =	simm.s32 $0x0;
	[tilespmem:s25+$0xA010] =	vst v3;
	v3 =	vld [tilespmem:s25+$0x2050]  }
.LBB2_29:
0x2c7: {  	s5 =	sand.u32 $0x1C00, s19;
	v6 =	vld [tilespmem:s25+$0x12050];
	s17 =	sadd.s32 $0x10, s17  }
0x2c8: {  	s18 =	sadd.s32 $0x8, s18;
	s20 =	sand.u32 $0x380, s17;
	s22 =	sor.u32 s5, s17;
	[tilespmem:s25+$0xA020] =	vst v5;
	v0 =	vadd.f32 v4, v0;
	v4 =	vld [tilespmem:s25+$0x2060]  }
0x2c9: {  	p0 =	slt.u32 s18, $0x1F8;
	s5 =	sor.u32 s20, s5;
	s20 =	sor.u32 $0x70, s22;
	v5 =	vld [tilespmem:s25+$0x12060]  }
0x2ca: {  	v7 =	vld [tilespmem:s20+$0x2000];
	[tilespmem:s25+$0xA030] =	vst v0;
	v0 =	vadd.f32 v2, v1  }
0x2cb: {  	v1 =	vld [tilespmem:s20+$0x12000]  }
0x2cc: {  	v2 =	vld [tilespmem:s5+$0x2000];
	[tilespmem:s25+$0xA040] =	vst v0;
	v0 =	vadd.f32 v6, v3  }
0x2cd: {  	v3 =	vld [tilespmem:s5+$0x12000]  }
0x2ce: {  	v6 =	vld [tilespmem:s5+$0x2010];
	[tilespmem:s25+$0xA050] =	vst v0;
	v0 =	vadd.f32 v5, v4  }
0x2cf: {  	v5 =	vld [tilespmem:s5+$0x12010]  }
0x2d0: {  	v8 =	vld [tilespmem:s5+$0x2020];
	v1 =	vadd.f32 v1, v7;
	[tilespmem:s25+$0xA060] =	vst v0;
	s25 =	smov.u32 s5  }
0x2d1: {  	v7 =	vld [tilespmem:s25+$0x12020]  }
.Ltmp13:
0x2d2: {  	v2 =	vadd.f32 v3, v2;
	v0 =	vld [tilespmem:s25+$0x2030];
	[tilespmem:s20+$0xA000] =	vst v1;
	(pc) =	sbr.rel @p0 .LBB2_29-.Ltmp13, $4  }
0x2d3: {  	v4 =	vld [tilespmem:s25+$0x12030]  }
0x2d4: {  	[tilespmem:s25+$0xA000] =	vst v2;
	v3 =	vadd.f32 v5, v6;
	v1 =	vld [tilespmem:s25+$0x2040]  }
0x2d5: {  	v2 =	vld [tilespmem:s25+$0x12040]  }
0x2d6: {  	s19 =	sadd.s32 $0x400, s19;
	[tilespmem:s25+$0xA010] =	vst v3;
	v5 =	vadd.f32 v7, v8;
	v3 =	vld [tilespmem:s25+$0x2050]  }
0x2d7: {  	v6 =	vld [tilespmem:s25+$0x12050]  }
0x2d8: {  	v7 =	vld [tilespmem:s25+$0x2060]  }
0x2d9: {  	v8 =	vld [tilespmem:s25+$0x12060];
	_ =	sdelay $0x1  }
0x2da: {  	v0 =	vadd.f32 v4, v0  }
0x2db: {  	[tilespmem:s25+$0xA020] =	vst v5;
	v1 =	vadd.f32 v2, v1  }
0x2dc: {  	[tilespmem:s25+$0xA030] =	vst v0;
	v0 =	vadd.f32 v6, v3  }
0x2dd: {  	[tilespmem:s25+$0xA040] =	vst v1;
	v1 =	vadd.f32 v8, v7  }
0x2de: {  	s5 =	sadd.s32 s4, s3;
	[tilespmem:s25+$0xA050] =	vst v0  }
0x2df: {  	s3 =	simm.s32 $0x0;
	s17 =	simm.s32 $0xA000;
	s19 =	sadd.s32 s10, s23;
	[tilespmem:s25+$0xA060] =	vst v1  }
0x2e0: {  	[hbm4b:s5+s3] =	stream.linear.scatter [tilespmem:s17], [sflag:$0x6], $0x2000, $0x38;
	[tilespmem:$0x14000] =	vst v63  }
0x2e1: {  	s5 =	sshll.u32 s19, $0x7  }
0x2e2: {  	s20 =	simm.s32 $0x2000;
	s5 =	sadd.s32 s2, s5  }
0x2e3: {  	[tilespmem:s20], [sflag:$0x2] =	stream.linear.gather [hbm4b:s5+s3], $0x2000, $0x38;
	[tilespmem:$0x14000] =	vst v63  }
0x2e4: {  	_ =	swait.ge [sflag:s26], $0x2000  }
0x2e5: {  	[sflag:s26] =	ssyncset.done $0x0  }
0x2e6: {  	[sflag:s26] =	ssyncadd.s32 $0xFFFFE000  }
0x2e7: {  	s22 =	sand.u32 $0x1C00, s3;
	_ =	swait.ge [sflag:s13], $0x2000  }
0x2e8: {  	s25 =	sor.u32 s22, s3;
	[sflag:s13] =	ssyncset.done $0x0  }
0x2e9: {  	s18 =	sor.u32 $0x70, s25;
	[sflag:s13] =	ssyncadd.s32 $0xFFFFE000  }
0x2ea: {  	s30 =	sand.u32 $0x380, s3;
	v0 =	vld [tilespmem:s18+$0x4000]  }
0x2eb: {  	s17 =	sor.u32 s30, s22;
	v1 =	vld [tilespmem:s18+$0x12000]  }
0x2ec: {  	v2 =	vld [tilespmem:s17+$0x4000]  }
0x2ed: {  	v3 =	vld [tilespmem:s17+$0x12000]  }
0x2ee: {  	v5 =	vld [tilespmem:s17+$0x4010]  }
0x2ef: {  	v6 =	vld [tilespmem:s17+$0x12010]  }
0x2f0: {  	v7 =	vld [tilespmem:s17+$0x4020]  }
0x2f1: {  	v63 =	vld [tilespmem:s17+$0x12020]  }
0x2f2: {  	v4 =	vld [tilespmem:s17+$0x12030];
	v1 =	vadd.f32 v1, v0  }
0x2f3: {  	v0 =	vld [tilespmem:s17+$0x4030];
	v2 =	vadd.f32 v3, v2  }
0x2f4: {  	v3 =	vadd.f32 v6, v5;
	[tilespmem:s18+$0xC000] =	vst v1;
	v1 =	vld [tilespmem:s17+$0x4040]  }
0x2f5: {  	[tilespmem:s17+$0xC000] =	vst v2;
	v2 =	vld [tilespmem:s17+$0x12040]  }
0x2f6: {  	s19 =	simm.s32 $0x400;
	v5 =	vadd.f32 v63, v7;
	s18 =	simm.s32 $0x0;
	[tilespmem:s17+$0xC010] =	vst v3;
	v3 =	vld [tilespmem:s17+$0x4050]  }
.LBB2_31:
0x2f7: {  	s5 =	sand.u32 $0x1C00, s19;
	v6 =	vld [tilespmem:s17+$0x12050];
	s3 =	sadd.s32 $0x10, s3  }
0x2f8: {  	s18 =	sadd.s32 $0x8, s18;
	s20 =	sand.u32 $0x380, s3;
	s22 =	sor.u32 s5, s3;
	[tilespmem:s17+$0xC020] =	vst v5;
	v0 =	vadd.f32 v4, v0;
	v4 =	vld [tilespmem:s17+$0x4060]  }
0x2f9: {  	p0 =	slt.u32 s18, $0x1F8;
	s5 =	sor.u32 s20, s5;
	s20 =	sor.u32 $0x70, s22;
	v5 =	vld [tilespmem:s17+$0x12060]  }
0x2fa: {  	v7 =	vld [tilespmem:s20+$0x4000];
	[tilespmem:s17+$0xC030] =	vst v0;
	v0 =	vadd.f32 v2, v1  }
0x2fb: {  	v1 =	vld [tilespmem:s20+$0x12000]  }
0x2fc: {  	v2 =	vld [tilespmem:s5+$0x4000];
	[tilespmem:s17+$0xC040] =	vst v0;
	v0 =	vadd.f32 v6, v3  }
0x2fd: {  	v3 =	vld [tilespmem:s5+$0x12000]  }
0x2fe: {  	v6 =	vld [tilespmem:s5+$0x4010];
	[tilespmem:s17+$0xC050] =	vst v0;
	v0 =	vadd.f32 v5, v4  }
0x2ff: {  	v5 =	vld [tilespmem:s5+$0x12010]  }
0x300: {  	v8 =	vld [tilespmem:s5+$0x4020];
	v1 =	vadd.f32 v1, v7;
	[tilespmem:s17+$0xC060] =	vst v0;
	s17 =	smov.u32 s5  }
0x301: {  	v7 =	vld [tilespmem:s17+$0x12020]  }
.Ltmp14:
0x302: {  	v2 =	vadd.f32 v3, v2;
	v0 =	vld [tilespmem:s17+$0x4030];
	[tilespmem:s20+$0xC000] =	vst v1;
	(pc) =	sbr.rel @p0 .LBB2_31-.Ltmp14, $4  }
0x303: {  	v4 =	vld [tilespmem:s17+$0x12030]  }
0x304: {  	[tilespmem:s17+$0xC000] =	vst v2;
	v3 =	vadd.f32 v5, v6;
	v1 =	vld [tilespmem:s17+$0x4040]  }
0x305: {  	v2 =	vld [tilespmem:s17+$0x12040]  }
0x306: {  	s19 =	sadd.s32 $0x400, s19;
	[tilespmem:s17+$0xC010] =	vst v3;
	v5 =	vadd.f32 v7, v8;
	v3 =	vld [tilespmem:s17+$0x4050]  }
0x307: {  	v6 =	vld [tilespmem:s17+$0x12050]  }
0x308: {  	v7 =	vld [tilespmem:s17+$0x4060]  }
0x309: {  	v8 =	vld [tilespmem:s17+$0x12060];
	_ =	sdelay $0x1  }
0x30a: {  	v0 =	vadd.f32 v4, v0  }
0x30b: {  	[tilespmem:s17+$0xC020] =	vst v5;
	v1 =	vadd.f32 v2, v1  }
0x30c: {  	[tilespmem:s17+$0xC030] =	vst v0;
	v0 =	vadd.f32 v6, v3  }
0x30d: {  	[tilespmem:s17+$0xC040] =	vst v1;
	v1 =	vadd.f32 v8, v7  }
0x30e: {  	[tilespmem:s17+$0xC050] =	vst v0  }
0x30f: {  	s5 =	sadd.s32 s4, s31;
	s3 =	simm.s32 $0x0;
	s19 =	simm.s32 $0xC000;
	[tilespmem:s17+$0xC060] =	vst v1  }
0x310: {  	[hbm4b:s5+s3] =	stream.linear.scatter [tilespmem:s19], [sflag:$0x7], $0x2000, $0x38;
	[tilespmem:$0x14000] =	vst v63  }
0x311: {  	s5 =	sadd.s32 s11, s23  }
0x312: {  	p0 =	slt.s32 s5, $0x7FF8  }
0x313: {  	s5 =	simm.s32 @!p0 $0x7FF8  }
0x314: {  	s20 =	sshll.u32 s5, $0x7  }
0x315: {  	s5 =	sshll.u32 s5, $0xA;
	s17 =	sand.u32 $0x380, s20  }
0x316: {  	s5 =	sor.u32 s5, s17  }
0x317: {  	s5 =	sshrl.u32 s5, $0x3  }
0x318: {  	s22 =	simm.s32 $0x4000;
	s5 =	sadd.s32 s2, s5  }
0x319: {  	[tilespmem:s22], [sflag:$0x3] =	stream.linear.gather [hbm4b:s5+s3], $0x2000, $0x38;
	[tilespmem:$0x14000] =	vst v63  }
0x31a: {  	_ =	swait.ge [sflag:s29], $0x2000  }
0x31b: {  	[sflag:s29] =	ssyncset.done $0x0  }
0x31c: {  	[sflag:s29] =	ssyncadd.s32 $0xFFFFE000  }
0x31d: {  	s25 =	sand.u32 $0x1C00, s3;
	_ =	swait.ge [sflag:s14], $0x2000  }
0x31e: {  	s30 =	sor.u32 s25, s3;
	[sflag:s14] =	ssyncset.done $0x0  }
0x31f: {  	s18 =	sor.u32 $0x70, s30;
	[sflag:s14] =	ssyncadd.s32 $0xFFFFE000  }
0x320: {  	s31 =	sand.u32 $0x380, s3;
	v0 =	vld [tilespmem:s18+$0x6000]  }
0x321: {  	s17 =	sor.u32 s31, s25;
	v1 =	vld [tilespmem:s18+$0x12000]  }
0x322: {  	v2 =	vld [tilespmem:s17+$0x6000]  }
0x323: {  	v3 =	vld [tilespmem:s17+$0x12000]  }
0x324: {  	v5 =	vld [tilespmem:s17+$0x6010]  }
0x325: {  	v6 =	vld [tilespmem:s17+$0x12010]  }
0x326: {  	v7 =	vld [tilespmem:s17+$0x6020]  }
0x327: {  	v63 =	vld [tilespmem:s17+$0x12020]  }
0x328: {  	v4 =	vld [tilespmem:s17+$0x12030];
	v1 =	vadd.f32 v1, v0  }
0x329: {  	v0 =	vld [tilespmem:s17+$0x6030];
	v2 =	vadd.f32 v3, v2  }
0x32a: {  	v3 =	vadd.f32 v6, v5;
	[tilespmem:s18+$0xE000] =	vst v1;
	v1 =	vld [tilespmem:s17+$0x6040]  }
0x32b: {  	[tilespmem:s17+$0xE000] =	vst v2;
	v2 =	vld [tilespmem:s17+$0x12040]  }
0x32c: {  	s19 =	simm.s32 $0x400;
	v5 =	vadd.f32 v63, v7;
	s18 =	simm.s32 $0x0;
	[tilespmem:s17+$0xE010] =	vst v3;
	v3 =	vld [tilespmem:s17+$0x6050]  }
.LBB2_33:
0x32d: {  	s5 =	sand.u32 $0x1C00, s19;
	v6 =	vld [tilespmem:s17+$0x12050];
	s3 =	sadd.s32 $0x10, s3  }
0x32e: {  	s18 =	sadd.s32 $0x8, s18;
	s20 =	sand.u32 $0x380, s3;
	s22 =	sor.u32 s5, s3;
	[tilespmem:s17+$0xE020] =	vst v5;
	v0 =	vadd.f32 v4, v0;
	v4 =	vld [tilespmem:s17+$0x6060]  }
0x32f: {  	p0 =	slt.u32 s18, $0x1F8;
	s5 =	sor.u32 s20, s5;
	s20 =	sor.u32 $0x70, s22;
	v5 =	vld [tilespmem:s17+$0x12060]  }
0x330: {  	v7 =	vld [tilespmem:s20+$0x6000];
	[tilespmem:s17+$0xE030] =	vst v0;
	v0 =	vadd.f32 v2, v1  }
0x331: {  	v1 =	vld [tilespmem:s20+$0x12000]  }
0x332: {  	v2 =	vld [tilespmem:s5+$0x6000];
	[tilespmem:s17+$0xE040] =	vst v0;
	v0 =	vadd.f32 v6, v3  }
0x333: {  	v3 =	vld [tilespmem:s5+$0x12000]  }
0x334: {  	v6 =	vld [tilespmem:s5+$0x6010];
	[tilespmem:s17+$0xE050] =	vst v0;
	v0 =	vadd.f32 v5, v4  }
0x335: {  	v5 =	vld [tilespmem:s5+$0x12010]  }
0x336: {  	v8 =	vld [tilespmem:s5+$0x6020];
	v1 =	vadd.f32 v1, v7;
	[tilespmem:s17+$0xE060] =	vst v0;
	s17 =	smov.u32 s5  }
0x337: {  	v7 =	vld [tilespmem:s17+$0x12020]  }
.Ltmp15:
0x338: {  	v2 =	vadd.f32 v3, v2;
	v0 =	vld [tilespmem:s17+$0x6030];
	[tilespmem:s20+$0xE000] =	vst v1;
	(pc) =	sbr.rel @p0 .LBB2_33-.Ltmp15, $4  }
0x339: {  	v4 =	vld [tilespmem:s17+$0x12030]  }
0x33a: {  	[tilespmem:s17+$0xE000] =	vst v2;
	v3 =	vadd.f32 v5, v6;
	v1 =	vld [tilespmem:s17+$0x6040]  }
0x33b: {  	v2 =	vld [tilespmem:s17+$0x12040]  }
0x33c: {  	s19 =	sadd.s32 $0x400, s19;
	[tilespmem:s17+$0xE010] =	vst v3;
	v5 =	vadd.f32 v7, v8;
	v3 =	vld [tilespmem:s17+$0x6050]  }
0x33d: {  	v6 =	vld [tilespmem:s17+$0x12050]  }
0x33e: {  	v7 =	vld [tilespmem:s17+$0x6060]  }
0x33f: {  	v8 =	vld [tilespmem:s17+$0x12060];
	_ =	sdelay $0x1  }
0x340: {  	v0 =	vadd.f32 v4, v0  }
0x341: {  	[tilespmem:s17+$0xE020] =	vst v5;
	v1 =	vadd.f32 v2, v1  }
0x342: {  	[tilespmem:s17+$0xE030] =	vst v0;
	v62 =	vadd.f32 v6, v3  }
0x343: {  	[tilespmem:s17+$0xE040] =	vst v1;
	v63 =	vadd.f32 v8, v7  }
0x344: {  	[tilespmem:s17+$0xE050] =	vst v62  }
0x345: {  	s3 =	sadd.s32 s4, s15;
	s20 =	simm.s32 $0x0;
	s5 =	simm.s32 $0xE000;
	[tilespmem:s17+$0xE060] =	vst v63  }
0x346: {  	[hbm4b:s3+s20] =	stream.linear.scatter [tilespmem:s5], [sflag:$0x8], $0x2000, $0x38;
	[tilespmem:$0x14000] =	vst v63  }
0x347: {  	s3 =	sadd.s32 s12, s23  }
0x348: {  	p0 =	slt.s32 s3, $0x7FF8  }
0x349: {  	s3 =	simm.s32 @!p0 $0x7FF8  }
0x34a: {  	s23 =	sshll.u32 s3, $0x7  }
0x34b: {  	s3 =	sshll.u32 s3, $0xA;
	s5 =	sand.u32 $0x380, s23  }
0x34c: {  	s3 =	sor.u32 s3, s5  }
0x34d: {  	s3 =	sshrl.u32 s3, $0x3  }
0x34e: {  	s22 =	simm.s32 $0x6000;
	s25 =	rddreg [dreg:$0x1e];
	s3 =	sadd.s32 s2, s3  }
0x34f: {  	[tilespmem:s22], [sflag:$0x4] =	stream.linear.gather [hbm4b:s3+s20], $0x2000, $0x38;
	[tilespmem:$0x14000] =	vst v63  }
0x350: {  	s3 =	sadd.s32 s16, s25  }
0x351: {  	s31 =	rddreg [dreg:$0x18];
	p0 =	slt.s32 s3, $0x1FF8  }
0x352: {  	s3 =	simm.s32 @!p0 $0x1FF8;
	p0 =	sne.s32 s7, s31  }
.Ltmp16:
0x353: {  	_ = 	snop;
	(pc) =	sbr.rel @p0 .LBB2_18-.Ltmp16, $4  }
0x354: {  	_ = 	snop  }
0x355: {  	s30 =	simm.s32 $0x12000;
	s3 =	sshll.u32 s3, $0x7  }
0x356: {  	s19 =	simm.s32 $0x9;
	s5 =	smov.u32 s1;
	s3 =	sadd.s32 s1, s3  }
0x357: {  	[tilespmem:s30], [sflag:$0xA] =	stream.linear.gather [hbm4b:s3+s20], $0x2000, $0x38;
	[tilespmem:$0x14000] =	vst v63  }
0x358: {  	_ =	swait.ge [sflag:s0], $0x2000  }
0x359: {  	[sflag:s0] =	ssyncset.done $0x0  }
0x35a: {  	[sflag:s0] =	ssyncadd.s32 $0xFFFFE000  }
0x35b: {  	_ =	swait.ge [sflag:s21], $0x2000  }
0x35c: {  	[sflag:s21] =	ssyncset.done $0x0  }
0x35d: {  	[sflag:s21] =	ssyncadd.s32 $0xFFFFE000  }
0x35e: {  	_ =	swait.ge [sflag:s8], $0x2000  }
0x35f: {  	[sflag:s8] =	ssyncset.done $0x0  }
0x360: {  	[sflag:s8] =	ssyncadd.s32 $0xFFFFE000  }
0x361: {  	_ =	swait.ge [sflag:s24], $0x2000  }
0x362: {  	[sflag:s24] =	ssyncset.done $0x0  }
0x363: {  	[sflag:s24] =	ssyncadd.s32 $0xFFFFE000  }
0x364: {  	_ =	swait.ge [sflag:s13], $0x2000  }
0x365: {  	[sflag:s13] =	ssyncset.done $0x0  }
0x366: {  	[sflag:s13] =	ssyncadd.s32 $0xFFFFE000  }
0x367: {  	_ =	swait.ge [sflag:s26], $0x2000  }
0x368: {  	[sflag:s26] =	ssyncset.done $0x0  }
0x369: {  	[sflag:s26] =	ssyncadd.s32 $0xFFFFE000  }
0x36a: {  	_ =	swait.ge [sflag:s14], $0x2000  }
0x36b: {  	[sflag:s14] =	ssyncset.done $0x0  }
0x36c: {  	[sflag:s14] =	ssyncadd.s32 $0xFFFFE000  }
0x36d: {  	_ =	swait.ge [sflag:s29], $0x2000  }
0x36e: {  	[sflag:s29] =	ssyncset.done $0x0  }
0x36f: {  	[sflag:s29] =	ssyncadd.s32 $0xFFFFE000  }
0x370: {  	_ =	swait.ge [sflag:s19], $0x2000  }
0x371: {  	[sflag:s19] =	ssyncset.done $0x0  }
0x372: {  	s3 =	simm.s32 $0xA;
	[sflag:s19] =	ssyncadd.s32 $0xFFFFE000  }
0x373: {  	_ =	swait.ge [sflag:s3], $0x2000  }
0x374: {  	s7 =	rddreg [dreg:$0x1f]  }
0x375: {  	s1 =	rddreg [dreg:$0x1b];
	s7 =	sadd.s32 $0x1, s7  }
0x376: {  	p0 =	sne.s32 s7, s1  }
.Ltmp17:
0x377: {  	_ = 	snop;
	(pc) =	sbr.rel @p0 .LBB2_1-.Ltmp17, $3  }
0x378: {  	_ =	sdelay $0x1  }
0x379: {  	[sflag:s3] =	ssyncset.done $0x0  }
0x37a: {  	[sflag:s3] =	ssyncadd.s32 $0xFFFFE000  }
0x37b: {  	_ =	sfence.sel $0x180000  }
0x37c: {  	[bflag:$0x0] =	sbarrier.arrive $0xFFFF  }
0x37d: {  	_ =	strace $0x90000047  }
0x37e: {  	s0 =	stileid.u32;
	[bflag:$0x2] =	sbarrier.arrive $0xFFFF  }
0x37f: {  	p0 =	sne.s32 s0, $0x0;
	s0 =	rddreg [dreg:$0x3]  }
0x380: {  	s0 =	sadd.s32 @!p0 $0x100000, s0  }
0x381: {  	[sflag:s0] =	ssyncadd.tile.s32 @!p0 $0x1;
	_ =	shalt  }
.Lfunc_end2:
_tile_overlayer_lowered:
.L_overlay_start_2:
0x382: {  	(tag) =	ssettag $0x2  }
0x383: {  	s0 =	rddreg [dreg:$0x0];
	s2 =	stileid.u32  }
0x384: {  	s1 =	rddreg [dreg:$0x1];
	p0 =	sne.s32 s2, $0x0  }
0x385: {  	s3 =	rddreg [dreg:$0x2];
	[bflag:$0x3] =	sbarrier.arrive $0xFFFF;
	s2 =	simm.s32 @!p0 $0x1C0B  }
0x386: {  	[timem:s3], [sflag:s2] =	dma.local @!p0 [hbm:s0], s1  }
0x387: {  	s0 =	simm.s32 @!p0 $0xB  }
0x388: {  	_ =	swait.ge @!p0 [sflag:s0], s1  }
0x389: {  	s1 =	ssub.s32 @!p0 $0x0, s1;
	[sflag:s0] =	ssyncset.done @!p0 $0x0  }
0x38a: {  	[sflag:s0] =	ssyncadd.s32 @!p0 s1  }
0x38b: {  	[bflag:$0x3] =	sbarrier.arrive $0xFFFF  }
0x38c: {  	_ =	shalt  }

</sc_bundles>
